<compile_context>
chip_gen: v7x
topology: tpu7x:2x2x1
jax: 0.10.2.dev20260603
libtpu: 0.0.44.dev20260713+nightly
codegen_flags: <defaults>
</compile_context>

<pallas_src>
import functools

import jax
import jax.numpy as jnp
from jax import lax
from jax.experimental import pallas as pl
from jax.experimental.pallas import tpu as pltpu
from jax.experimental.pallas import tpu_sc as plsc

D = 128
B = 100000
NC = 2
NS = 16
CHUNK = 128
N_GLOBAL = 800
B_PAD = N_GLOBAL * CHUNK
NBUF = 3
FAST_N = 31
SLOW_N = 19
SLOW_BASE = NS * FAST_N
LAST_FULL = (B // CHUNK) - 1
PART = B // CHUNK
PART_ROWS = B - PART * CHUNK
assert SLOW_BASE + (NS - 1) * SLOW_N == PART
assert (SLOW_BASE + (NS - 1) * SLOW_N) * CHUNK + PART_ROWS == B


@functools.partial(
    pl.kernel,
    mesh=plsc.VectorSubcoreMesh(core_axis_name="c", subcore_axis_name="s"),
    out_type=jax.ShapeDtypeStruct((B, D), jnp.float32),
    scratch_types=[
        pltpu.VMEM((FAST_N * CHUNK,), jnp.int32),
        pltpu.VMEM((NBUF * CHUNK, D), jnp.float32),
    ] + [pltpu.SemaphoreType.DMA] * NBUF,
)
def _sc_gather(idx_hbm, table_hbm, out_hbm, idx_v, ring, s0, s1, s2):
    cid = lax.axis_index("c")
    sid = lax.axis_index("s")
    sems = (s0, s1, s2)

    def maybe_fire(c, j, b):
        @pl.when(c <= LAST_FULL)
        def _():
            pltpu.async_copy(
                table_hbm.at[idx_v.at[pl.ds(j * CHUNK, CHUNK)]],
                ring.at[pl.ds(b * CHUNK, CHUNK)],
                sems[b])

        @pl.when(c == PART)
        def _():
            pltpu.async_copy(
                table_hbm.at[idx_v.at[pl.ds(j * CHUNK, PART_ROWS)]],
                ring.at[pl.ds(b * CHUNK, PART_ROWS)],
                sems[b])

    def maybe_drain(c, b):
        @pl.when(c <= LAST_FULL)
        def _():
            pltpu.make_async_copy(
                table_hbm.at[pl.ds(0, CHUNK)],
                ring.at[pl.ds(b * CHUNK, CHUNK)], sems[b]).wait()

        @pl.when(c == PART)
        def _():
            pltpu.make_async_copy(
                table_hbm.at[pl.ds(0, PART_ROWS)],
                ring.at[pl.ds(b * CHUNK, PART_ROWS)], sems[b]).wait()

    def write(c, b):
        @pl.when(c <= LAST_FULL)
        def _():
            pltpu.sync_copy(
                ring.at[pl.ds(b * CHUNK, CHUNK)],
                out_hbm.at[pl.ds(c * CHUNK, CHUNK)])

        @pl.when(c == PART)
        def _():
            pltpu.sync_copy(
                ring.at[pl.ds(b * CHUNK, PART_ROWS)],
                out_hbm.at[pl.ds(c * CHUNK, PART_ROWS)])

    def pipeline(base, n):
        @pl.when(base + n <= PART + 1)
        def _():
            pltpu.sync_copy(
                idx_hbm.at[pl.ds(base * CHUNK, n * CHUNK)],
                idx_v.at[pl.ds(0, n * CHUNK)])

        @pl.when(base + n > PART + 1)
        def _():
            pltpu.sync_copy(
                idx_hbm.at[pl.ds(base * CHUNK, PART_ROWS)],
                idx_v.at[pl.ds(0, PART_ROWS)])

        for b in range(NBUF):
            maybe_fire(base + b, b, b)

        niter = (n - NBUF) // NBUF

        def body(g, carry):
            for b in range(NBUF):
                j = NBUF * g + b
                maybe_drain(base + j, b)
                write(base + j, b)
                maybe_fire(base + j + NBUF, j + NBUF, b)
            return carry

        lax.fori_loop(0, niter, body, 0)

        for j in range(NBUF * niter, n):
            b = j % NBUF
            maybe_drain(base + j, b)
            write(base + j, b)
            if j + NBUF <= n - 1:
                maybe_fire(base + j + NBUF, j + NBUF, b)

    @pl.when(cid == 0)
    def _():
        pipeline(sid * FAST_N, FAST_N)

    @pl.when(cid == 1)
    def _():
        pipeline(SLOW_BASE + sid * SLOW_N, SLOW_N)


def kernel(source_nodes, source_node_raw_features, timestamps, n_layers,
           node_old_embedding, time_W, time_b):
    return _sc_gather(source_nodes.astype(jnp.int32), node_old_embedding)

# --- scband reference (transcript-rebuilt; emitter-appended) ---
"""Pipeline reference for scband-graph-embedding-30897994727677 (READ-ONLY COPY).

The authoritative reference and input builder live on the scoring server;
editing this copy changes nothing except your own understanding.
"""

import jax, jax.numpy as jnp
import numpy as np

N_NODES = 100000
D_FEAT = 128      # n_node_features == embedding_dimension
N_TIME = 128      # n_time_features
BATCH = 100000


def setup_inputs(seed: int = 0) -> dict:
    key = jax.random.key(seed)
    ks = jax.random.split(key, 6)
    # forward args per input_specs
    source_nodes = jax.random.randint(ks[0], (BATCH,), 0, N_NODES, dtype=jnp.int32)
    source_node_raw_features = jax.random.normal(ks[1], (BATCH, D_FEAT), dtype=jnp.float32)
    timestamps = jax.random.uniform(ks[2], (BATCH,), dtype=jnp.float32)
    # learned / stored state (materialized object init args)
    # node_old_embedding is initialized from node_features in __init__
    node_old_embedding = jax.random.normal(ks[3], (N_NODES, D_FEAT), dtype=jnp.float32)
    # TGN-style time encoder parameters: t -> cos(t * w + b)
    time_W = jax.random.normal(ks[4], (N_TIME,), dtype=jnp.float32)
    time_b = jax.random.normal(ks[5], (N_TIME,), dtype=jnp.float32)
    return {
        "source_nodes": source_nodes,
        "source_node_raw_features": source_node_raw_features,
        "timestamps": timestamps,
        "n_layers": 0,
        "node_old_embedding": node_old_embedding,
        "time_W": time_W,
        "time_b": time_b,
    }


def _time_encode(t, time_W, time_b):
    # t: [B, 1] -> [B, 1, N_TIME]
    return jnp.cos(t[..., None] * time_W + time_b)


def reference(source_nodes, source_node_raw_features, timestamps, n_layers,
              node_old_embedding, time_W, time_b):
    timestamps_t = timestamps[:, None]
    # computed unconditionally in the torch forward (unused for n_layers == 0)
    source_nodes_time_embedding = _time_encode(jnp.zeros_like(timestamps_t), time_W, time_b)
    # gather of stored old embeddings (SparseCore gather)
    source_node_old_embedding = node_old_embedding[source_nodes, :]
    n_layers_term = (jnp.asarray(n_layers) * 0).astype(source_node_old_embedding.dtype)
    return source_node_old_embedding + n_layers_term

if __name__ == "__main__":
    import jax
    _d = setup_inputs()
    print(jax.jit(kernel)(*tuple(_d.values())))

</pallas_src>

<mosaic_0001>
#map = affine_map<(d0, d1) -> (0)>
#map1 = affine_map<(d0, d1) -> (0, 0)>
module attributes {stable_mosaic.version = 14 : i64} {
  func.func @_sc_gather(%arg0: i32, %arg1: i32, %arg2: memref<100000xi32, #tpu.memory_space<hbm>>, %arg3: memref<100000x128xf32, #tpu.memory_space<hbm>>, %arg4: memref<100000x128xf32, #tpu.memory_space<hbm>>, %arg5: memref<3968xi32, #tpu.memory_space<vmem>>, %arg6: memref<384x128xf32, #tpu.memory_space<vmem>>, %arg7: memref<!tpu.dma_semaphore, #tpu.memory_space<semaphore_mem>>, %arg8: memref<!tpu.dma_semaphore, #tpu.memory_space<semaphore_mem>>, %arg9: memref<!tpu.dma_semaphore, #tpu.memory_space<semaphore_mem>>) attributes {dimension_semantics = [#tpu.dimension_semantics<core_parallel>, #tpu.dimension_semantics<subcore_parallel>], iteration_bounds = array<i64: 2, 16>, scalar_prefetch = 0 : i64, scratch_operands = 5 : i64, tpu.core_type = #tpu.core_type<sc_vector_subcore>, window_params = [{transform_indices = #map}, {transform_indices = #map1}, {transform_indices = #map1}]} {
    %eq3A = arith.constant 0 : i32
    %eq3A_0 = arith.cmpi eq, %arg0, %eq3A : i32
    %convert_element_type3A = arith.extui %eq3A_0 : i1 to i32
    %cond3A = arith.constant 0 : i32
    %cond3A_1 = arith.cmpi ne, %convert_element_type3A, %cond3A : i32
    scf.if %cond3A_1 {
      %mul3A = arith.constant 31 : i32
      %mul3A_7 = arith.muli %arg1, %mul3A : i32
      %add3A = arith.constant 31 : i32
      %add3A_8 = arith.addi %mul3A_7, %add3A : i32
      %le3A = arith.constant 782 : i32
      %le3A_9 = arith.cmpi sle, %add3A_8, %le3A : i32
      %convert_element_type3A_10 = arith.extui %le3A_9 : i1 to i32
      %cond3A_11 = arith.constant 0 : i32
      %cond3A_12 = arith.cmpi ne, %convert_element_type3A_10, %cond3A_11 : i32
      scf.if %cond3A_12 {
        %mul3A_170 = arith.constant 128 : i32
        %mul3A_171 = arith.muli %mul3A_7, %mul3A_170 : i32
        "tpu.region"() ({
          %run_scoped3A = tpu.sem_alloc : memref<!tpu.dma_semaphore, #tpu.memory_space<semaphore_mem>>
          %dma_start3A = arith.constant 0 : i32
          %dma_start3A_172 = tpu.memref_slice %arg5[%dma_start3A] : memref<3968xi32, #tpu.memory_space<vmem>> -> memref<3968xi32, #tpu.memory_space<vmem>>
          %dma_start3A_173 = tpu.memref_slice %arg2[%mul3A_171] : memref<100000xi32, #tpu.memory_space<hbm>> -> memref<3968xi32, #tpu.memory_space<hbm>>
          %dma_start3A_174 = arith.constant 0 : i32
          %dma_start3A_175 = tpu.memref_slice %arg5[%dma_start3A_174] : memref<3968xi32, #tpu.memory_space<vmem>> -> memref<3968xi32, #tpu.memory_space<vmem>>
          %dma_start3A_176 = tpu.memref_slice %arg2[%mul3A_171] : memref<100000xi32, #tpu.memory_space<hbm>> -> memref<3968xi32, #tpu.memory_space<hbm>>
          tpu.enqueue_dma source(%dma_start3A_176 : memref<3968xi32, #tpu.memory_space<hbm>>) target(%dma_start3A_175 : memref<3968xi32, #tpu.memory_space<vmem>>) target_semaphore(%run_scoped3A : memref<!tpu.dma_semaphore, #tpu.memory_space<semaphore_mem>>)
          %dma_wait3A = arith.constant 0 : i32
          %dma_wait3A_177 = tpu.memref_slice %arg5[%dma_wait3A] : memref<3968xi32, #tpu.memory_space<vmem>> -> memref<3968xi32, #tpu.memory_space<vmem>>
          %dma_wait3A_178 = tpu.memref_slice %arg2[%mul3A_171] : memref<100000xi32, #tpu.memory_space<hbm>> -> memref<3968xi32, #tpu.memory_space<hbm>>
          %dma_wait3A_179 = arith.constant 0 : i32
          %dma_wait3A_180 = tpu.memref_slice %arg5[%dma_wait3A_179] : memref<3968xi32, #tpu.memory_space<vmem>> -> memref<3968xi32, #tpu.memory_space<vmem>>
          %dma_wait3A_181 = tpu.memref_slice %arg2[%mul3A_171] : memref<100000xi32, #tpu.memory_space<hbm>> -> memref<3968xi32, #tpu.memory_space<hbm>>
          tpu.wait_dma2 semaphore(%run_scoped3A : memref<!tpu.dma_semaphore, #tpu.memory_space<semaphore_mem>>) src(%dma_wait3A_181 : memref<3968xi32, #tpu.memory_space<hbm>>) dst(%dma_wait3A_180 : memref<3968xi32, #tpu.memory_space<vmem>>)
          tpu.yield
        }) : () -> ()
      } else {
      }
      %add3A_13 = arith.constant 31 : i32
      %add3A_14 = arith.addi %mul3A_7, %add3A_13 : i32
      %gt3A = arith.constant 782 : i32
      %gt3A_15 = arith.cmpi sgt, %add3A_14, %gt3A : i32
      %convert_element_type3A_16 = arith.extui %gt3A_15 : i1 to i32
      %cond3A_17 = arith.constant 0 : i32
      %cond3A_18 = arith.cmpi ne, %convert_element_type3A_16, %cond3A_17 : i32
      scf.if %cond3A_18 {
        %mul3A_170 = arith.constant 128 : i32
        %mul3A_171 = arith.muli %mul3A_7, %mul3A_170 : i32
        "tpu.region"() ({
          %run_scoped3A = tpu.sem_alloc : memref<!tpu.dma_semaphore, #tpu.memory_space<semaphore_mem>>
          %dma_start3A = arith.constant 0 : i32
          %dma_start3A_172 = tpu.memref_slice %arg5[%dma_start3A] : memref<3968xi32, #tpu.memory_space<vmem>> -> memref<32xi32, #tpu.memory_space<vmem>>
          %dma_start3A_173 = tpu.memref_slice %arg2[%mul3A_171] : memref<100000xi32, #tpu.memory_space<hbm>> -> memref<32xi32, #tpu.memory_space<hbm>>
          %dma_start3A_174 = arith.constant 0 : i32
          %dma_start3A_175 = tpu.memref_slice %arg5[%dma_start3A_174] : memref<3968xi32, #tpu.memory_space<vmem>> -> memref<32xi32, #tpu.memory_space<vmem>>
          %dma_start3A_176 = tpu.memref_slice %arg2[%mul3A_171] : memref<100000xi32, #tpu.memory_space<hbm>> -> memref<32xi32, #tpu.memory_space<hbm>>
          tpu.enqueue_dma source(%dma_start3A_176 : memref<32xi32, #tpu.memory_space<hbm>>) target(%dma_start3A_175 : memref<32xi32, #tpu.memory_space<vmem>>) target_semaphore(%run_scoped3A : memref<!tpu.dma_semaphore, #tpu.memory_space<semaphore_mem>>)
          %dma_wait3A = arith.constant 0 : i32
          %dma_wait3A_177 = tpu.memref_slice %arg5[%dma_wait3A] : memref<3968xi32, #tpu.memory_space<vmem>> -> memref<32xi32, #tpu.memory_space<vmem>>
          %dma_wait3A_178 = tpu.memref_slice %arg2[%mul3A_171] : memref<100000xi32, #tpu.memory_space<hbm>> -> memref<32xi32, #tpu.memory_space<hbm>>
          %dma_wait3A_179 = arith.constant 0 : i32
          %dma_wait3A_180 = tpu.memref_slice %arg5[%dma_wait3A_179] : memref<3968xi32, #tpu.memory_space<vmem>> -> memref<32xi32, #tpu.memory_space<vmem>>
          %dma_wait3A_181 = tpu.memref_slice %arg2[%mul3A_171] : memref<100000xi32, #tpu.memory_space<hbm>> -> memref<32xi32, #tpu.memory_space<hbm>>
          tpu.wait_dma2 semaphore(%run_scoped3A : memref<!tpu.dma_semaphore, #tpu.memory_space<semaphore_mem>>) src(%dma_wait3A_181 : memref<32xi32, #tpu.memory_space<hbm>>) dst(%dma_wait3A_180 : memref<32xi32, #tpu.memory_space<vmem>>)
          tpu.yield
        }) : () -> ()
      } else {
      }
      %add3A_19 = arith.constant 0 : i32
      %add3A_20 = arith.addi %mul3A_7, %add3A_19 : i32
      %le3A_21 = arith.constant 780 : i32
      %le3A_22 = arith.cmpi sle, %add3A_20, %le3A_21 : i32
      %convert_element_type3A_23 = arith.extui %le3A_22 : i1 to i32
      %cond3A_24 = arith.constant 0 : i32
      %cond3A_25 = arith.cmpi ne, %convert_element_type3A_23, %cond3A_24 : i32
      scf.if %cond3A_25 {
        %dma_start3A = arith.constant 0 : i32
        %dma_start3A_170 = arith.constant 0 : i32
        %dma_start3A_171 = tpu.memref_slice %arg6[%dma_start3A, %dma_start3A_170] : memref<384x128xf32, #tpu.memory_space<vmem>> -> memref<128x128xf32, #tpu.memory_space<vmem>>
        %dma_start3A_172 = arith.constant 0 : i32
        %dma_start3A_173 = tpu.memref_slice %arg5[%dma_start3A_172] : memref<3968xi32, #tpu.memory_space<vmem>> -> memref<128xi32, #tpu.memory_space<vmem>>
        %dma_start3A_174 = arith.constant 0 : i32
        %dma_start3A_175 = arith.constant 0 : i32
        %dma_start3A_176 = tpu.memref_slice %arg3[%dma_start3A_174, %dma_start3A_175] : memref<100000x128xf32, #tpu.memory_space<hbm>> -> memref<100000x128xf32, #tpu.memory_space<hbm>>
        tpu.enqueue_indirect_dma source(%dma_start3A_176 : memref<100000x128xf32, #tpu.memory_space<hbm>>) target(%dma_start3A_171 : memref<128x128xf32, #tpu.memory_space<vmem>>) offsets(%dma_start3A_173 : memref<128xi32, #tpu.memory_space<vmem>>) semaphore(%arg7 : memref<!tpu.dma_semaphore, #tpu.memory_space<semaphore_mem>>)
      } else {
      }
      %eq3A_26 = arith.constant 781 : i32
      %eq3A_27 = arith.cmpi eq, %add3A_20, %eq3A_26 : i32
      %convert_element_type3A_28 = arith.extui %eq3A_27 : i1 to i32
      %cond3A_29 = arith.constant 0 : i32
      %cond3A_30 = arith.cmpi ne, %convert_element_type3A_28, %cond3A_29 : i32
      scf.if %cond3A_30 {
        %dma_start3A = arith.constant 0 : i32
        %dma_start3A_170 = arith.constant 0 : i32
        %dma_start3A_171 = tpu.memref_slice %arg6[%dma_start3A, %dma_start3A_170] : memref<384x128xf32, #tpu.memory_space<vmem>> -> memref<32x128xf32, #tpu.memory_space<vmem>>
        %dma_start3A_172 = arith.constant 0 : i32
        %dma_start3A_173 = tpu.memref_slice %arg5[%dma_start3A_172] : memref<3968xi32, #tpu.memory_space<vmem>> -> memref<32xi32, #tpu.memory_space<vmem>>
        %dma_start3A_174 = arith.constant 0 : i32
        %dma_start3A_175 = arith.constant 0 : i32
        %dma_start3A_176 = tpu.memref_slice %arg3[%dma_start3A_174, %dma_start3A_175] : memref<100000x128xf32, #tpu.memory_space<hbm>> -> memref<100000x128xf32, #tpu.memory_space<hbm>>
        tpu.enqueue_indirect_dma source(%dma_start3A_176 : memref<100000x128xf32, #tpu.memory_space<hbm>>) target(%dma_start3A_171 : memref<32x128xf32, #tpu.memory_space<vmem>>) offsets(%dma_start3A_173 : memref<32xi32, #tpu.memory_space<vmem>>) semaphore(%arg7 : memref<!tpu.dma_semaphore, #tpu.memory_space<semaphore_mem>>)
      } else {
      }
      %add3A_31 = arith.constant 1 : i32
      %add3A_32 = arith.addi %mul3A_7, %add3A_31 : i32
      %le3A_33 = arith.constant 780 : i32
      %le3A_34 = arith.cmpi sle, %add3A_32, %le3A_33 : i32
      %convert_element_type3A_35 = arith.extui %le3A_34 : i1 to i32
      %cond3A_36 = arith.constant 0 : i32
      %cond3A_37 = arith.cmpi ne, %convert_element_type3A_35, %cond3A_36 : i32
      scf.if %cond3A_37 {
        %dma_start3A = arith.constant 128 : i32
        %dma_start3A_170 = arith.constant 0 : i32
        %dma_start3A_171 = tpu.memref_slice %arg6[%dma_start3A, %dma_start3A_170] : memref<384x128xf32, #tpu.memory_space<vmem>> -> memref<128x128xf32, #tpu.memory_space<vmem>>
        %dma_start3A_172 = arith.constant 128 : i32
        %dma_start3A_173 = tpu.memref_slice %arg5[%dma_start3A_172] : memref<3968xi32, #tpu.memory_space<vmem>> -> memref<128xi32, #tpu.memory_space<vmem>>
        %dma_start3A_174 = arith.constant 0 : i32
        %dma_start3A_175 = arith.constant 0 : i32
        %dma_start3A_176 = tpu.memref_slice %arg3[%dma_start3A_174, %dma_start3A_175] : memref<100000x128xf32, #tpu.memory_space<hbm>> -> memref<100000x128xf32, #tpu.memory_space<hbm>>
        tpu.enqueue_indirect_dma source(%dma_start3A_176 : memref<100000x128xf32, #tpu.memory_space<hbm>>) target(%dma_start3A_171 : memref<128x128xf32, #tpu.memory_space<vmem>>) offsets(%dma_start3A_173 : memref<128xi32, #tpu.memory_space<vmem>>) semaphore(%arg8 : memref<!tpu.dma_semaphore, #tpu.memory_space<semaphore_mem>>)
      } else {
      }
      %eq3A_38 = arith.constant 781 : i32
      %eq3A_39 = arith.cmpi eq, %add3A_32, %eq3A_38 : i32
      %convert_element_type3A_40 = arith.extui %eq3A_39 : i1 to i32
      %cond3A_41 = arith.constant 0 : i32
      %cond3A_42 = arith.cmpi ne, %convert_element_type3A_40, %cond3A_41 : i32
      scf.if %cond3A_42 {
        %dma_start3A = arith.constant 128 : i32
        %dma_start3A_170 = arith.constant 0 : i32
        %dma_start3A_171 = tpu.memref_slice %arg6[%dma_start3A, %dma_start3A_170] : memref<384x128xf32, #tpu.memory_space<vmem>> -> memref<32x128xf32, #tpu.memory_space<vmem>>
        %dma_start3A_172 = arith.constant 128 : i32
        %dma_start3A_173 = tpu.memref_slice %arg5[%dma_start3A_172] : memref<3968xi32, #tpu.memory_space<vmem>> -> memref<32xi32, #tpu.memory_space<vmem>>
        %dma_start3A_174 = arith.constant 0 : i32
        %dma_start3A_175 = arith.constant 0 : i32
        %dma_start3A_176 = tpu.memref_slice %arg3[%dma_start3A_174, %dma_start3A_175] : memref<100000x128xf32, #tpu.memory_space<hbm>> -> memref<100000x128xf32, #tpu.memory_space<hbm>>
        tpu.enqueue_indirect_dma source(%dma_start3A_176 : memref<100000x128xf32, #tpu.memory_space<hbm>>) target(%dma_start3A_171 : memref<32x128xf32, #tpu.memory_space<vmem>>) offsets(%dma_start3A_173 : memref<32xi32, #tpu.memory_space<vmem>>) semaphore(%arg8 : memref<!tpu.dma_semaphore, #tpu.memory_space<semaphore_mem>>)
      } else {
      }
      %add3A_43 = arith.constant 2 : i32
      %add3A_44 = arith.addi %mul3A_7, %add3A_43 : i32
      %le3A_45 = arith.constant 780 : i32
      %le3A_46 = arith.cmpi sle, %add3A_44, %le3A_45 : i32
      %convert_element_type3A_47 = arith.extui %le3A_46 : i1 to i32
      %cond3A_48 = arith.constant 0 : i32
      %cond3A_49 = arith.cmpi ne, %convert_element_type3A_47, %cond3A_48 : i32
      scf.if %cond3A_49 {
        %dma_start3A = arith.constant 256 : i32
        %dma_start3A_170 = arith.constant 0 : i32
        %dma_start3A_171 = tpu.memref_slice %arg6[%dma_start3A, %dma_start3A_170] : memref<384x128xf32, #tpu.memory_space<vmem>> -> memref<128x128xf32, #tpu.memory_space<vmem>>
        %dma_start3A_172 = arith.constant 256 : i32
        %dma_start3A_173 = tpu.memref_slice %arg5[%dma_start3A_172] : memref<3968xi32, #tpu.memory_space<vmem>> -> memref<128xi32, #tpu.memory_space<vmem>>
        %dma_start3A_174 = arith.constant 0 : i32
        %dma_start3A_175 = arith.constant 0 : i32
        %dma_start3A_176 = tpu.memref_slice %arg3[%dma_start3A_174, %dma_start3A_175] : memref<100000x128xf32, #tpu.memory_space<hbm>> -> memref<100000x128xf32, #tpu.memory_space<hbm>>
        tpu.enqueue_indirect_dma source(%dma_start3A_176 : memref<100000x128xf32, #tpu.memory_space<hbm>>) target(%dma_start3A_171 : memref<128x128xf32, #tpu.memory_space<vmem>>) offsets(%dma_start3A_173 : memref<128xi32, #tpu.memory_space<vmem>>) semaphore(%arg9 : memref<!tpu.dma_semaphore, #tpu.memory_space<semaphore_mem>>)
      } else {
      }
      %eq3A_50 = arith.constant 781 : i32
      %eq3A_51 = arith.cmpi eq, %add3A_44, %eq3A_50 : i32
      %convert_element_type3A_52 = arith.extui %eq3A_51 : i1 to i32
      %cond3A_53 = arith.constant 0 : i32
      %cond3A_54 = arith.cmpi ne, %convert_element_type3A_52, %cond3A_53 : i32
      scf.if %cond3A_54 {
        %dma_start3A = arith.constant 256 : i32
        %dma_start3A_170 = arith.constant 0 : i32
        %dma_start3A_171 = tpu.memref_slice %arg6[%dma_start3A, %dma_start3A_170] : memref<384x128xf32, #tpu.memory_space<vmem>> -> memref<32x128xf32, #tpu.memory_space<vmem>>
        %dma_start3A_172 = arith.constant 256 : i32
        %dma_start3A_173 = tpu.memref_slice %arg5[%dma_start3A_172] : memref<3968xi32, #tpu.memory_space<vmem>> -> memref<32xi32, #tpu.memory_space<vmem>>
        %dma_start3A_174 = arith.constant 0 : i32
        %dma_start3A_175 = arith.constant 0 : i32
        %dma_start3A_176 = tpu.memref_slice %arg3[%dma_start3A_174, %dma_start3A_175] : memref<100000x128xf32, #tpu.memory_space<hbm>> -> memref<100000x128xf32, #tpu.memory_space<hbm>>
        tpu.enqueue_indirect_dma source(%dma_start3A_176 : memref<100000x128xf32, #tpu.memory_space<hbm>>) target(%dma_start3A_171 : memref<32x128xf32, #tpu.memory_space<vmem>>) offsets(%dma_start3A_173 : memref<32xi32, #tpu.memory_space<vmem>>) semaphore(%arg9 : memref<!tpu.dma_semaphore, #tpu.memory_space<semaphore_mem>>)
      } else {
      }
      %scan3A = arith.constant 0 : i32
      %scan3A_55 = arith.constant 0 : i32
      %scan3A_56 = arith.constant 9 : i32
      %scan3A_57 = arith.addi %scan3A_55, %scan3A_56 : i32
      %scan3A_58 = arith.constant 1 : i32
      scf.for %scan3A_170 = %scan3A_55 to %scan3A_57 step %scan3A_58  : i32 {
        %mul3A_171 = arith.constant 3 : i32
        %mul3A_172 = arith.muli %mul3A_171, %scan3A_170 : i32
        %add3A_173 = arith.constant 0 : i32
        %add3A_174 = arith.addi %mul3A_172, %add3A_173 : i32
        %add3A_175 = arith.addi %mul3A_7, %add3A_174 : i32
        %le3A_176 = arith.constant 780 : i32
        %le3A_177 = arith.cmpi sle, %add3A_175, %le3A_176 : i32
        %convert_element_type3A_178 = arith.extui %le3A_177 : i1 to i32
        %cond3A_179 = arith.constant 0 : i32
        %cond3A_180 = arith.cmpi ne, %convert_element_type3A_178, %cond3A_179 : i32
        scf.if %cond3A_180 {
          %dma_wait3A = arith.constant 0 : i32
          %dma_wait3A_294 = arith.constant 0 : i32
          %dma_wait3A_295 = tpu.memref_slice %arg6[%dma_wait3A, %dma_wait3A_294] : memref<384x128xf32, #tpu.memory_space<vmem>> -> memref<128x128xf32, #tpu.memory_space<vmem>>
          %dma_wait3A_296 = arith.constant 0 : i32
          %dma_wait3A_297 = arith.constant 0 : i32
          %dma_wait3A_298 = tpu.memref_slice %arg3[%dma_wait3A_296, %dma_wait3A_297] : memref<100000x128xf32, #tpu.memory_space<hbm>> -> memref<128x128xf32, #tpu.memory_space<hbm>>
          %dma_wait3A_299 = arith.constant 0 : i32
          %dma_wait3A_300 = arith.constant 0 : i32
          %dma_wait3A_301 = tpu.memref_slice %arg6[%dma_wait3A_299, %dma_wait3A_300] : memref<384x128xf32, #tpu.memory_space<vmem>> -> memref<128x128xf32, #tpu.memory_space<vmem>>
          %dma_wait3A_302 = arith.constant 0 : i32
          %dma_wait3A_303 = arith.constant 0 : i32
          %dma_wait3A_304 = tpu.memref_slice %arg3[%dma_wait3A_302, %dma_wait3A_303] : memref<100000x128xf32, #tpu.memory_space<hbm>> -> memref<128x128xf32, #tpu.memory_space<hbm>>
          tpu.wait_dma2 semaphore(%arg7 : memref<!tpu.dma_semaphore, #tpu.memory_space<semaphore_mem>>) src(%dma_wait3A_304 : memref<128x128xf32, #tpu.memory_space<hbm>>) dst(%dma_wait3A_301 : memref<128x128xf32, #tpu.memory_space<vmem>>)
        } else {
        }
        %eq3A_181 = arith.constant 781 : i32
        %eq3A_182 = arith.cmpi eq, %add3A_175, %eq3A_181 : i32
        %convert_element_type3A_183 = arith.extui %eq3A_182 : i1 to i32
        %cond3A_184 = arith.constant 0 : i32
        %cond3A_185 = arith.cmpi ne, %convert_element_type3A_183, %cond3A_184 : i32
        scf.if %cond3A_185 {
          %dma_wait3A = arith.constant 0 : i32
          %dma_wait3A_294 = arith.constant 0 : i32
          %dma_wait3A_295 = tpu.memref_slice %arg6[%dma_wait3A, %dma_wait3A_294] : memref<384x128xf32, #tpu.memory_space<vmem>> -> memref<32x128xf32, #tpu.memory_space<vmem>>
          %dma_wait3A_296 = arith.constant 0 : i32
          %dma_wait3A_297 = arith.constant 0 : i32
          %dma_wait3A_298 = tpu.memref_slice %arg3[%dma_wait3A_296, %dma_wait3A_297] : memref<100000x128xf32, #tpu.memory_space<hbm>> -> memref<32x128xf32, #tpu.memory_space<hbm>>
          %dma_wait3A_299 = arith.constant 0 : i32
          %dma_wait3A_300 = arith.constant 0 : i32
          %dma_wait3A_301 = tpu.memref_slice %arg6[%dma_wait3A_299, %dma_wait3A_300] : memref<384x128xf32, #tpu.memory_space<vmem>> -> memref<32x128xf32, #tpu.memory_space<vmem>>
          %dma_wait3A_302 = arith.constant 0 : i32
          %dma_wait3A_303 = arith.constant 0 : i32
          %dma_wait3A_304 = tpu.memref_slice %arg3[%dma_wait3A_302, %dma_wait3A_303] : memref<100000x128xf32, #tpu.memory_space<hbm>> -> memref<32x128xf32, #tpu.memory_space<hbm>>
          tpu.wait_dma2 semaphore(%arg7 : memref<!tpu.dma_semaphore, #tpu.memory_space<semaphore_mem>>) src(%dma_wait3A_304 : memref<32x128xf32, #tpu.memory_space<hbm>>) dst(%dma_wait3A_301 : memref<32x128xf32, #tpu.memory_space<vmem>>)
        } else {
        }
        %add3A_186 = arith.addi %mul3A_7, %add3A_174 : i32
        %le3A_187 = arith.constant 780 : i32
        %le3A_188 = arith.cmpi sle, %add3A_186, %le3A_187 : i32
        %convert_element_type3A_189 = arith.extui %le3A_188 : i1 to i32
        %cond3A_190 = arith.constant 0 : i32
        %cond3A_191 = arith.cmpi ne, %convert_element_type3A_189, %cond3A_190 : i32
        scf.if %cond3A_191 {
          %mul3A_294 = arith.constant 128 : i32
          %mul3A_295 = arith.muli %add3A_186, %mul3A_294 : i32
          "tpu.region"() ({
            %run_scoped3A = tpu.sem_alloc : memref<!tpu.dma_semaphore, #tpu.memory_space<semaphore_mem>>
            %dma_start3A = arith.constant 0 : i32
            %dma_start3A_296 = arith.constant 0 : i32
            %dma_start3A_297 = tpu.memref_slice %arg6[%dma_start3A, %dma_start3A_296] : memref<384x128xf32, #tpu.memory_space<vmem>> -> memref<128x128xf32, #tpu.memory_space<vmem>>
            %dma_start3A_298 = arith.constant 0 : i32
            %dma_start3A_299 = tpu.memref_slice %arg4[%mul3A_295, %dma_start3A_298] : memref<100000x128xf32, #tpu.memory_space<hbm>> -> memref<128x128xf32, #tpu.memory_space<hbm>>
            %dma_start3A_300 = arith.constant 0 : i32
            %dma_start3A_301 = tpu.memref_slice %arg4[%mul3A_295, %dma_start3A_300] : memref<100000x128xf32, #tpu.memory_space<hbm>> -> memref<128x128xf32, #tpu.memory_space<hbm>>
            %dma_start3A_302 = arith.constant 0 : i32
            %dma_start3A_303 = arith.constant 0 : i32
            %dma_start3A_304 = tpu.memref_slice %arg6[%dma_start3A_302, %dma_start3A_303] : memref<384x128xf32, #tpu.memory_space<vmem>> -> memref<128x128xf32, #tpu.memory_space<vmem>>
            tpu.enqueue_dma source(%dma_start3A_304 : memref<128x128xf32, #tpu.memory_space<vmem>>) target(%dma_start3A_301 : memref<128x128xf32, #tpu.memory_space<hbm>>) target_semaphore(%run_scoped3A : memref<!tpu.dma_semaphore, #tpu.memory_space<semaphore_mem>>)
            %dma_wait3A = arith.constant 0 : i32
            %dma_wait3A_305 = arith.constant 0 : i32
            %dma_wait3A_306 = tpu.memref_slice %arg6[%dma_wait3A, %dma_wait3A_305] : memref<384x128xf32, #tpu.memory_space<vmem>> -> memref<128x128xf32, #tpu.memory_space<vmem>>
            %dma_wait3A_307 = arith.constant 0 : i32
            %dma_wait3A_308 = tpu.memref_slice %arg4[%mul3A_295, %dma_wait3A_307] : memref<100000x128xf32, #tpu.memory_space<hbm>> -> memref<128x128xf32, #tpu.memory_space<hbm>>
            %dma_wait3A_309 = arith.constant 0 : i32
            %dma_wait3A_310 = tpu.memref_slice %arg4[%mul3A_295, %dma_wait3A_309] : memref<100000x128xf32, #tpu.memory_space<hbm>> -> memref<128x128xf32, #tpu.memory_space<hbm>>
            %dma_wait3A_311 = arith.constant 0 : i32
            %dma_wait3A_312 = arith.constant 0 : i32
            %dma_wait3A_313 = tpu.memref_slice %arg6[%dma_wait3A_311, %dma_wait3A_312] : memref<384x128xf32, #tpu.memory_space<vmem>> -> memref<128x128xf32, #tpu.memory_space<vmem>>
            tpu.wait_dma2 semaphore(%run_scoped3A : memref<!tpu.dma_semaphore, #tpu.memory_space<semaphore_mem>>) src(%dma_wait3A_313 : memref<128x128xf32, #tpu.memory_space<vmem>>) dst(%dma_wait3A_310 : memref<128x128xf32, #tpu.memory_space<hbm>>)
            tpu.yield
          }) : () -> ()
        } else {
        }
        %eq3A_192 = arith.constant 781 : i32
        %eq3A_193 = arith.cmpi eq, %add3A_186, %eq3A_192 : i32
        %convert_element_type3A_194 = arith.extui %eq3A_193 : i1 to i32
        %cond3A_195 = arith.constant 0 : i32
        %cond3A_196 = arith.cmpi ne, %convert_element_type3A_194, %cond3A_195 : i32
        scf.if %cond3A_196 {
          %mul3A_294 = arith.constant 128 : i32
          %mul3A_295 = arith.muli %add3A_186, %mul3A_294 : i32
          "tpu.region"() ({
            %run_scoped3A = tpu.sem_alloc : memref<!tpu.dma_semaphore, #tpu.memory_space<semaphore_mem>>
            %dma_start3A = arith.constant 0 : i32
            %dma_start3A_296 = arith.constant 0 : i32
            %dma_start3A_297 = tpu.memref_slice %arg6[%dma_start3A, %dma_start3A_296] : memref<384x128xf32, #tpu.memory_space<vmem>> -> memref<32x128xf32, #tpu.memory_space<vmem>>
            %dma_start3A_298 = arith.constant 0 : i32
            %dma_start3A_299 = tpu.memref_slice %arg4[%mul3A_295, %dma_start3A_298] : memref<100000x128xf32, #tpu.memory_space<hbm>> -> memref<32x128xf32, #tpu.memory_space<hbm>>
            %dma_start3A_300 = arith.constant 0 : i32
            %dma_start3A_301 = tpu.memref_slice %arg4[%mul3A_295, %dma_start3A_300] : memref<100000x128xf32, #tpu.memory_space<hbm>> -> memref<32x128xf32, #tpu.memory_space<hbm>>
            %dma_start3A_302 = arith.constant 0 : i32
            %dma_start3A_303 = arith.constant 0 : i32
            %dma_start3A_304 = tpu.memref_slice %arg6[%dma_start3A_302, %dma_start3A_303] : memref<384x128xf32, #tpu.memory_space<vmem>> -> memref<32x128xf32, #tpu.memory_space<vmem>>
            tpu.enqueue_dma source(%dma_start3A_304 : memref<32x128xf32, #tpu.memory_space<vmem>>) target(%dma_start3A_301 : memref<32x128xf32, #tpu.memory_space<hbm>>) target_semaphore(%run_scoped3A : memref<!tpu.dma_semaphore, #tpu.memory_space<semaphore_mem>>)
            %dma_wait3A = arith.constant 0 : i32
            %dma_wait3A_305 = arith.constant 0 : i32
            %dma_wait3A_306 = tpu.memref_slice %arg6[%dma_wait3A, %dma_wait3A_305] : memref<384x128xf32, #tpu.memory_space<vmem>> -> memref<32x128xf32, #tpu.memory_space<vmem>>
            %dma_wait3A_307 = arith.constant 0 : i32
            %dma_wait3A_308 = tpu.memref_slice %arg4[%mul3A_295, %dma_wait3A_307] : memref<100000x128xf32, #tpu.memory_space<hbm>> -> memref<32x128xf32, #tpu.memory_space<hbm>>
            %dma_wait3A_309 = arith.constant 0 : i32
            %dma_wait3A_310 = tpu.memref_slice %arg4[%mul3A_295, %dma_wait3A_309] : memref<100000x128xf32, #tpu.memory_space<hbm>> -> memref<32x128xf32, #tpu.memory_space<hbm>>
            %dma_wait3A_311 = arith.constant 0 : i32
            %dma_wait3A_312 = arith.constant 0 : i32
            %dma_wait3A_313 = tpu.memref_slice %arg6[%dma_wait3A_311, %dma_wait3A_312] : memref<384x128xf32, #tpu.memory_space<vmem>> -> memref<32x128xf32, #tpu.memory_space<vmem>>
            tpu.wait_dma2 semaphore(%run_scoped3A : memref<!tpu.dma_semaphore, #tpu.memory_space<semaphore_mem>>) src(%dma_wait3A_313 : memref<32x128xf32, #tpu.memory_space<vmem>>) dst(%dma_wait3A_310 : memref<32x128xf32, #tpu.memory_space<hbm>>)
            tpu.yield
          }) : () -> ()
        } else {
        }
        %add3A_197 = arith.addi %mul3A_7, %add3A_174 : i32
        %add3A_198 = arith.constant 3 : i32
        %add3A_199 = arith.addi %add3A_197, %add3A_198 : i32
        %add3A_200 = arith.constant 3 : i32
        %add3A_201 = arith.addi %add3A_174, %add3A_200 : i32
        %le3A_202 = arith.constant 780 : i32
        %le3A_203 = arith.cmpi sle, %add3A_199, %le3A_202 : i32
        %convert_element_type3A_204 = arith.extui %le3A_203 : i1 to i32
        %cond3A_205 = arith.constant 0 : i32
        %cond3A_206 = arith.cmpi ne, %convert_element_type3A_204, %cond3A_205 : i32
        scf.if %cond3A_206 {
          %mul3A_294 = arith.constant 128 : i32
          %mul3A_295 = arith.muli %add3A_201, %mul3A_294 : i32
          %dma_start3A = arith.constant 0 : i32
          %dma_start3A_296 = arith.constant 0 : i32
          %dma_start3A_297 = tpu.memref_slice %arg6[%dma_start3A, %dma_start3A_296] : memref<384x128xf32, #tpu.memory_space<vmem>> -> memref<128x128xf32, #tpu.memory_space<vmem>>
          %dma_start3A_298 = tpu.memref_slice %arg5[%mul3A_295] : memref<3968xi32, #tpu.memory_space<vmem>> -> memref<128xi32, #tpu.memory_space<vmem>>
          %dma_start3A_299 = arith.constant 0 : i32
          %dma_start3A_300 = arith.constant 0 : i32
          %dma_start3A_301 = tpu.memref_slice %arg3[%dma_start3A_299, %dma_start3A_300] : memref<100000x128xf32, #tpu.memory_space<hbm>> -> memref<100000x128xf32, #tpu.memory_space<hbm>>
          tpu.enqueue_indirect_dma source(%dma_start3A_301 : memref<100000x128xf32, #tpu.memory_space<hbm>>) target(%dma_start3A_297 : memref<128x128xf32, #tpu.memory_space<vmem>>) offsets(%dma_start3A_298 : memref<128xi32, #tpu.memory_space<vmem>>) semaphore(%arg7 : memref<!tpu.dma_semaphore, #tpu.memory_space<semaphore_mem>>)
        } else {
        }
        %eq3A_207 = arith.constant 781 : i32
        %eq3A_208 = arith.cmpi eq, %add3A_199, %eq3A_207 : i32
        %convert_element_type3A_209 = arith.extui %eq3A_208 : i1 to i32
        %cond3A_210 = arith.constant 0 : i32
        %cond3A_211 = arith.cmpi ne, %convert_element_type3A_209, %cond3A_210 : i32
        scf.if %cond3A_211 {
          %mul3A_294 = arith.constant 128 : i32
          %mul3A_295 = arith.muli %add3A_201, %mul3A_294 : i32
          %dma_start3A = arith.constant 0 : i32
          %dma_start3A_296 = arith.constant 0 : i32
          %dma_start3A_297 = tpu.memref_slice %arg6[%dma_start3A, %dma_start3A_296] : memref<384x128xf32, #tpu.memory_space<vmem>> -> memref<32x128xf32, #tpu.memory_space<vmem>>
          %dma_start3A_298 = tpu.memref_slice %arg5[%mul3A_295] : memref<3968xi32, #tpu.memory_space<vmem>> -> memref<32xi32, #tpu.memory_space<vmem>>
          %dma_start3A_299 = arith.constant 0 : i32
          %dma_start3A_300 = arith.constant 0 : i32
          %dma_start3A_301 = tpu.memref_slice %arg3[%dma_start3A_299, %dma_start3A_300] : memref<100000x128xf32, #tpu.memory_space<hbm>> -> memref<100000x128xf32, #tpu.memory_space<hbm>>
          tpu.enqueue_indirect_dma source(%dma_start3A_301 : memref<100000x128xf32, #tpu.memory_space<hbm>>) target(%dma_start3A_297 : memref<32x128xf32, #tpu.memory_space<vmem>>) offsets(%dma_start3A_298 : memref<32xi32, #tpu.memory_space<vmem>>) semaphore(%arg7 : memref<!tpu.dma_semaphore, #tpu.memory_space<semaphore_mem>>)
        } else {
        }
        %mul3A_212 = arith.constant 3 : i32
        %mul3A_213 = arith.muli %mul3A_212, %scan3A_170 : i32
        %add3A_214 = arith.constant 1 : i32
        %add3A_215 = arith.addi %mul3A_213, %add3A_214 : i32
        %add3A_216 = arith.addi %mul3A_7, %add3A_215 : i32
        %le3A_217 = arith.constant 780 : i32
        %le3A_218 = arith.cmpi sle, %add3A_216, %le3A_217 : i32
        %convert_element_type3A_219 = arith.extui %le3A_218 : i1 to i32
        %cond3A_220 = arith.constant 0 : i32
        %cond3A_221 = arith.cmpi ne, %convert_element_type3A_219, %cond3A_220 : i32
        scf.if %cond3A_221 {
          %dma_wait3A = arith.constant 128 : i32
          %dma_wait3A_294 = arith.constant 0 : i32
          %dma_wait3A_295 = tpu.memref_slice %arg6[%dma_wait3A, %dma_wait3A_294] : memref<384x128xf32, #tpu.memory_space<vmem>> -> memref<128x128xf32, #tpu.memory_space<vmem>>
          %dma_wait3A_296 = arith.constant 0 : i32
          %dma_wait3A_297 = arith.constant 0 : i32
          %dma_wait3A_298 = tpu.memref_slice %arg3[%dma_wait3A_296, %dma_wait3A_297] : memref<100000x128xf32, #tpu.memory_space<hbm>> -> memref<128x128xf32, #tpu.memory_space<hbm>>
          %dma_wait3A_299 = arith.constant 128 : i32
          %dma_wait3A_300 = arith.constant 0 : i32
          %dma_wait3A_301 = tpu.memref_slice %arg6[%dma_wait3A_299, %dma_wait3A_300] : memref<384x128xf32, #tpu.memory_space<vmem>> -> memref<128x128xf32, #tpu.memory_space<vmem>>
          %dma_wait3A_302 = arith.constant 0 : i32
          %dma_wait3A_303 = arith.constant 0 : i32
          %dma_wait3A_304 = tpu.memref_slice %arg3[%dma_wait3A_302, %dma_wait3A_303] : memref<100000x128xf32, #tpu.memory_space<hbm>> -> memref<128x128xf32, #tpu.memory_space<hbm>>
          tpu.wait_dma2 semaphore(%arg8 : memref<!tpu.dma_semaphore, #tpu.memory_space<semaphore_mem>>) src(%dma_wait3A_304 : memref<128x128xf32, #tpu.memory_space<hbm>>) dst(%dma_wait3A_301 : memref<128x128xf32, #tpu.memory_space<vmem>>)
        } else {
        }
        %eq3A_222 = arith.constant 781 : i32
        %eq3A_223 = arith.cmpi eq, %add3A_216, %eq3A_222 : i32
        %convert_element_type3A_224 = arith.extui %eq3A_223 : i1 to i32
        %cond3A_225 = arith.constant 0 : i32
        %cond3A_226 = arith.cmpi ne, %convert_element_type3A_224, %cond3A_225 : i32
        scf.if %cond3A_226 {
          %dma_wait3A = arith.constant 128 : i32
          %dma_wait3A_294 = arith.constant 0 : i32
          %dma_wait3A_295 = tpu.memref_slice %arg6[%dma_wait3A, %dma_wait3A_294] : memref<384x128xf32, #tpu.memory_space<vmem>> -> memref<32x128xf32, #tpu.memory_space<vmem>>
          %dma_wait3A_296 = arith.constant 0 : i32
          %dma_wait3A_297 = arith.constant 0 : i32
          %dma_wait3A_298 = tpu.memref_slice %arg3[%dma_wait3A_296, %dma_wait3A_297] : memref<100000x128xf32, #tpu.memory_space<hbm>> -> memref<32x128xf32, #tpu.memory_space<hbm>>
          %dma_wait3A_299 = arith.constant 128 : i32
          %dma_wait3A_300 = arith.constant 0 : i32
          %dma_wait3A_301 = tpu.memref_slice %arg6[%dma_wait3A_299, %dma_wait3A_300] : memref<384x128xf32, #tpu.memory_space<vmem>> -> memref<32x128xf32, #tpu.memory_space<vmem>>
          %dma_wait3A_302 = arith.constant 0 : i32
          %dma_wait3A_303 = arith.constant 0 : i32
          %dma_wait3A_304 = tpu.memref_slice %arg3[%dma_wait3A_302, %dma_wait3A_303] : memref<100000x128xf32, #tpu.memory_space<hbm>> -> memref<32x128xf32, #tpu.memory_space<hbm>>
          tpu.wait_dma2 semaphore(%arg8 : memref<!tpu.dma_semaphore, #tpu.memory_space<semaphore_mem>>) src(%dma_wait3A_304 : memref<32x128xf32, #tpu.memory_space<hbm>>) dst(%dma_wait3A_301 : memref<32x128xf32, #tpu.memory_space<vmem>>)
        } else {
        }
        %add3A_227 = arith.addi %mul3A_7, %add3A_215 : i32
        %le3A_228 = arith.constant 780 : i32
        %le3A_229 = arith.cmpi sle, %add3A_227, %le3A_228 : i32
        %convert_element_type3A_230 = arith.extui %le3A_229 : i1 to i32
        %cond3A_231 = arith.constant 0 : i32
        %cond3A_232 = arith.cmpi ne, %convert_element_type3A_230, %cond3A_231 : i32
        scf.if %cond3A_232 {
          %mul3A_294 = arith.constant 128 : i32
          %mul3A_295 = arith.muli %add3A_227, %mul3A_294 : i32
          "tpu.region"() ({
            %run_scoped3A = tpu.sem_alloc : memref<!tpu.dma_semaphore, #tpu.memory_space<semaphore_mem>>
            %dma_start3A = arith.constant 128 : i32
            %dma_start3A_296 = arith.constant 0 : i32
            %dma_start3A_297 = tpu.memref_slice %arg6[%dma_start3A, %dma_start3A_296] : memref<384x128xf32, #tpu.memory_space<vmem>> -> memref<128x128xf32, #tpu.memory_space<vmem>>
            %dma_start3A_298 = arith.constant 0 : i32
            %dma_start3A_299 = tpu.memref_slice %arg4[%mul3A_295, %dma_start3A_298] : memref<100000x128xf32, #tpu.memory_space<hbm>> -> memref<128x128xf32, #tpu.memory_space<hbm>>
            %dma_start3A_300 = arith.constant 0 : i32
            %dma_start3A_301 = tpu.memref_slice %arg4[%mul3A_295, %dma_start3A_300] : memref<100000x128xf32, #tpu.memory_space<hbm>> -> memref<128x128xf32, #tpu.memory_space<hbm>>
            %dma_start3A_302 = arith.constant 128 : i32
            %dma_start3A_303 = arith.constant 0 : i32
            %dma_start3A_304 = tpu.memref_slice %arg6[%dma_start3A_302, %dma_start3A_303] : memref<384x128xf32, #tpu.memory_space<vmem>> -> memref<128x128xf32, #tpu.memory_space<vmem>>
            tpu.enqueue_dma source(%dma_start3A_304 : memref<128x128xf32, #tpu.memory_space<vmem>>) target(%dma_start3A_301 : memref<128x128xf32, #tpu.memory_space<hbm>>) target_semaphore(%run_scoped3A : memref<!tpu.dma_semaphore, #tpu.memory_space<semaphore_mem>>)
            %dma_wait3A = arith.constant 128 : i32
            %dma_wait3A_305 = arith.constant 0 : i32
            %dma_wait3A_306 = tpu.memref_slice %arg6[%dma_wait3A, %dma_wait3A_305] : memref<384x128xf32, #tpu.memory_space<vmem>> -> memref<128x128xf32, #tpu.memory_space<vmem>>
            %dma_wait3A_307 = arith.constant 0 : i32
            %dma_wait3A_308 = tpu.memref_slice %arg4[%mul3A_295, %dma_wait3A_307] : memref<100000x128xf32, #tpu.memory_space<hbm>> -> memref<128x128xf32, #tpu.memory_space<hbm>>
            %dma_wait3A_309 = arith.constant 0 : i32
            %dma_wait3A_310 = tpu.memref_slice %arg4[%mul3A_295, %dma_wait3A_309] : memref<100000x128xf32, #tpu.memory_space<hbm>> -> memref<128x128xf32, #tpu.memory_space<hbm>>
            %dma_wait3A_311 = arith.constant 128 : i32
            %dma_wait3A_312 = arith.constant 0 : i32
            %dma_wait3A_313 = tpu.memref_slice %arg6[%dma_wait3A_311, %dma_wait3A_312] : memref<384x128xf32, #tpu.memory_space<vmem>> -> memref<128x128xf32, #tpu.memory_space<vmem>>
            tpu.wait_dma2 semaphore(%run_scoped3A : memref<!tpu.dma_semaphore, #tpu.memory_space<semaphore_mem>>) src(%dma_wait3A_313 : memref<128x128xf32, #tpu.memory_space<vmem>>) dst(%dma_wait3A_310 : memref<128x128xf32, #tpu.memory_space<hbm>>)
            tpu.yield
          }) : () -> ()
        } else {
        }
        %eq3A_233 = arith.constant 781 : i32
        %eq3A_234 = arith.cmpi eq, %add3A_227, %eq3A_233 : i32
        %convert_element_type3A_235 = arith.extui %eq3A_234 : i1 to i32
        %cond3A_236 = arith.constant 0 : i32
        %cond3A_237 = arith.cmpi ne, %convert_element_type3A_235, %cond3A_236 : i32
        scf.if %cond3A_237 {
          %mul3A_294 = arith.constant 128 : i32
          %mul3A_295 = arith.muli %add3A_227, %mul3A_294 : i32
          "tpu.region"() ({
            %run_scoped3A = tpu.sem_alloc : memref<!tpu.dma_semaphore, #tpu.memory_space<semaphore_mem>>
            %dma_start3A = arith.constant 128 : i32
            %dma_start3A_296 = arith.constant 0 : i32
            %dma_start3A_297 = tpu.memref_slice %arg6[%dma_start3A, %dma_start3A_296] : memref<384x128xf32, #tpu.memory_space<vmem>> -> memref<32x128xf32, #tpu.memory_space<vmem>>
            %dma_start3A_298 = arith.constant 0 : i32
            %dma_start3A_299 = tpu.memref_slice %arg4[%mul3A_295, %dma_start3A_298] : memref<100000x128xf32, #tpu.memory_space<hbm>> -> memref<32x128xf32, #tpu.memory_space<hbm>>
            %dma_start3A_300 = arith.constant 0 : i32
            %dma_start3A_301 = tpu.memref_slice %arg4[%mul3A_295, %dma_start3A_300] : memref<100000x128xf32, #tpu.memory_space<hbm>> -> memref<32x128xf32, #tpu.memory_space<hbm>>
            %dma_start3A_302 = arith.constant 128 : i32
            %dma_start3A_303 = arith.constant 0 : i32
            %dma_start3A_304 = tpu.memref_slice %arg6[%dma_start3A_302, %dma_start3A_303] : memref<384x128xf32, #tpu.memory_space<vmem>> -> memref<32x128xf32, #tpu.memory_space<vmem>>
            tpu.enqueue_dma source(%dma_start3A_304 : memref<32x128xf32, #tpu.memory_space<vmem>>) target(%dma_start3A_301 : memref<32x128xf32, #tpu.memory_space<hbm>>) target_semaphore(%run_scoped3A : memref<!tpu.dma_semaphore, #tpu.memory_space<semaphore_mem>>)
            %dma_wait3A = arith.constant 128 : i32
            %dma_wait3A_305 = arith.constant 0 : i32
            %dma_wait3A_306 = tpu.memref_slice %arg6[%dma_wait3A, %dma_wait3A_305] : memref<384x128xf32, #tpu.memory_space<vmem>> -> memref<32x128xf32, #tpu.memory_space<vmem>>
            %dma_wait3A_307 = arith.constant 0 : i32
            %dma_wait3A_308 = tpu.memref_slice %arg4[%mul3A_295, %dma_wait3A_307] : memref<100000x128xf32, #tpu.memory_space<hbm>> -> memref<32x128xf32, #tpu.memory_space<hbm>>
            %dma_wait3A_309 = arith.constant 0 : i32
            %dma_wait3A_310 = tpu.memref_slice %arg4[%mul3A_295, %dma_wait3A_309] : memref<100000x128xf32, #tpu.memory_space<hbm>> -> memref<32x128xf32, #tpu.memory_space<hbm>>
            %dma_wait3A_311 = arith.constant 128 : i32
            %dma_wait3A_312 = arith.constant 0 : i32
            %dma_wait3A_313 = tpu.memref_slice %arg6[%dma_wait3A_311, %dma_wait3A_312] : memref<384x128xf32, #tpu.memory_space<vmem>> -> memref<32x128xf32, #tpu.memory_space<vmem>>
            tpu.wait_dma2 semaphore(%run_scoped3A : memref<!tpu.dma_semaphore, #tpu.memory_space<semaphore_mem>>) src(%dma_wait3A_313 : memref<32x128xf32, #tpu.memory_space<vmem>>) dst(%dma_wait3A_310 : memref<32x128xf32, #tpu.memory_space<hbm>>)
            tpu.yield
          }) : () -> ()
        } else {
        }
        %add3A_238 = arith.addi %mul3A_7, %add3A_215 : i32
        %add3A_239 = arith.constant 3 : i32
        %add3A_240 = arith.addi %add3A_238, %add3A_239 : i32
        %add3A_241 = arith.constant 3 : i32
        %add3A_242 = arith.addi %add3A_215, %add3A_241 : i32
        %le3A_243 = arith.constant 780 : i32
        %le3A_244 = arith.cmpi sle, %add3A_240, %le3A_243 : i32
        %convert_element_type3A_245 = arith.extui %le3A_244 : i1 to i32
        %cond3A_246 = arith.constant 0 : i32
        %cond3A_247 = arith.cmpi ne, %convert_element_type3A_245, %cond3A_246 : i32
        scf.if %cond3A_247 {
          %mul3A_294 = arith.constant 128 : i32
          %mul3A_295 = arith.muli %add3A_242, %mul3A_294 : i32
          %dma_start3A = arith.constant 128 : i32
          %dma_start3A_296 = arith.constant 0 : i32
          %dma_start3A_297 = tpu.memref_slice %arg6[%dma_start3A, %dma_start3A_296] : memref<384x128xf32, #tpu.memory_space<vmem>> -> memref<128x128xf32, #tpu.memory_space<vmem>>
          %dma_start3A_298 = tpu.memref_slice %arg5[%mul3A_295] : memref<3968xi32, #tpu.memory_space<vmem>> -> memref<128xi32, #tpu.memory_space<vmem>>
          %dma_start3A_299 = arith.constant 0 : i32
          %dma_start3A_300 = arith.constant 0 : i32
          %dma_start3A_301 = tpu.memref_slice %arg3[%dma_start3A_299, %dma_start3A_300] : memref<100000x128xf32, #tpu.memory_space<hbm>> -> memref<100000x128xf32, #tpu.memory_space<hbm>>
          tpu.enqueue_indirect_dma source(%dma_start3A_301 : memref<100000x128xf32, #tpu.memory_space<hbm>>) target(%dma_start3A_297 : memref<128x128xf32, #tpu.memory_space<vmem>>) offsets(%dma_start3A_298 : memref<128xi32, #tpu.memory_space<vmem>>) semaphore(%arg8 : memref<!tpu.dma_semaphore, #tpu.memory_space<semaphore_mem>>)
        } else {
        }
        %eq3A_248 = arith.constant 781 : i32
        %eq3A_249 = arith.cmpi eq, %add3A_240, %eq3A_248 : i32
        %convert_element_type3A_250 = arith.extui %eq3A_249 : i1 to i32
        %cond3A_251 = arith.constant 0 : i32
        %cond3A_252 = arith.cmpi ne, %convert_element_type3A_250, %cond3A_251 : i32
        scf.if %cond3A_252 {
          %mul3A_294 = arith.constant 128 : i32
          %mul3A_295 = arith.muli %add3A_242, %mul3A_294 : i32
          %dma_start3A = arith.constant 128 : i32
          %dma_start3A_296 = arith.constant 0 : i32
          %dma_start3A_297 = tpu.memref_slice %arg6[%dma_start3A, %dma_start3A_296] : memref<384x128xf32, #tpu.memory_space<vmem>> -> memref<32x128xf32, #tpu.memory_space<vmem>>
          %dma_start3A_298 = tpu.memref_slice %arg5[%mul3A_295] : memref<3968xi32, #tpu.memory_space<vmem>> -> memref<32xi32, #tpu.memory_space<vmem>>
          %dma_start3A_299 = arith.constant 0 : i32
          %dma_start3A_300 = arith.constant 0 : i32
          %dma_start3A_301 = tpu.memref_slice %arg3[%dma_start3A_299, %dma_start3A_300] : memref<100000x128xf32, #tpu.memory_space<hbm>> -> memref<100000x128xf32, #tpu.memory_space<hbm>>
          tpu.enqueue_indirect_dma source(%dma_start3A_301 : memref<100000x128xf32, #tpu.memory_space<hbm>>) target(%dma_start3A_297 : memref<32x128xf32, #tpu.memory_space<vmem>>) offsets(%dma_start3A_298 : memref<32xi32, #tpu.memory_space<vmem>>) semaphore(%arg8 : memref<!tpu.dma_semaphore, #tpu.memory_space<semaphore_mem>>)
        } else {
        }
        %mul3A_253 = arith.constant 3 : i32
        %mul3A_254 = arith.muli %mul3A_253, %scan3A_170 : i32
        %add3A_255 = arith.constant 2 : i32
        %add3A_256 = arith.addi %mul3A_254, %add3A_255 : i32
        %add3A_257 = arith.addi %mul3A_7, %add3A_256 : i32
        %le3A_258 = arith.constant 780 : i32
        %le3A_259 = arith.cmpi sle, %add3A_257, %le3A_258 : i32
        %convert_element_type3A_260 = arith.extui %le3A_259 : i1 to i32
        %cond3A_261 = arith.constant 0 : i32
        %cond3A_262 = arith.cmpi ne, %convert_element_type3A_260, %cond3A_261 : i32
        scf.if %cond3A_262 {
          %dma_wait3A = arith.constant 256 : i32
          %dma_wait3A_294 = arith.constant 0 : i32
          %dma_wait3A_295 = tpu.memref_slice %arg6[%dma_wait3A, %dma_wait3A_294] : memref<384x128xf32, #tpu.memory_space<vmem>> -> memref<128x128xf32, #tpu.memory_space<vmem>>
          %dma_wait3A_296 = arith.constant 0 : i32
          %dma_wait3A_297 = arith.constant 0 : i32
          %dma_wait3A_298 = tpu.memref_slice %arg3[%dma_wait3A_296, %dma_wait3A_297] : memref<100000x128xf32, #tpu.memory_space<hbm>> -> memref<128x128xf32, #tpu.memory_space<hbm>>
          %dma_wait3A_299 = arith.constant 256 : i32
          %dma_wait3A_300 = arith.constant 0 : i32
          %dma_wait3A_301 = tpu.memref_slice %arg6[%dma_wait3A_299, %dma_wait3A_300] : memref<384x128xf32, #tpu.memory_space<vmem>> -> memref<128x128xf32, #tpu.memory_space<vmem>>
          %dma_wait3A_302 = arith.constant 0 : i32
          %dma_wait3A_303 = arith.constant 0 : i32
          %dma_wait3A_304 = tpu.memref_slice %arg3[%dma_wait3A_302, %dma_wait3A_303] : memref<100000x128xf32, #tpu.memory_space<hbm>> -> memref<128x128xf32, #tpu.memory_space<hbm>>
          tpu.wait_dma2 semaphore(%arg9 : memref<!tpu.dma_semaphore, #tpu.memory_space<semaphore_mem>>) src(%dma_wait3A_304 : memref<128x128xf32, #tpu.memory_space<hbm>>) dst(%dma_wait3A_301 : memref<128x128xf32, #tpu.memory_space<vmem>>)
        } else {
        }
        %eq3A_263 = arith.constant 781 : i32
        %eq3A_264 = arith.cmpi eq, %add3A_257, %eq3A_263 : i32
        %convert_element_type3A_265 = arith.extui %eq3A_264 : i1 to i32
        %cond3A_266 = arith.constant 0 : i32
        %cond3A_267 = arith.cmpi ne, %convert_element_type3A_265, %cond3A_266 : i32
        scf.if %cond3A_267 {
          %dma_wait3A = arith.constant 256 : i32
          %dma_wait3A_294 = arith.constant 0 : i32
          %dma_wait3A_295 = tpu.memref_slice %arg6[%dma_wait3A, %dma_wait3A_294] : memref<384x128xf32, #tpu.memory_space<vmem>> -> memref<32x128xf32, #tpu.memory_space<vmem>>
          %dma_wait3A_296 = arith.constant 0 : i32
          %dma_wait3A_297 = arith.constant 0 : i32
          %dma_wait3A_298 = tpu.memref_slice %arg3[%dma_wait3A_296, %dma_wait3A_297] : memref<100000x128xf32, #tpu.memory_space<hbm>> -> memref<32x128xf32, #tpu.memory_space<hbm>>
          %dma_wait3A_299 = arith.constant 256 : i32
          %dma_wait3A_300 = arith.constant 0 : i32
          %dma_wait3A_301 = tpu.memref_slice %arg6[%dma_wait3A_299, %dma_wait3A_300] : memref<384x128xf32, #tpu.memory_space<vmem>> -> memref<32x128xf32, #tpu.memory_space<vmem>>
          %dma_wait3A_302 = arith.constant 0 : i32
          %dma_wait3A_303 = arith.constant 0 : i32
          %dma_wait3A_304 = tpu.memref_slice %arg3[%dma_wait3A_302, %dma_wait3A_303] : memref<100000x128xf32, #tpu.memory_space<hbm>> -> memref<32x128xf32, #tpu.memory_space<hbm>>
          tpu.wait_dma2 semaphore(%arg9 : memref<!tpu.dma_semaphore, #tpu.memory_space<semaphore_mem>>) src(%dma_wait3A_304 : memref<32x128xf32, #tpu.memory_space<hbm>>) dst(%dma_wait3A_301 : memref<32x128xf32, #tpu.memory_space<vmem>>)
        } else {
        }
        %add3A_268 = arith.addi %mul3A_7, %add3A_256 : i32
        %le3A_269 = arith.constant 780 : i32
        %le3A_270 = arith.cmpi sle, %add3A_268, %le3A_269 : i32
        %convert_element_type3A_271 = arith.extui %le3A_270 : i1 to i32
        %cond3A_272 = arith.constant 0 : i32
        %cond3A_273 = arith.cmpi ne, %convert_element_type3A_271, %cond3A_272 : i32
        scf.if %cond3A_273 {
          %mul3A_294 = arith.constant 128 : i32
          %mul3A_295 = arith.muli %add3A_268, %mul3A_294 : i32
          "tpu.region"() ({
            %run_scoped3A = tpu.sem_alloc : memref<!tpu.dma_semaphore, #tpu.memory_space<semaphore_mem>>
            %dma_start3A = arith.constant 256 : i32
            %dma_start3A_296 = arith.constant 0 : i32
            %dma_start3A_297 = tpu.memref_slice %arg6[%dma_start3A, %dma_start3A_296] : memref<384x128xf32, #tpu.memory_space<vmem>> -> memref<128x128xf32, #tpu.memory_space<vmem>>
            %dma_start3A_298 = arith.constant 0 : i32
            %dma_start3A_299 = tpu.memref_slice %arg4[%mul3A_295, %dma_start3A_298] : memref<100000x128xf32, #tpu.memory_space<hbm>> -> memref<128x128xf32, #tpu.memory_space<hbm>>
            %dma_start3A_300 = arith.constant 0 : i32
            %dma_start3A_301 = tpu.memref_slice %arg4[%mul3A_295, %dma_start3A_300] : memref<100000x128xf32, #tpu.memory_space<hbm>> -> memref<128x128xf32, #tpu.memory_space<hbm>>
            %dma_start3A_302 = arith.constant 256 : i32
            %dma_start3A_303 = arith.constant 0 : i32
            %dma_start3A_304 = tpu.memref_slice %arg6[%dma_start3A_302, %dma_start3A_303] : memref<384x128xf32, #tpu.memory_space<vmem>> -> memref<128x128xf32, #tpu.memory_space<vmem>>
            tpu.enqueue_dma source(%dma_start3A_304 : memref<128x128xf32, #tpu.memory_space<vmem>>) target(%dma_start3A_301 : memref<128x128xf32, #tpu.memory_space<hbm>>) target_semaphore(%run_scoped3A : memref<!tpu.dma_semaphore, #tpu.memory_space<semaphore_mem>>)
            %dma_wait3A = arith.constant 256 : i32
            %dma_wait3A_305 = arith.constant 0 : i32
            %dma_wait3A_306 = tpu.memref_slice %arg6[%dma_wait3A, %dma_wait3A_305] : memref<384x128xf32, #tpu.memory_space<vmem>> -> memref<128x128xf32, #tpu.memory_space<vmem>>
            %dma_wait3A_307 = arith.constant 0 : i32
            %dma_wait3A_308 = tpu.memref_slice %arg4[%mul3A_295, %dma_wait3A_307] : memref<100000x128xf32, #tpu.memory_space<hbm>> -> memref<128x128xf32, #tpu.memory_space<hbm>>
            %dma_wait3A_309 = arith.constant 0 : i32
            %dma_wait3A_310 = tpu.memref_slice %arg4[%mul3A_295, %dma_wait3A_309] : memref<100000x128xf32, #tpu.memory_space<hbm>> -> memref<128x128xf32, #tpu.memory_space<hbm>>
            %dma_wait3A_311 = arith.constant 256 : i32
            %dma_wait3A_312 = arith.constant 0 : i32
            %dma_wait3A_313 = tpu.memref_slice %arg6[%dma_wait3A_311, %dma_wait3A_312] : memref<384x128xf32, #tpu.memory_space<vmem>> -> memref<128x128xf32, #tpu.memory_space<vmem>>
            tpu.wait_dma2 semaphore(%run_scoped3A : memref<!tpu.dma_semaphore, #tpu.memory_space<semaphore_mem>>) src(%dma_wait3A_313 : memref<128x128xf32, #tpu.memory_space<vmem>>) dst(%dma_wait3A_310 : memref<128x128xf32, #tpu.memory_space<hbm>>)
            tpu.yield
          }) : () -> ()
        } else {
        }
        %eq3A_274 = arith.constant 781 : i32
        %eq3A_275 = arith.cmpi eq, %add3A_268, %eq3A_274 : i32
        %convert_element_type3A_276 = arith.extui %eq3A_275 : i1 to i32
        %cond3A_277 = arith.constant 0 : i32
        %cond3A_278 = arith.cmpi ne, %convert_element_type3A_276, %cond3A_277 : i32
        scf.if %cond3A_278 {
          %mul3A_294 = arith.constant 128 : i32
          %mul3A_295 = arith.muli %add3A_268, %mul3A_294 : i32
          "tpu.region"() ({
            %run_scoped3A = tpu.sem_alloc : memref<!tpu.dma_semaphore, #tpu.memory_space<semaphore_mem>>
            %dma_start3A = arith.constant 256 : i32
            %dma_start3A_296 = arith.constant 0 : i32
            %dma_start3A_297 = tpu.memref_slice %arg6[%dma_start3A, %dma_start3A_296] : memref<384x128xf32, #tpu.memory_space<vmem>> -> memref<32x128xf32, #tpu.memory_space<vmem>>
            %dma_start3A_298 = arith.constant 0 : i32
            %dma_start3A_299 = tpu.memref_slice %arg4[%mul3A_295, %dma_start3A_298] : memref<100000x128xf32, #tpu.memory_space<hbm>> -> memref<32x128xf32, #tpu.memory_space<hbm>>
            %dma_start3A_300 = arith.constant 0 : i32
            %dma_start3A_301 = tpu.memref_slice %arg4[%mul3A_295, %dma_start3A_300] : memref<100000x128xf32, #tpu.memory_space<hbm>> -> memref<32x128xf32, #tpu.memory_space<hbm>>
            %dma_start3A_302 = arith.constant 256 : i32
            %dma_start3A_303 = arith.constant 0 : i32
            %dma_start3A_304 = tpu.memref_slice %arg6[%dma_start3A_302, %dma_start3A_303] : memref<384x128xf32, #tpu.memory_space<vmem>> -> memref<32x128xf32, #tpu.memory_space<vmem>>
            tpu.enqueue_dma source(%dma_start3A_304 : memref<32x128xf32, #tpu.memory_space<vmem>>) target(%dma_start3A_301 : memref<32x128xf32, #tpu.memory_space<hbm>>) target_semaphore(%run_scoped3A : memref<!tpu.dma_semaphore, #tpu.memory_space<semaphore_mem>>)
            %dma_wait3A = arith.constant 256 : i32
            %dma_wait3A_305 = arith.constant 0 : i32
            %dma_wait3A_306 = tpu.memref_slice %arg6[%dma_wait3A, %dma_wait3A_305] : memref<384x128xf32, #tpu.memory_space<vmem>> -> memref<32x128xf32, #tpu.memory_space<vmem>>
            %dma_wait3A_307 = arith.constant 0 : i32
            %dma_wait3A_308 = tpu.memref_slice %arg4[%mul3A_295, %dma_wait3A_307] : memref<100000x128xf32, #tpu.memory_space<hbm>> -> memref<32x128xf32, #tpu.memory_space<hbm>>
            %dma_wait3A_309 = arith.constant 0 : i32
            %dma_wait3A_310 = tpu.memref_slice %arg4[%mul3A_295, %dma_wait3A_309] : memref<100000x128xf32, #tpu.memory_space<hbm>> -> memref<32x128xf32, #tpu.memory_space<hbm>>
            %dma_wait3A_311 = arith.constant 256 : i32
            %dma_wait3A_312 = arith.constant 0 : i32
            %dma_wait3A_313 = tpu.memref_slice %arg6[%dma_wait3A_311, %dma_wait3A_312] : memref<384x128xf32, #tpu.memory_space<vmem>> -> memref<32x128xf32, #tpu.memory_space<vmem>>
            tpu.wait_dma2 semaphore(%run_scoped3A : memref<!tpu.dma_semaphore, #tpu.memory_space<semaphore_mem>>) src(%dma_wait3A_313 : memref<32x128xf32, #tpu.memory_space<vmem>>) dst(%dma_wait3A_310 : memref<32x128xf32, #tpu.memory_space<hbm>>)
            tpu.yield
          }) : () -> ()
        } else {
        }
        %add3A_279 = arith.addi %mul3A_7, %add3A_256 : i32
        %add3A_280 = arith.constant 3 : i32
        %add3A_281 = arith.addi %add3A_279, %add3A_280 : i32
        %add3A_282 = arith.constant 3 : i32
        %add3A_283 = arith.addi %add3A_256, %add3A_282 : i32
        %le3A_284 = arith.constant 780 : i32
        %le3A_285 = arith.cmpi sle, %add3A_281, %le3A_284 : i32
        %convert_element_type3A_286 = arith.extui %le3A_285 : i1 to i32
        %cond3A_287 = arith.constant 0 : i32
        %cond3A_288 = arith.cmpi ne, %convert_element_type3A_286, %cond3A_287 : i32
        scf.if %cond3A_288 {
          %mul3A_294 = arith.constant 128 : i32
          %mul3A_295 = arith.muli %add3A_283, %mul3A_294 : i32
          %dma_start3A = arith.constant 256 : i32
          %dma_start3A_296 = arith.constant 0 : i32
          %dma_start3A_297 = tpu.memref_slice %arg6[%dma_start3A, %dma_start3A_296] : memref<384x128xf32, #tpu.memory_space<vmem>> -> memref<128x128xf32, #tpu.memory_space<vmem>>
          %dma_start3A_298 = tpu.memref_slice %arg5[%mul3A_295] : memref<3968xi32, #tpu.memory_space<vmem>> -> memref<128xi32, #tpu.memory_space<vmem>>
          %dma_start3A_299 = arith.constant 0 : i32
          %dma_start3A_300 = arith.constant 0 : i32
          %dma_start3A_301 = tpu.memref_slice %arg3[%dma_start3A_299, %dma_start3A_300] : memref<100000x128xf32, #tpu.memory_space<hbm>> -> memref<100000x128xf32, #tpu.memory_space<hbm>>
          tpu.enqueue_indirect_dma source(%dma_start3A_301 : memref<100000x128xf32, #tpu.memory_space<hbm>>) target(%dma_start3A_297 : memref<128x128xf32, #tpu.memory_space<vmem>>) offsets(%dma_start3A_298 : memref<128xi32, #tpu.memory_space<vmem>>) semaphore(%arg9 : memref<!tpu.dma_semaphore, #tpu.memory_space<semaphore_mem>>)
        } else {
        }
        %eq3A_289 = arith.constant 781 : i32
        %eq3A_290 = arith.cmpi eq, %add3A_281, %eq3A_289 : i32
        %convert_element_type3A_291 = arith.extui %eq3A_290 : i1 to i32
        %cond3A_292 = arith.constant 0 : i32
        %cond3A_293 = arith.cmpi ne, %convert_element_type3A_291, %cond3A_292 : i32
        scf.if %cond3A_293 {
          %mul3A_294 = arith.constant 128 : i32
          %mul3A_295 = arith.muli %add3A_283, %mul3A_294 : i32
          %dma_start3A = arith.constant 256 : i32
          %dma_start3A_296 = arith.constant 0 : i32
          %dma_start3A_297 = tpu.memref_slice %arg6[%dma_start3A, %dma_start3A_296] : memref<384x128xf32, #tpu.memory_space<vmem>> -> memref<32x128xf32, #tpu.memory_space<vmem>>
          %dma_start3A_298 = tpu.memref_slice %arg5[%mul3A_295] : memref<3968xi32, #tpu.memory_space<vmem>> -> memref<32xi32, #tpu.memory_space<vmem>>
          %dma_start3A_299 = arith.constant 0 : i32
          %dma_start3A_300 = arith.constant 0 : i32
          %dma_start3A_301 = tpu.memref_slice %arg3[%dma_start3A_299, %dma_start3A_300] : memref<100000x128xf32, #tpu.memory_space<hbm>> -> memref<100000x128xf32, #tpu.memory_space<hbm>>
          tpu.enqueue_indirect_dma source(%dma_start3A_301 : memref<100000x128xf32, #tpu.memory_space<hbm>>) target(%dma_start3A_297 : memref<32x128xf32, #tpu.memory_space<vmem>>) offsets(%dma_start3A_298 : memref<32xi32, #tpu.memory_space<vmem>>) semaphore(%arg9 : memref<!tpu.dma_semaphore, #tpu.memory_space<semaphore_mem>>)
        } else {
        }
      }
      %scan3A_59 = arith.constant 9 : i32
      %add3A_60 = arith.constant 27 : i32
      %add3A_61 = arith.addi %mul3A_7, %add3A_60 : i32
      %le3A_62 = arith.constant 780 : i32
      %le3A_63 = arith.cmpi sle, %add3A_61, %le3A_62 : i32
      %convert_element_type3A_64 = arith.extui %le3A_63 : i1 to i32
      %cond3A_65 = arith.constant 0 : i32
      %cond3A_66 = arith.cmpi ne, %convert_element_type3A_64, %cond3A_65 : i32
      scf.if %cond3A_66 {
        %dma_wait3A = arith.constant 0 : i32
        %dma_wait3A_170 = arith.constant 0 : i32
        %dma_wait3A_171 = tpu.memref_slice %arg6[%dma_wait3A, %dma_wait3A_170] : memref<384x128xf32, #tpu.memory_space<vmem>> -> memref<128x128xf32, #tpu.memory_space<vmem>>
        %dma_wait3A_172 = arith.constant 0 : i32
        %dma_wait3A_173 = arith.constant 0 : i32
        %dma_wait3A_174 = tpu.memref_slice %arg3[%dma_wait3A_172, %dma_wait3A_173] : memref<100000x128xf32, #tpu.memory_space<hbm>> -> memref<128x128xf32, #tpu.memory_space<hbm>>
        %dma_wait3A_175 = arith.constant 0 : i32
        %dma_wait3A_176 = arith.constant 0 : i32
        %dma_wait3A_177 = tpu.memref_slice %arg6[%dma_wait3A_175, %dma_wait3A_176] : memref<384x128xf32, #tpu.memory_space<vmem>> -> memref<128x128xf32, #tpu.memory_space<vmem>>
        %dma_wait3A_178 = arith.constant 0 : i32
        %dma_wait3A_179 = arith.constant 0 : i32
        %dma_wait3A_180 = tpu.memref_slice %arg3[%dma_wait3A_178, %dma_wait3A_179] : memref<100000x128xf32, #tpu.memory_space<hbm>> -> memref<128x128xf32, #tpu.memory_space<hbm>>
        tpu.wait_dma2 semaphore(%arg7 : memref<!tpu.dma_semaphore, #tpu.memory_space<semaphore_mem>>) src(%dma_wait3A_180 : memref<128x128xf32, #tpu.memory_space<hbm>>) dst(%dma_wait3A_177 : memref<128x128xf32, #tpu.memory_space<vmem>>)
      } else {
      }
      %eq3A_67 = arith.constant 781 : i32
      %eq3A_68 = arith.cmpi eq, %add3A_61, %eq3A_67 : i32
      %convert_element_type3A_69 = arith.extui %eq3A_68 : i1 to i32
      %cond3A_70 = arith.constant 0 : i32
      %cond3A_71 = arith.cmpi ne, %convert_element_type3A_69, %cond3A_70 : i32
      scf.if %cond3A_71 {
        %dma_wait3A = arith.constant 0 : i32
        %dma_wait3A_170 = arith.constant 0 : i32
        %dma_wait3A_171 = tpu.memref_slice %arg6[%dma_wait3A, %dma_wait3A_170] : memref<384x128xf32, #tpu.memory_space<vmem>> -> memref<32x128xf32, #tpu.memory_space<vmem>>
        %dma_wait3A_172 = arith.constant 0 : i32
        %dma_wait3A_173 = arith.constant 0 : i32
        %dma_wait3A_174 = tpu.memref_slice %arg3[%dma_wait3A_172, %dma_wait3A_173] : memref<100000x128xf32, #tpu.memory_space<hbm>> -> memref<32x128xf32, #tpu.memory_space<hbm>>
        %dma_wait3A_175 = arith.constant 0 : i32
        %dma_wait3A_176 = arith.constant 0 : i32
        %dma_wait3A_177 = tpu.memref_slice %arg6[%dma_wait3A_175, %dma_wait3A_176] : memref<384x128xf32, #tpu.memory_space<vmem>> -> memref<32x128xf32, #tpu.memory_space<vmem>>
        %dma_wait3A_178 = arith.constant 0 : i32
        %dma_wait3A_179 = arith.constant 0 : i32
        %dma_wait3A_180 = tpu.memref_slice %arg3[%dma_wait3A_178, %dma_wait3A_179] : memref<100000x128xf32, #tpu.memory_space<hbm>> -> memref<32x128xf32, #tpu.memory_space<hbm>>
        tpu.wait_dma2 semaphore(%arg7 : memref<!tpu.dma_semaphore, #tpu.memory_space<semaphore_mem>>) src(%dma_wait3A_180 : memref<32x128xf32, #tpu.memory_space<hbm>>) dst(%dma_wait3A_177 : memref<32x128xf32, #tpu.memory_space<vmem>>)
      } else {
      }
      %add3A_72 = arith.constant 27 : i32
      %add3A_73 = arith.addi %mul3A_7, %add3A_72 : i32
      %le3A_74 = arith.constant 780 : i32
      %le3A_75 = arith.cmpi sle, %add3A_73, %le3A_74 : i32
      %convert_element_type3A_76 = arith.extui %le3A_75 : i1 to i32
      %cond3A_77 = arith.constant 0 : i32
      %cond3A_78 = arith.cmpi ne, %convert_element_type3A_76, %cond3A_77 : i32
      scf.if %cond3A_78 {
        %mul3A_170 = arith.constant 128 : i32
        %mul3A_171 = arith.muli %add3A_73, %mul3A_170 : i32
        "tpu.region"() ({
          %run_scoped3A = tpu.sem_alloc : memref<!tpu.dma_semaphore, #tpu.memory_space<semaphore_mem>>
          %dma_start3A = arith.constant 0 : i32
          %dma_start3A_172 = arith.constant 0 : i32
          %dma_start3A_173 = tpu.memref_slice %arg6[%dma_start3A, %dma_start3A_172] : memref<384x128xf32, #tpu.memory_space<vmem>> -> memref<128x128xf32, #tpu.memory_space<vmem>>
          %dma_start3A_174 = arith.constant 0 : i32
          %dma_start3A_175 = tpu.memref_slice %arg4[%mul3A_171, %dma_start3A_174] : memref<100000x128xf32, #tpu.memory_space<hbm>> -> memref<128x128xf32, #tpu.memory_space<hbm>>
          %dma_start3A_176 = arith.constant 0 : i32
          %dma_start3A_177 = tpu.memref_slice %arg4[%mul3A_171, %dma_start3A_176] : memref<100000x128xf32, #tpu.memory_space<hbm>> -> memref<128x128xf32, #tpu.memory_space<hbm>>
          %dma_start3A_178 = arith.constant 0 : i32
          %dma_start3A_179 = arith.constant 0 : i32
          %dma_start3A_180 = tpu.memref_slice %arg6[%dma_start3A_178, %dma_start3A_179] : memref<384x128xf32, #tpu.memory_space<vmem>> -> memref<128x128xf32, #tpu.memory_space<vmem>>
          tpu.enqueue_dma source(%dma_start3A_180 : memref<128x128xf32, #tpu.memory_space<vmem>>) target(%dma_start3A_177 : memref<128x128xf32, #tpu.memory_space<hbm>>) target_semaphore(%run_scoped3A : memref<!tpu.dma_semaphore, #tpu.memory_space<semaphore_mem>>)
          %dma_wait3A = arith.constant 0 : i32
          %dma_wait3A_181 = arith.constant 0 : i32
          %dma_wait3A_182 = tpu.memref_slice %arg6[%dma_wait3A, %dma_wait3A_181] : memref<384x128xf32, #tpu.memory_space<vmem>> -> memref<128x128xf32, #tpu.memory_space<vmem>>
          %dma_wait3A_183 = arith.constant 0 : i32
          %dma_wait3A_184 = tpu.memref_slice %arg4[%mul3A_171, %dma_wait3A_183] : memref<100000x128xf32, #tpu.memory_space<hbm>> -> memref<128x128xf32, #tpu.memory_space<hbm>>
          %dma_wait3A_185 = arith.constant 0 : i32
          %dma_wait3A_186 = tpu.memref_slice %arg4[%mul3A_171, %dma_wait3A_185] : memref<100000x128xf32, #tpu.memory_space<hbm>> -> memref<128x128xf32, #tpu.memory_space<hbm>>
          %dma_wait3A_187 = arith.constant 0 : i32
          %dma_wait3A_188 = arith.constant 0 : i32
          %dma_wait3A_189 = tpu.memref_slice %arg6[%dma_wait3A_187, %dma_wait3A_188] : memref<384x128xf32, #tpu.memory_space<vmem>> -> memref<128x128xf32, #tpu.memory_space<vmem>>
          tpu.wait_dma2 semaphore(%run_scoped3A : memref<!tpu.dma_semaphore, #tpu.memory_space<semaphore_mem>>) src(%dma_wait3A_189 : memref<128x128xf32, #tpu.memory_space<vmem>>) dst(%dma_wait3A_186 : memref<128x128xf32, #tpu.memory_space<hbm>>)
          tpu.yield
        }) : () -> ()
      } else {
      }
      %eq3A_79 = arith.constant 781 : i32
      %eq3A_80 = arith.cmpi eq, %add3A_73, %eq3A_79 : i32
      %convert_element_type3A_81 = arith.extui %eq3A_80 : i1 to i32
      %cond3A_82 = arith.constant 0 : i32
      %cond3A_83 = arith.cmpi ne, %convert_element_type3A_81, %cond3A_82 : i32
      scf.if %cond3A_83 {
        %mul3A_170 = arith.constant 128 : i32
        %mul3A_171 = arith.muli %add3A_73, %mul3A_170 : i32
        "tpu.region"() ({
          %run_scoped3A = tpu.sem_alloc : memref<!tpu.dma_semaphore, #tpu.memory_space<semaphore_mem>>
          %dma_start3A = arith.constant 0 : i32
          %dma_start3A_172 = arith.constant 0 : i32
          %dma_start3A_173 = tpu.memref_slice %arg6[%dma_start3A, %dma_start3A_172] : memref<384x128xf32, #tpu.memory_space<vmem>> -> memref<32x128xf32, #tpu.memory_space<vmem>>
          %dma_start3A_174 = arith.constant 0 : i32
          %dma_start3A_175 = tpu.memref_slice %arg4[%mul3A_171, %dma_start3A_174] : memref<100000x128xf32, #tpu.memory_space<hbm>> -> memref<32x128xf32, #tpu.memory_space<hbm>>
          %dma_start3A_176 = arith.constant 0 : i32
          %dma_start3A_177 = tpu.memref_slice %arg4[%mul3A_171, %dma_start3A_176] : memref<100000x128xf32, #tpu.memory_space<hbm>> -> memref<32x128xf32, #tpu.memory_space<hbm>>
          %dma_start3A_178 = arith.constant 0 : i32
          %dma_start3A_179 = arith.constant 0 : i32
          %dma_start3A_180 = tpu.memref_slice %arg6[%dma_start3A_178, %dma_start3A_179] : memref<384x128xf32, #tpu.memory_space<vmem>> -> memref<32x128xf32, #tpu.memory_space<vmem>>
          tpu.enqueue_dma source(%dma_start3A_180 : memref<32x128xf32, #tpu.memory_space<vmem>>) target(%dma_start3A_177 : memref<32x128xf32, #tpu.memory_space<hbm>>) target_semaphore(%run_scoped3A : memref<!tpu.dma_semaphore, #tpu.memory_space<semaphore_mem>>)
          %dma_wait3A = arith.constant 0 : i32
          %dma_wait3A_181 = arith.constant 0 : i32
          %dma_wait3A_182 = tpu.memref_slice %arg6[%dma_wait3A, %dma_wait3A_181] : memref<384x128xf32, #tpu.memory_space<vmem>> -> memref<32x128xf32, #tpu.memory_space<vmem>>
          %dma_wait3A_183 = arith.constant 0 : i32
          %dma_wait3A_184 = tpu.memref_slice %arg4[%mul3A_171, %dma_wait3A_183] : memref<100000x128xf32, #tpu.memory_space<hbm>> -> memref<32x128xf32, #tpu.memory_space<hbm>>
          %dma_wait3A_185 = arith.constant 0 : i32
          %dma_wait3A_186 = tpu.memref_slice %arg4[%mul3A_171, %dma_wait3A_185] : memref<100000x128xf32, #tpu.memory_space<hbm>> -> memref<32x128xf32, #tpu.memory_space<hbm>>
          %dma_wait3A_187 = arith.constant 0 : i32
          %dma_wait3A_188 = arith.constant 0 : i32
          %dma_wait3A_189 = tpu.memref_slice %arg6[%dma_wait3A_187, %dma_wait3A_188] : memref<384x128xf32, #tpu.memory_space<vmem>> -> memref<32x128xf32, #tpu.memory_space<vmem>>
          tpu.wait_dma2 semaphore(%run_scoped3A : memref<!tpu.dma_semaphore, #tpu.memory_space<semaphore_mem>>) src(%dma_wait3A_189 : memref<32x128xf32, #tpu.memory_space<vmem>>) dst(%dma_wait3A_186 : memref<32x128xf32, #tpu.memory_space<hbm>>)
          tpu.yield
        }) : () -> ()
      } else {
      }
      %add3A_84 = arith.constant 27 : i32
      %add3A_85 = arith.addi %mul3A_7, %add3A_84 : i32
      %add3A_86 = arith.constant 3 : i32
      %add3A_87 = arith.addi %add3A_85, %add3A_86 : i32
      %le3A_88 = arith.constant 780 : i32
      %le3A_89 = arith.cmpi sle, %add3A_87, %le3A_88 : i32
      %convert_element_type3A_90 = arith.extui %le3A_89 : i1 to i32
      %cond3A_91 = arith.constant 0 : i32
      %cond3A_92 = arith.cmpi ne, %convert_element_type3A_90, %cond3A_91 : i32
      scf.if %cond3A_92 {
        %dma_start3A = arith.constant 0 : i32
        %dma_start3A_170 = arith.constant 0 : i32
        %dma_start3A_171 = tpu.memref_slice %arg6[%dma_start3A, %dma_start3A_170] : memref<384x128xf32, #tpu.memory_space<vmem>> -> memref<128x128xf32, #tpu.memory_space<vmem>>
        %dma_start3A_172 = arith.constant 3840 : i32
        %dma_start3A_173 = tpu.memref_slice %arg5[%dma_start3A_172] : memref<3968xi32, #tpu.memory_space<vmem>> -> memref<128xi32, #tpu.memory_space<vmem>>
        %dma_start3A_174 = arith.constant 0 : i32
        %dma_start3A_175 = arith.constant 0 : i32
        %dma_start3A_176 = tpu.memref_slice %arg3[%dma_start3A_174, %dma_start3A_175] : memref<100000x128xf32, #tpu.memory_space<hbm>> -> memref<100000x128xf32, #tpu.memory_space<hbm>>
        tpu.enqueue_indirect_dma source(%dma_start3A_176 : memref<100000x128xf32, #tpu.memory_space<hbm>>) target(%dma_start3A_171 : memref<128x128xf32, #tpu.memory_space<vmem>>) offsets(%dma_start3A_173 : memref<128xi32, #tpu.memory_space<vmem>>) semaphore(%arg7 : memref<!tpu.dma_semaphore, #tpu.memory_space<semaphore_mem>>)
      } else {
      }
      %eq3A_93 = arith.constant 781 : i32
      %eq3A_94 = arith.cmpi eq, %add3A_87, %eq3A_93 : i32
      %convert_element_type3A_95 = arith.extui %eq3A_94 : i1 to i32
      %cond3A_96 = arith.constant 0 : i32
      %cond3A_97 = arith.cmpi ne, %convert_element_type3A_95, %cond3A_96 : i32
      scf.if %cond3A_97 {
        %dma_start3A = arith.constant 0 : i32
        %dma_start3A_170 = arith.constant 0 : i32
        %dma_start3A_171 = tpu.memref_slice %arg6[%dma_start3A, %dma_start3A_170] : memref<384x128xf32, #tpu.memory_space<vmem>> -> memref<32x128xf32, #tpu.memory_space<vmem>>
        %dma_start3A_172 = arith.constant 3840 : i32
        %dma_start3A_173 = tpu.memref_slice %arg5[%dma_start3A_172] : memref<3968xi32, #tpu.memory_space<vmem>> -> memref<32xi32, #tpu.memory_space<vmem>>
        %dma_start3A_174 = arith.constant 0 : i32
        %dma_start3A_175 = arith.constant 0 : i32
        %dma_start3A_176 = tpu.memref_slice %arg3[%dma_start3A_174, %dma_start3A_175] : memref<100000x128xf32, #tpu.memory_space<hbm>> -> memref<100000x128xf32, #tpu.memory_space<hbm>>
        tpu.enqueue_indirect_dma source(%dma_start3A_176 : memref<100000x128xf32, #tpu.memory_space<hbm>>) target(%dma_start3A_171 : memref<32x128xf32, #tpu.memory_space<vmem>>) offsets(%dma_start3A_173 : memref<32xi32, #tpu.memory_space<vmem>>) semaphore(%arg7 : memref<!tpu.dma_semaphore, #tpu.memory_space<semaphore_mem>>)
      } else {
      }
      %add3A_98 = arith.constant 28 : i32
      %add3A_99 = arith.addi %mul3A_7, %add3A_98 : i32
      %le3A_100 = arith.constant 780 : i32
      %le3A_101 = arith.cmpi sle, %add3A_99, %le3A_100 : i32
      %convert_element_type3A_102 = arith.extui %le3A_101 : i1 to i32
      %cond3A_103 = arith.constant 0 : i32
      %cond3A_104 = arith.cmpi ne, %convert_element_type3A_102, %cond3A_103 : i32
      scf.if %cond3A_104 {
        %dma_wait3A = arith.constant 128 : i32
        %dma_wait3A_170 = arith.constant 0 : i32
        %dma_wait3A_171 = tpu.memref_slice %arg6[%dma_wait3A, %dma_wait3A_170] : memref<384x128xf32, #tpu.memory_space<vmem>> -> memref<128x128xf32, #tpu.memory_space<vmem>>
        %dma_wait3A_172 = arith.constant 0 : i32
        %dma_wait3A_173 = arith.constant 0 : i32
        %dma_wait3A_174 = tpu.memref_slice %arg3[%dma_wait3A_172, %dma_wait3A_173] : memref<100000x128xf32, #tpu.memory_space<hbm>> -> memref<128x128xf32, #tpu.memory_space<hbm>>
        %dma_wait3A_175 = arith.constant 128 : i32
        %dma_wait3A_176 = arith.constant 0 : i32
        %dma_wait3A_177 = tpu.memref_slice %arg6[%dma_wait3A_175, %dma_wait3A_176] : memref<384x128xf32, #tpu.memory_space<vmem>> -> memref<128x128xf32, #tpu.memory_space<vmem>>
        %dma_wait3A_178 = arith.constant 0 : i32
        %dma_wait3A_179 = arith.constant 0 : i32
        %dma_wait3A_180 = tpu.memref_slice %arg3[%dma_wait3A_178, %dma_wait3A_179] : memref<100000x128xf32, #tpu.memory_space<hbm>> -> memref<128x128xf32, #tpu.memory_space<hbm>>
        tpu.wait_dma2 semaphore(%arg8 : memref<!tpu.dma_semaphore, #tpu.memory_space<semaphore_mem>>) src(%dma_wait3A_180 : memref<128x128xf32, #tpu.memory_space<hbm>>) dst(%dma_wait3A_177 : memref<128x128xf32, #tpu.memory_space<vmem>>)
      } else {
      }
      %eq3A_105 = arith.constant 781 : i32
      %eq3A_106 = arith.cmpi eq, %add3A_99, %eq3A_105 : i32
      %convert_element_type3A_107 = arith.extui %eq3A_106 : i1 to i32
      %cond3A_108 = arith.constant 0 : i32
      %cond3A_109 = arith.cmpi ne, %convert_element_type3A_107, %cond3A_108 : i32
      scf.if %cond3A_109 {
        %dma_wait3A = arith.constant 128 : i32
        %dma_wait3A_170 = arith.constant 0 : i32
        %dma_wait3A_171 = tpu.memref_slice %arg6[%dma_wait3A, %dma_wait3A_170] : memref<384x128xf32, #tpu.memory_space<vmem>> -> memref<32x128xf32, #tpu.memory_space<vmem>>
        %dma_wait3A_172 = arith.constant 0 : i32
        %dma_wait3A_173 = arith.constant 0 : i32
        %dma_wait3A_174 = tpu.memref_slice %arg3[%dma_wait3A_172, %dma_wait3A_173] : memref<100000x128xf32, #tpu.memory_space<hbm>> -> memref<32x128xf32, #tpu.memory_space<hbm>>
        %dma_wait3A_175 = arith.constant 128 : i32
        %dma_wait3A_176 = arith.constant 0 : i32
        %dma_wait3A_177 = tpu.memref_slice %arg6[%dma_wait3A_175, %dma_wait3A_176] : memref<384x128xf32, #tpu.memory_space<vmem>> -> memref<32x128xf32, #tpu.memory_space<vmem>>
        %dma_wait3A_178 = arith.constant 0 : i32
        %dma_wait3A_179 = arith.constant 0 : i32
        %dma_wait3A_180 = tpu.memref_slice %arg3[%dma_wait3A_178, %dma_wait3A_179] : memref<100000x128xf32, #tpu.memory_space<hbm>> -> memref<32x128xf32, #tpu.memory_space<hbm>>
        tpu.wait_dma2 semaphore(%arg8 : memref<!tpu.dma_semaphore, #tpu.memory_space<semaphore_mem>>) src(%dma_wait3A_180 : memref<32x128xf32, #tpu.memory_space<hbm>>) dst(%dma_wait3A_177 : memref<32x128xf32, #tpu.memory_space<vmem>>)
      } else {
      }
      %add3A_110 = arith.constant 28 : i32
      %add3A_111 = arith.addi %mul3A_7, %add3A_110 : i32
      %le3A_112 = arith.constant 780 : i32
      %le3A_113 = arith.cmpi sle, %add3A_111, %le3A_112 : i32
      %convert_element_type3A_114 = arith.extui %le3A_113 : i1 to i32
      %cond3A_115 = arith.constant 0 : i32
      %cond3A_116 = arith.cmpi ne, %convert_element_type3A_114, %cond3A_115 : i32
      scf.if %cond3A_116 {
        %mul3A_170 = arith.constant 128 : i32
        %mul3A_171 = arith.muli %add3A_111, %mul3A_170 : i32
        "tpu.region"() ({
          %run_scoped3A = tpu.sem_alloc : memref<!tpu.dma_semaphore, #tpu.memory_space<semaphore_mem>>
          %dma_start3A = arith.constant 128 : i32
          %dma_start3A_172 = arith.constant 0 : i32
          %dma_start3A_173 = tpu.memref_slice %arg6[%dma_start3A, %dma_start3A_172] : memref<384x128xf32, #tpu.memory_space<vmem>> -> memref<128x128xf32, #tpu.memory_space<vmem>>
          %dma_start3A_174 = arith.constant 0 : i32
          %dma_start3A_175 = tpu.memref_slice %arg4[%mul3A_171, %dma_start3A_174] : memref<100000x128xf32, #tpu.memory_space<hbm>> -> memref<128x128xf32, #tpu.memory_space<hbm>>
          %dma_start3A_176 = arith.constant 0 : i32
          %dma_start3A_177 = tpu.memref_slice %arg4[%mul3A_171, %dma_start3A_176] : memref<100000x128xf32, #tpu.memory_space<hbm>> -> memref<128x128xf32, #tpu.memory_space<hbm>>
          %dma_start3A_178 = arith.constant 128 : i32
          %dma_start3A_179 = arith.constant 0 : i32
          %dma_start3A_180 = tpu.memref_slice %arg6[%dma_start3A_178, %dma_start3A_179] : memref<384x128xf32, #tpu.memory_space<vmem>> -> memref<128x128xf32, #tpu.memory_space<vmem>>
          tpu.enqueue_dma source(%dma_start3A_180 : memref<128x128xf32, #tpu.memory_space<vmem>>) target(%dma_start3A_177 : memref<128x128xf32, #tpu.memory_space<hbm>>) target_semaphore(%run_scoped3A : memref<!tpu.dma_semaphore, #tpu.memory_space<semaphore_mem>>)
          %dma_wait3A = arith.constant 128 : i32
          %dma_wait3A_181 = arith.constant 0 : i32
          %dma_wait3A_182 = tpu.memref_slice %arg6[%dma_wait3A, %dma_wait3A_181] : memref<384x128xf32, #tpu.memory_space<vmem>> -> memref<128x128xf32, #tpu.memory_space<vmem>>
          %dma_wait3A_183 = arith.constant 0 : i32
          %dma_wait3A_184 = tpu.memref_slice %arg4[%mul3A_171, %dma_wait3A_183] : memref<100000x128xf32, #tpu.memory_space<hbm>> -> memref<128x128xf32, #tpu.memory_space<hbm>>
          %dma_wait3A_185 = arith.constant 0 : i32
          %dma_wait3A_186 = tpu.memref_slice %arg4[%mul3A_171, %dma_wait3A_185] : memref<100000x128xf32, #tpu.memory_space<hbm>> -> memref<128x128xf32, #tpu.memory_space<hbm>>
          %dma_wait3A_187 = arith.constant 128 : i32
          %dma_wait3A_188 = arith.constant 0 : i32
          %dma_wait3A_189 = tpu.memref_slice %arg6[%dma_wait3A_187, %dma_wait3A_188] : memref<384x128xf32, #tpu.memory_space<vmem>> -> memref<128x128xf32, #tpu.memory_space<vmem>>
          tpu.wait_dma2 semaphore(%run_scoped3A : memref<!tpu.dma_semaphore, #tpu.memory_space<semaphore_mem>>) src(%dma_wait3A_189 : memref<128x128xf32, #tpu.memory_space<vmem>>) dst(%dma_wait3A_186 : memref<128x128xf32, #tpu.memory_space<hbm>>)
          tpu.yield
        }) : () -> ()
      } else {
      }
      %eq3A_117 = arith.constant 781 : i32
      %eq3A_118 = arith.cmpi eq, %add3A_111, %eq3A_117 : i32
      %convert_element_type3A_119 = arith.extui %eq3A_118 : i1 to i32
      %cond3A_120 = arith.constant 0 : i32
      %cond3A_121 = arith.cmpi ne, %convert_element_type3A_119, %cond3A_120 : i32
      scf.if %cond3A_121 {
        %mul3A_170 = arith.constant 128 : i32
        %mul3A_171 = arith.muli %add3A_111, %mul3A_170 : i32
        "tpu.region"() ({
          %run_scoped3A = tpu.sem_alloc : memref<!tpu.dma_semaphore, #tpu.memory_space<semaphore_mem>>
          %dma_start3A = arith.constant 128 : i32
          %dma_start3A_172 = arith.constant 0 : i32
          %dma_start3A_173 = tpu.memref_slice %arg6[%dma_start3A, %dma_start3A_172] : memref<384x128xf32, #tpu.memory_space<vmem>> -> memref<32x128xf32, #tpu.memory_space<vmem>>
          %dma_start3A_174 = arith.constant 0 : i32
          %dma_start3A_175 = tpu.memref_slice %arg4[%mul3A_171, %dma_start3A_174] : memref<100000x128xf32, #tpu.memory_space<hbm>> -> memref<32x128xf32, #tpu.memory_space<hbm>>
          %dma_start3A_176 = arith.constant 0 : i32
          %dma_start3A_177 = tpu.memref_slice %arg4[%mul3A_171, %dma_start3A_176] : memref<100000x128xf32, #tpu.memory_space<hbm>> -> memref<32x128xf32, #tpu.memory_space<hbm>>
          %dma_start3A_178 = arith.constant 128 : i32
          %dma_start3A_179 = arith.constant 0 : i32
          %dma_start3A_180 = tpu.memref_slice %arg6[%dma_start3A_178, %dma_start3A_179] : memref<384x128xf32, #tpu.memory_space<vmem>> -> memref<32x128xf32, #tpu.memory_space<vmem>>
          tpu.enqueue_dma source(%dma_start3A_180 : memref<32x128xf32, #tpu.memory_space<vmem>>) target(%dma_start3A_177 : memref<32x128xf32, #tpu.memory_space<hbm>>) target_semaphore(%run_scoped3A : memref<!tpu.dma_semaphore, #tpu.memory_space<semaphore_mem>>)
          %dma_wait3A = arith.constant 128 : i32
          %dma_wait3A_181 = arith.constant 0 : i32
          %dma_wait3A_182 = tpu.memref_slice %arg6[%dma_wait3A, %dma_wait3A_181] : memref<384x128xf32, #tpu.memory_space<vmem>> -> memref<32x128xf32, #tpu.memory_space<vmem>>
          %dma_wait3A_183 = arith.constant 0 : i32
          %dma_wait3A_184 = tpu.memref_slice %arg4[%mul3A_171, %dma_wait3A_183] : memref<100000x128xf32, #tpu.memory_space<hbm>> -> memref<32x128xf32, #tpu.memory_space<hbm>>
          %dma_wait3A_185 = arith.constant 0 : i32
          %dma_wait3A_186 = tpu.memref_slice %arg4[%mul3A_171, %dma_wait3A_185] : memref<100000x128xf32, #tpu.memory_space<hbm>> -> memref<32x128xf32, #tpu.memory_space<hbm>>
          %dma_wait3A_187 = arith.constant 128 : i32
          %dma_wait3A_188 = arith.constant 0 : i32
          %dma_wait3A_189 = tpu.memref_slice %arg6[%dma_wait3A_187, %dma_wait3A_188] : memref<384x128xf32, #tpu.memory_space<vmem>> -> memref<32x128xf32, #tpu.memory_space<vmem>>
          tpu.wait_dma2 semaphore(%run_scoped3A : memref<!tpu.dma_semaphore, #tpu.memory_space<semaphore_mem>>) src(%dma_wait3A_189 : memref<32x128xf32, #tpu.memory_space<vmem>>) dst(%dma_wait3A_186 : memref<32x128xf32, #tpu.memory_space<hbm>>)
          tpu.yield
        }) : () -> ()
      } else {
      }
      %add3A_122 = arith.constant 29 : i32
      %add3A_123 = arith.addi %mul3A_7, %add3A_122 : i32
      %le3A_124 = arith.constant 780 : i32
      %le3A_125 = arith.cmpi sle, %add3A_123, %le3A_124 : i32
      %convert_element_type3A_126 = arith.extui %le3A_125 : i1 to i32
      %cond3A_127 = arith.constant 0 : i32
      %cond3A_128 = arith.cmpi ne, %convert_element_type3A_126, %cond3A_127 : i32
      scf.if %cond3A_128 {
        %dma_wait3A = arith.constant 256 : i32
        %dma_wait3A_170 = arith.constant 0 : i32
        %dma_wait3A_171 = tpu.memref_slice %arg6[%dma_wait3A, %dma_wait3A_170] : memref<384x128xf32, #tpu.memory_space<vmem>> -> memref<128x128xf32, #tpu.memory_space<vmem>>
        %dma_wait3A_172 = arith.constant 0 : i32
        %dma_wait3A_173 = arith.constant 0 : i32
        %dma_wait3A_174 = tpu.memref_slice %arg3[%dma_wait3A_172, %dma_wait3A_173] : memref<100000x128xf32, #tpu.memory_space<hbm>> -> memref<128x128xf32, #tpu.memory_space<hbm>>
        %dma_wait3A_175 = arith.constant 256 : i32
        %dma_wait3A_176 = arith.constant 0 : i32
        %dma_wait3A_177 = tpu.memref_slice %arg6[%dma_wait3A_175, %dma_wait3A_176] : memref<384x128xf32, #tpu.memory_space<vmem>> -> memref<128x128xf32, #tpu.memory_space<vmem>>
        %dma_wait3A_178 = arith.constant 0 : i32
        %dma_wait3A_179 = arith.constant 0 : i32
        %dma_wait3A_180 = tpu.memref_slice %arg3[%dma_wait3A_178, %dma_wait3A_179] : memref<100000x128xf32, #tpu.memory_space<hbm>> -> memref<128x128xf32, #tpu.memory_space<hbm>>
        tpu.wait_dma2 semaphore(%arg9 : memref<!tpu.dma_semaphore, #tpu.memory_space<semaphore_mem>>) src(%dma_wait3A_180 : memref<128x128xf32, #tpu.memory_space<hbm>>) dst(%dma_wait3A_177 : memref<128x128xf32, #tpu.memory_space<vmem>>)
      } else {
      }
      %eq3A_129 = arith.constant 781 : i32
      %eq3A_130 = arith.cmpi eq, %add3A_123, %eq3A_129 : i32
      %convert_element_type3A_131 = arith.extui %eq3A_130 : i1 to i32
      %cond3A_132 = arith.constant 0 : i32
      %cond3A_133 = arith.cmpi ne, %convert_element_type3A_131, %cond3A_132 : i32
      scf.if %cond3A_133 {
        %dma_wait3A = arith.constant 256 : i32
        %dma_wait3A_170 = arith.constant 0 : i32
        %dma_wait3A_171 = tpu.memref_slice %arg6[%dma_wait3A, %dma_wait3A_170] : memref<384x128xf32, #tpu.memory_space<vmem>> -> memref<32x128xf32, #tpu.memory_space<vmem>>
        %dma_wait3A_172 = arith.constant 0 : i32
        %dma_wait3A_173 = arith.constant 0 : i32
        %dma_wait3A_174 = tpu.memref_slice %arg3[%dma_wait3A_172, %dma_wait3A_173] : memref<100000x128xf32, #tpu.memory_space<hbm>> -> memref<32x128xf32, #tpu.memory_space<hbm>>
        %dma_wait3A_175 = arith.constant 256 : i32
        %dma_wait3A_176 = arith.constant 0 : i32
        %dma_wait3A_177 = tpu.memref_slice %arg6[%dma_wait3A_175, %dma_wait3A_176] : memref<384x128xf32, #tpu.memory_space<vmem>> -> memref<32x128xf32, #tpu.memory_space<vmem>>
        %dma_wait3A_178 = arith.constant 0 : i32
        %dma_wait3A_179 = arith.constant 0 : i32
        %dma_wait3A_180 = tpu.memref_slice %arg3[%dma_wait3A_178, %dma_wait3A_179] : memref<100000x128xf32, #tpu.memory_space<hbm>> -> memref<32x128xf32, #tpu.memory_space<hbm>>
        tpu.wait_dma2 semaphore(%arg9 : memref<!tpu.dma_semaphore, #tpu.memory_space<semaphore_mem>>) src(%dma_wait3A_180 : memref<32x128xf32, #tpu.memory_space<hbm>>) dst(%dma_wait3A_177 : memref<32x128xf32, #tpu.memory_space<vmem>>)
      } else {
      }
      %add3A_134 = arith.constant 29 : i32
      %add3A_135 = arith.addi %mul3A_7, %add3A_134 : i32
      %le3A_136 = arith.constant 780 : i32
      %le3A_137 = arith.cmpi sle, %add3A_135, %le3A_136 : i32
      %convert_element_type3A_138 = arith.extui %le3A_137 : i1 to i32
      %cond3A_139 = arith.constant 0 : i32
      %cond3A_140 = arith.cmpi ne, %convert_element_type3A_138, %cond3A_139 : i32
      scf.if %cond3A_140 {
        %mul3A_170 = arith.constant 128 : i32
        %mul3A_171 = arith.muli %add3A_135, %mul3A_170 : i32
        "tpu.region"() ({
          %run_scoped3A = tpu.sem_alloc : memref<!tpu.dma_semaphore, #tpu.memory_space<semaphore_mem>>
          %dma_start3A = arith.constant 256 : i32
          %dma_start3A_172 = arith.constant 0 : i32
          %dma_start3A_173 = tpu.memref_slice %arg6[%dma_start3A, %dma_start3A_172] : memref<384x128xf32, #tpu.memory_space<vmem>> -> memref<128x128xf32, #tpu.memory_space<vmem>>
          %dma_start3A_174 = arith.constant 0 : i32
          %dma_start3A_175 = tpu.memref_slice %arg4[%mul3A_171, %dma_start3A_174] : memref<100000x128xf32, #tpu.memory_space<hbm>> -> memref<128x128xf32, #tpu.memory_space<hbm>>
          %dma_start3A_176 = arith.constant 0 : i32
          %dma_start3A_177 = tpu.memref_slice %arg4[%mul3A_171, %dma_start3A_176] : memref<100000x128xf32, #tpu.memory_space<hbm>> -> memref<128x128xf32, #tpu.memory_space<hbm>>
          %dma_start3A_178 = arith.constant 256 : i32
          %dma_start3A_179 = arith.constant 0 : i32
          %dma_start3A_180 = tpu.memref_slice %arg6[%dma_start3A_178, %dma_start3A_179] : memref<384x128xf32, #tpu.memory_space<vmem>> -> memref<128x128xf32, #tpu.memory_space<vmem>>
          tpu.enqueue_dma source(%dma_start3A_180 : memref<128x128xf32, #tpu.memory_space<vmem>>) target(%dma_start3A_177 : memref<128x128xf32, #tpu.memory_space<hbm>>) target_semaphore(%run_scoped3A : memref<!tpu.dma_semaphore, #tpu.memory_space<semaphore_mem>>)
          %dma_wait3A = arith.constant 256 : i32
          %dma_wait3A_181 = arith.constant 0 : i32
          %dma_wait3A_182 = tpu.memref_slice %arg6[%dma_wait3A, %dma_wait3A_181] : memref<384x128xf32, #tpu.memory_space<vmem>> -> memref<128x128xf32, #tpu.memory_space<vmem>>
          %dma_wait3A_183 = arith.constant 0 : i32
          %dma_wait3A_184 = tpu.memref_slice %arg4[%mul3A_171, %dma_wait3A_183] : memref<100000x128xf32, #tpu.memory_space<hbm>> -> memref<128x128xf32, #tpu.memory_space<hbm>>
          %dma_wait3A_185 = arith.constant 0 : i32
          %dma_wait3A_186 = tpu.memref_slice %arg4[%mul3A_171, %dma_wait3A_185] : memref<100000x128xf32, #tpu.memory_space<hbm>> -> memref<128x128xf32, #tpu.memory_space<hbm>>
          %dma_wait3A_187 = arith.constant 256 : i32
          %dma_wait3A_188 = arith.constant 0 : i32
          %dma_wait3A_189 = tpu.memref_slice %arg6[%dma_wait3A_187, %dma_wait3A_188] : memref<384x128xf32, #tpu.memory_space<vmem>> -> memref<128x128xf32, #tpu.memory_space<vmem>>
          tpu.wait_dma2 semaphore(%run_scoped3A : memref<!tpu.dma_semaphore, #tpu.memory_space<semaphore_mem>>) src(%dma_wait3A_189 : memref<128x128xf32, #tpu.memory_space<vmem>>) dst(%dma_wait3A_186 : memref<128x128xf32, #tpu.memory_space<hbm>>)
          tpu.yield
        }) : () -> ()
      } else {
      }
      %eq3A_141 = arith.constant 781 : i32
      %eq3A_142 = arith.cmpi eq, %add3A_135, %eq3A_141 : i32
      %convert_element_type3A_143 = arith.extui %eq3A_142 : i1 to i32
      %cond3A_144 = arith.constant 0 : i32
      %cond3A_145 = arith.cmpi ne, %convert_element_type3A_143, %cond3A_144 : i32
      scf.if %cond3A_145 {
        %mul3A_170 = arith.constant 128 : i32
        %mul3A_171 = arith.muli %add3A_135, %mul3A_170 : i32
        "tpu.region"() ({
          %run_scoped3A = tpu.sem_alloc : memref<!tpu.dma_semaphore, #tpu.memory_space<semaphore_mem>>
          %dma_start3A = arith.constant 256 : i32
          %dma_start3A_172 = arith.constant 0 : i32
          %dma_start3A_173 = tpu.memref_slice %arg6[%dma_start3A, %dma_start3A_172] : memref<384x128xf32, #tpu.memory_space<vmem>> -> memref<32x128xf32, #tpu.memory_space<vmem>>
          %dma_start3A_174 = arith.constant 0 : i32
          %dma_start3A_175 = tpu.memref_slice %arg4[%mul3A_171, %dma_start3A_174] : memref<100000x128xf32, #tpu.memory_space<hbm>> -> memref<32x128xf32, #tpu.memory_space<hbm>>
          %dma_start3A_176 = arith.constant 0 : i32
          %dma_start3A_177 = tpu.memref_slice %arg4[%mul3A_171, %dma_start3A_176] : memref<100000x128xf32, #tpu.memory_space<hbm>> -> memref<32x128xf32, #tpu.memory_space<hbm>>
          %dma_start3A_178 = arith.constant 256 : i32
          %dma_start3A_179 = arith.constant 0 : i32
          %dma_start3A_180 = tpu.memref_slice %arg6[%dma_start3A_178, %dma_start3A_179] : memref<384x128xf32, #tpu.memory_space<vmem>> -> memref<32x128xf32, #tpu.memory_space<vmem>>
          tpu.enqueue_dma source(%dma_start3A_180 : memref<32x128xf32, #tpu.memory_space<vmem>>) target(%dma_start3A_177 : memref<32x128xf32, #tpu.memory_space<hbm>>) target_semaphore(%run_scoped3A : memref<!tpu.dma_semaphore, #tpu.memory_space<semaphore_mem>>)
          %dma_wait3A = arith.constant 256 : i32
          %dma_wait3A_181 = arith.constant 0 : i32
          %dma_wait3A_182 = tpu.memref_slice %arg6[%dma_wait3A, %dma_wait3A_181] : memref<384x128xf32, #tpu.memory_space<vmem>> -> memref<32x128xf32, #tpu.memory_space<vmem>>
          %dma_wait3A_183 = arith.constant 0 : i32
          %dma_wait3A_184 = tpu.memref_slice %arg4[%mul3A_171, %dma_wait3A_183] : memref<100000x128xf32, #tpu.memory_space<hbm>> -> memref<32x128xf32, #tpu.memory_space<hbm>>
          %dma_wait3A_185 = arith.constant 0 : i32
          %dma_wait3A_186 = tpu.memref_slice %arg4[%mul3A_171, %dma_wait3A_185] : memref<100000x128xf32, #tpu.memory_space<hbm>> -> memref<32x128xf32, #tpu.memory_space<hbm>>
          %dma_wait3A_187 = arith.constant 256 : i32
          %dma_wait3A_188 = arith.constant 0 : i32
          %dma_wait3A_189 = tpu.memref_slice %arg6[%dma_wait3A_187, %dma_wait3A_188] : memref<384x128xf32, #tpu.memory_space<vmem>> -> memref<32x128xf32, #tpu.memory_space<vmem>>
          tpu.wait_dma2 semaphore(%run_scoped3A : memref<!tpu.dma_semaphore, #tpu.memory_space<semaphore_mem>>) src(%dma_wait3A_189 : memref<32x128xf32, #tpu.memory_space<vmem>>) dst(%dma_wait3A_186 : memref<32x128xf32, #tpu.memory_space<hbm>>)
          tpu.yield
        }) : () -> ()
      } else {
      }
      %add3A_146 = arith.constant 30 : i32
      %add3A_147 = arith.addi %mul3A_7, %add3A_146 : i32
      %le3A_148 = arith.constant 780 : i32
      %le3A_149 = arith.cmpi sle, %add3A_147, %le3A_148 : i32
      %convert_element_type3A_150 = arith.extui %le3A_149 : i1 to i32
      %cond3A_151 = arith.constant 0 : i32
      %cond3A_152 = arith.cmpi ne, %convert_element_type3A_150, %cond3A_151 : i32
      scf.if %cond3A_152 {
        %dma_wait3A = arith.constant 0 : i32
        %dma_wait3A_170 = arith.constant 0 : i32
        %dma_wait3A_171 = tpu.memref_slice %arg6[%dma_wait3A, %dma_wait3A_170] : memref<384x128xf32, #tpu.memory_space<vmem>> -> memref<128x128xf32, #tpu.memory_space<vmem>>
        %dma_wait3A_172 = arith.constant 0 : i32
        %dma_wait3A_173 = arith.constant 0 : i32
        %dma_wait3A_174 = tpu.memref_slice %arg3[%dma_wait3A_172, %dma_wait3A_173] : memref<100000x128xf32, #tpu.memory_space<hbm>> -> memref<128x128xf32, #tpu.memory_space<hbm>>
        %dma_wait3A_175 = arith.constant 0 : i32
        %dma_wait3A_176 = arith.constant 0 : i32
        %dma_wait3A_177 = tpu.memref_slice %arg6[%dma_wait3A_175, %dma_wait3A_176] : memref<384x128xf32, #tpu.memory_space<vmem>> -> memref<128x128xf32, #tpu.memory_space<vmem>>
        %dma_wait3A_178 = arith.constant 0 : i32
        %dma_wait3A_179 = arith.constant 0 : i32
        %dma_wait3A_180 = tpu.memref_slice %arg3[%dma_wait3A_178, %dma_wait3A_179] : memref<100000x128xf32, #tpu.memory_space<hbm>> -> memref<128x128xf32, #tpu.memory_space<hbm>>
        tpu.wait_dma2 semaphore(%arg7 : memref<!tpu.dma_semaphore, #tpu.memory_space<semaphore_mem>>) src(%dma_wait3A_180 : memref<128x128xf32, #tpu.memory_space<hbm>>) dst(%dma_wait3A_177 : memref<128x128xf32, #tpu.memory_space<vmem>>)
      } else {
      }
      %eq3A_153 = arith.constant 781 : i32
      %eq3A_154 = arith.cmpi eq, %add3A_147, %eq3A_153 : i32
      %convert_element_type3A_155 = arith.extui %eq3A_154 : i1 to i32
      %cond3A_156 = arith.constant 0 : i32
      %cond3A_157 = arith.cmpi ne, %convert_element_type3A_155, %cond3A_156 : i32
      scf.if %cond3A_157 {
        %dma_wait3A = arith.constant 0 : i32
        %dma_wait3A_170 = arith.constant 0 : i32
        %dma_wait3A_171 = tpu.memref_slice %arg6[%dma_wait3A, %dma_wait3A_170] : memref<384x128xf32, #tpu.memory_space<vmem>> -> memref<32x128xf32, #tpu.memory_space<vmem>>
        %dma_wait3A_172 = arith.constant 0 : i32
        %dma_wait3A_173 = arith.constant 0 : i32
        %dma_wait3A_174 = tpu.memref_slice %arg3[%dma_wait3A_172, %dma_wait3A_173] : memref<100000x128xf32, #tpu.memory_space<hbm>> -> memref<32x128xf32, #tpu.memory_space<hbm>>
        %dma_wait3A_175 = arith.constant 0 : i32
        %dma_wait3A_176 = arith.constant 0 : i32
        %dma_wait3A_177 = tpu.memref_slice %arg6[%dma_wait3A_175, %dma_wait3A_176] : memref<384x128xf32, #tpu.memory_space<vmem>> -> memref<32x128xf32, #tpu.memory_space<vmem>>
        %dma_wait3A_178 = arith.constant 0 : i32
        %dma_wait3A_179 = arith.constant 0 : i32
        %dma_wait3A_180 = tpu.memref_slice %arg3[%dma_wait3A_178, %dma_wait3A_179] : memref<100000x128xf32, #tpu.memory_space<hbm>> -> memref<32x128xf32, #tpu.memory_space<hbm>>
        tpu.wait_dma2 semaphore(%arg7 : memref<!tpu.dma_semaphore, #tpu.memory_space<semaphore_mem>>) src(%dma_wait3A_180 : memref<32x128xf32, #tpu.memory_space<hbm>>) dst(%dma_wait3A_177 : memref<32x128xf32, #tpu.memory_space<vmem>>)
      } else {
      }
      %add3A_158 = arith.constant 30 : i32
      %add3A_159 = arith.addi %mul3A_7, %add3A_158 : i32
      %le3A_160 = arith.constant 780 : i32
      %le3A_161 = arith.cmpi sle, %add3A_159, %le3A_160 : i32
      %convert_element_type3A_162 = arith.extui %le3A_161 : i1 to i32
      %cond3A_163 = arith.constant 0 : i32
      %cond3A_164 = arith.cmpi ne, %convert_element_type3A_162, %cond3A_163 : i32
      scf.if %cond3A_164 {
        %mul3A_170 = arith.constant 128 : i32
        %mul3A_171 = arith.muli %add3A_159, %mul3A_170 : i32
        "tpu.region"() ({
          %run_scoped3A = tpu.sem_alloc : memref<!tpu.dma_semaphore, #tpu.memory_space<semaphore_mem>>
          %dma_start3A = arith.constant 0 : i32
          %dma_start3A_172 = arith.constant 0 : i32
          %dma_start3A_173 = tpu.memref_slice %arg6[%dma_start3A, %dma_start3A_172] : memref<384x128xf32, #tpu.memory_space<vmem>> -> memref<128x128xf32, #tpu.memory_space<vmem>>
          %dma_start3A_174 = arith.constant 0 : i32
          %dma_start3A_175 = tpu.memref_slice %arg4[%mul3A_171, %dma_start3A_174] : memref<100000x128xf32, #tpu.memory_space<hbm>> -> memref<128x128xf32, #tpu.memory_space<hbm>>
          %dma_start3A_176 = arith.constant 0 : i32
          %dma_start3A_177 = tpu.memref_slice %arg4[%mul3A_171, %dma_start3A_176] : memref<100000x128xf32, #tpu.memory_space<hbm>> -> memref<128x128xf32, #tpu.memory_space<hbm>>
          %dma_start3A_178 = arith.constant 0 : i32
          %dma_start3A_179 = arith.constant 0 : i32
          %dma_start3A_180 = tpu.memref_slice %arg6[%dma_start3A_178, %dma_start3A_179] : memref<384x128xf32, #tpu.memory_space<vmem>> -> memref<128x128xf32, #tpu.memory_space<vmem>>
          tpu.enqueue_dma source(%dma_start3A_180 : memref<128x128xf32, #tpu.memory_space<vmem>>) target(%dma_start3A_177 : memref<128x128xf32, #tpu.memory_space<hbm>>) target_semaphore(%run_scoped3A : memref<!tpu.dma_semaphore, #tpu.memory_space<semaphore_mem>>)
          %dma_wait3A = arith.constant 0 : i32
          %dma_wait3A_181 = arith.constant 0 : i32
          %dma_wait3A_182 = tpu.memref_slice %arg6[%dma_wait3A, %dma_wait3A_181] : memref<384x128xf32, #tpu.memory_space<vmem>> -> memref<128x128xf32, #tpu.memory_space<vmem>>
          %dma_wait3A_183 = arith.constant 0 : i32
          %dma_wait3A_184 = tpu.memref_slice %arg4[%mul3A_171, %dma_wait3A_183] : memref<100000x128xf32, #tpu.memory_space<hbm>> -> memref<128x128xf32, #tpu.memory_space<hbm>>
          %dma_wait3A_185 = arith.constant 0 : i32
          %dma_wait3A_186 = tpu.memref_slice %arg4[%mul3A_171, %dma_wait3A_185] : memref<100000x128xf32, #tpu.memory_space<hbm>> -> memref<128x128xf32, #tpu.memory_space<hbm>>
          %dma_wait3A_187 = arith.constant 0 : i32
          %dma_wait3A_188 = arith.constant 0 : i32
          %dma_wait3A_189 = tpu.memref_slice %arg6[%dma_wait3A_187, %dma_wait3A_188] : memref<384x128xf32, #tpu.memory_space<vmem>> -> memref<128x128xf32, #tpu.memory_space<vmem>>
          tpu.wait_dma2 semaphore(%run_scoped3A : memref<!tpu.dma_semaphore, #tpu.memory_space<semaphore_mem>>) src(%dma_wait3A_189 : memref<128x128xf32, #tpu.memory_space<vmem>>) dst(%dma_wait3A_186 : memref<128x128xf32, #tpu.memory_space<hbm>>)
          tpu.yield
        }) : () -> ()
      } else {
      }
      %eq3A_165 = arith.constant 781 : i32
      %eq3A_166 = arith.cmpi eq, %add3A_159, %eq3A_165 : i32
      %convert_element_type3A_167 = arith.extui %eq3A_166 : i1 to i32
      %cond3A_168 = arith.constant 0 : i32
      %cond3A_169 = arith.cmpi ne, %convert_element_type3A_167, %cond3A_168 : i32
      scf.if %cond3A_169 {
        %mul3A_170 = arith.constant 128 : i32
        %mul3A_171 = arith.muli %add3A_159, %mul3A_170 : i32
        "tpu.region"() ({
          %run_scoped3A = tpu.sem_alloc : memref<!tpu.dma_semaphore, #tpu.memory_space<semaphore_mem>>
          %dma_start3A = arith.constant 0 : i32
          %dma_start3A_172 = arith.constant 0 : i32
          %dma_start3A_173 = tpu.memref_slice %arg6[%dma_start3A, %dma_start3A_172] : memref<384x128xf32, #tpu.memory_space<vmem>> -> memref<32x128xf32, #tpu.memory_space<vmem>>
          %dma_start3A_174 = arith.constant 0 : i32
          %dma_start3A_175 = tpu.memref_slice %arg4[%mul3A_171, %dma_start3A_174] : memref<100000x128xf32, #tpu.memory_space<hbm>> -> memref<32x128xf32, #tpu.memory_space<hbm>>
          %dma_start3A_176 = arith.constant 0 : i32
          %dma_start3A_177 = tpu.memref_slice %arg4[%mul3A_171, %dma_start3A_176] : memref<100000x128xf32, #tpu.memory_space<hbm>> -> memref<32x128xf32, #tpu.memory_space<hbm>>
          %dma_start3A_178 = arith.constant 0 : i32
          %dma_start3A_179 = arith.constant 0 : i32
          %dma_start3A_180 = tpu.memref_slice %arg6[%dma_start3A_178, %dma_start3A_179] : memref<384x128xf32, #tpu.memory_space<vmem>> -> memref<32x128xf32, #tpu.memory_space<vmem>>
          tpu.enqueue_dma source(%dma_start3A_180 : memref<32x128xf32, #tpu.memory_space<vmem>>) target(%dma_start3A_177 : memref<32x128xf32, #tpu.memory_space<hbm>>) target_semaphore(%run_scoped3A : memref<!tpu.dma_semaphore, #tpu.memory_space<semaphore_mem>>)
          %dma_wait3A = arith.constant 0 : i32
          %dma_wait3A_181 = arith.constant 0 : i32
          %dma_wait3A_182 = tpu.memref_slice %arg6[%dma_wait3A, %dma_wait3A_181] : memref<384x128xf32, #tpu.memory_space<vmem>> -> memref<32x128xf32, #tpu.memory_space<vmem>>
          %dma_wait3A_183 = arith.constant 0 : i32
          %dma_wait3A_184 = tpu.memref_slice %arg4[%mul3A_171, %dma_wait3A_183] : memref<100000x128xf32, #tpu.memory_space<hbm>> -> memref<32x128xf32, #tpu.memory_space<hbm>>
          %dma_wait3A_185 = arith.constant 0 : i32
          %dma_wait3A_186 = tpu.memref_slice %arg4[%mul3A_171, %dma_wait3A_185] : memref<100000x128xf32, #tpu.memory_space<hbm>> -> memref<32x128xf32, #tpu.memory_space<hbm>>
          %dma_wait3A_187 = arith.constant 0 : i32
          %dma_wait3A_188 = arith.constant 0 : i32
          %dma_wait3A_189 = tpu.memref_slice %arg6[%dma_wait3A_187, %dma_wait3A_188] : memref<384x128xf32, #tpu.memory_space<vmem>> -> memref<32x128xf32, #tpu.memory_space<vmem>>
          tpu.wait_dma2 semaphore(%run_scoped3A : memref<!tpu.dma_semaphore, #tpu.memory_space<semaphore_mem>>) src(%dma_wait3A_189 : memref<32x128xf32, #tpu.memory_space<vmem>>) dst(%dma_wait3A_186 : memref<32x128xf32, #tpu.memory_space<hbm>>)
          tpu.yield
        }) : () -> ()
      } else {
      }
    } else {
    }
    %eq3A_2 = arith.constant 1 : i32
    %eq3A_3 = arith.cmpi eq, %arg0, %eq3A_2 : i32
    %convert_element_type3A_4 = arith.extui %eq3A_3 : i1 to i32
    %cond3A_5 = arith.constant 0 : i32
    %cond3A_6 = arith.cmpi ne, %convert_element_type3A_4, %cond3A_5 : i32
    scf.if %cond3A_6 {
      %mul3A = arith.constant 19 : i32
      %mul3A_7 = arith.muli %arg1, %mul3A : i32
      %add3A = arith.constant 496 : i32
      %add3A_8 = arith.addi %add3A, %mul3A_7 : i32
      %add3A_9 = arith.constant 19 : i32
      %add3A_10 = arith.addi %add3A_8, %add3A_9 : i32
      %le3A = arith.constant 782 : i32
      %le3A_11 = arith.cmpi sle, %add3A_10, %le3A : i32
      %convert_element_type3A_12 = arith.extui %le3A_11 : i1 to i32
      %cond3A_13 = arith.constant 0 : i32
      %cond3A_14 = arith.cmpi ne, %convert_element_type3A_12, %cond3A_13 : i32
      scf.if %cond3A_14 {
        %mul3A_172 = arith.constant 128 : i32
        %mul3A_173 = arith.muli %add3A_8, %mul3A_172 : i32
        "tpu.region"() ({
          %run_scoped3A = tpu.sem_alloc : memref<!tpu.dma_semaphore, #tpu.memory_space<semaphore_mem>>
          %dma_start3A = arith.constant 0 : i32
          %dma_start3A_174 = tpu.memref_slice %arg5[%dma_start3A] : memref<3968xi32, #tpu.memory_space<vmem>> -> memref<2432xi32, #tpu.memory_space<vmem>>
          %dma_start3A_175 = tpu.memref_slice %arg2[%mul3A_173] : memref<100000xi32, #tpu.memory_space<hbm>> -> memref<2432xi32, #tpu.memory_space<hbm>>
          %dma_start3A_176 = arith.constant 0 : i32
          %dma_start3A_177 = tpu.memref_slice %arg5[%dma_start3A_176] : memref<3968xi32, #tpu.memory_space<vmem>> -> memref<2432xi32, #tpu.memory_space<vmem>>
          %dma_start3A_178 = tpu.memref_slice %arg2[%mul3A_173] : memref<100000xi32, #tpu.memory_space<hbm>> -> memref<2432xi32, #tpu.memory_space<hbm>>
          tpu.enqueue_dma source(%dma_start3A_178 : memref<2432xi32, #tpu.memory_space<hbm>>) target(%dma_start3A_177 : memref<2432xi32, #tpu.memory_space<vmem>>) target_semaphore(%run_scoped3A : memref<!tpu.dma_semaphore, #tpu.memory_space<semaphore_mem>>)
          %dma_wait3A = arith.constant 0 : i32
          %dma_wait3A_179 = tpu.memref_slice %arg5[%dma_wait3A] : memref<3968xi32, #tpu.memory_space<vmem>> -> memref<2432xi32, #tpu.memory_space<vmem>>
          %dma_wait3A_180 = tpu.memref_slice %arg2[%mul3A_173] : memref<100000xi32, #tpu.memory_space<hbm>> -> memref<2432xi32, #tpu.memory_space<hbm>>
          %dma_wait3A_181 = arith.constant 0 : i32
          %dma_wait3A_182 = tpu.memref_slice %arg5[%dma_wait3A_181] : memref<3968xi32, #tpu.memory_space<vmem>> -> memref<2432xi32, #tpu.memory_space<vmem>>
          %dma_wait3A_183 = tpu.memref_slice %arg2[%mul3A_173] : memref<100000xi32, #tpu.memory_space<hbm>> -> memref<2432xi32, #tpu.memory_space<hbm>>
          tpu.wait_dma2 semaphore(%run_scoped3A : memref<!tpu.dma_semaphore, #tpu.memory_space<semaphore_mem>>) src(%dma_wait3A_183 : memref<2432xi32, #tpu.memory_space<hbm>>) dst(%dma_wait3A_182 : memref<2432xi32, #tpu.memory_space<vmem>>)
          tpu.yield
        }) : () -> ()
      } else {
      }
      %add3A_15 = arith.constant 19 : i32
      %add3A_16 = arith.addi %add3A_8, %add3A_15 : i32
      %gt3A = arith.constant 782 : i32
      %gt3A_17 = arith.cmpi sgt, %add3A_16, %gt3A : i32
      %convert_element_type3A_18 = arith.extui %gt3A_17 : i1 to i32
      %cond3A_19 = arith.constant 0 : i32
      %cond3A_20 = arith.cmpi ne, %convert_element_type3A_18, %cond3A_19 : i32
      scf.if %cond3A_20 {
        %mul3A_172 = arith.constant 128 : i32
        %mul3A_173 = arith.muli %add3A_8, %mul3A_172 : i32
        "tpu.region"() ({
          %run_scoped3A = tpu.sem_alloc : memref<!tpu.dma_semaphore, #tpu.memory_space<semaphore_mem>>
          %dma_start3A = arith.constant 0 : i32
          %dma_start3A_174 = tpu.memref_slice %arg5[%dma_start3A] : memref<3968xi32, #tpu.memory_space<vmem>> -> memref<32xi32, #tpu.memory_space<vmem>>
          %dma_start3A_175 = tpu.memref_slice %arg2[%mul3A_173] : memref<100000xi32, #tpu.memory_space<hbm>> -> memref<32xi32, #tpu.memory_space<hbm>>
          %dma_start3A_176 = arith.constant 0 : i32
          %dma_start3A_177 = tpu.memref_slice %arg5[%dma_start3A_176] : memref<3968xi32, #tpu.memory_space<vmem>> -> memref<32xi32, #tpu.memory_space<vmem>>
          %dma_start3A_178 = tpu.memref_slice %arg2[%mul3A_173] : memref<100000xi32, #tpu.memory_space<hbm>> -> memref<32xi32, #tpu.memory_space<hbm>>
          tpu.enqueue_dma source(%dma_start3A_178 : memref<32xi32, #tpu.memory_space<hbm>>) target(%dma_start3A_177 : memref<32xi32, #tpu.memory_space<vmem>>) target_semaphore(%run_scoped3A : memref<!tpu.dma_semaphore, #tpu.memory_space<semaphore_mem>>)
          %dma_wait3A = arith.constant 0 : i32
          %dma_wait3A_179 = tpu.memref_slice %arg5[%dma_wait3A] : memref<3968xi32, #tpu.memory_space<vmem>> -> memref<32xi32, #tpu.memory_space<vmem>>
          %dma_wait3A_180 = tpu.memref_slice %arg2[%mul3A_173] : memref<100000xi32, #tpu.memory_space<hbm>> -> memref<32xi32, #tpu.memory_space<hbm>>
          %dma_wait3A_181 = arith.constant 0 : i32
          %dma_wait3A_182 = tpu.memref_slice %arg5[%dma_wait3A_181] : memref<3968xi32, #tpu.memory_space<vmem>> -> memref<32xi32, #tpu.memory_space<vmem>>
          %dma_wait3A_183 = tpu.memref_slice %arg2[%mul3A_173] : memref<100000xi32, #tpu.memory_space<hbm>> -> memref<32xi32, #tpu.memory_space<hbm>>
          tpu.wait_dma2 semaphore(%run_scoped3A : memref<!tpu.dma_semaphore, #tpu.memory_space<semaphore_mem>>) src(%dma_wait3A_183 : memref<32xi32, #tpu.memory_space<hbm>>) dst(%dma_wait3A_182 : memref<32xi32, #tpu.memory_space<vmem>>)
          tpu.yield
        }) : () -> ()
      } else {
      }
      %add3A_21 = arith.constant 0 : i32
      %add3A_22 = arith.addi %add3A_8, %add3A_21 : i32
      %le3A_23 = arith.constant 780 : i32
      %le3A_24 = arith.cmpi sle, %add3A_22, %le3A_23 : i32
      %convert_element_type3A_25 = arith.extui %le3A_24 : i1 to i32
      %cond3A_26 = arith.constant 0 : i32
      %cond3A_27 = arith.cmpi ne, %convert_element_type3A_25, %cond3A_26 : i32
      scf.if %cond3A_27 {
        %dma_start3A = arith.constant 0 : i32
        %dma_start3A_172 = arith.constant 0 : i32
        %dma_start3A_173 = tpu.memref_slice %arg6[%dma_start3A, %dma_start3A_172] : memref<384x128xf32, #tpu.memory_space<vmem>> -> memref<128x128xf32, #tpu.memory_space<vmem>>
        %dma_start3A_174 = arith.constant 0 : i32
        %dma_start3A_175 = tpu.memref_slice %arg5[%dma_start3A_174] : memref<3968xi32, #tpu.memory_space<vmem>> -> memref<128xi32, #tpu.memory_space<vmem>>
        %dma_start3A_176 = arith.constant 0 : i32
        %dma_start3A_177 = arith.constant 0 : i32
        %dma_start3A_178 = tpu.memref_slice %arg3[%dma_start3A_176, %dma_start3A_177] : memref<100000x128xf32, #tpu.memory_space<hbm>> -> memref<100000x128xf32, #tpu.memory_space<hbm>>
        tpu.enqueue_indirect_dma source(%dma_start3A_178 : memref<100000x128xf32, #tpu.memory_space<hbm>>) target(%dma_start3A_173 : memref<128x128xf32, #tpu.memory_space<vmem>>) offsets(%dma_start3A_175 : memref<128xi32, #tpu.memory_space<vmem>>) semaphore(%arg7 : memref<!tpu.dma_semaphore, #tpu.memory_space<semaphore_mem>>)
      } else {
      }
      %eq3A_28 = arith.constant 781 : i32
      %eq3A_29 = arith.cmpi eq, %add3A_22, %eq3A_28 : i32
      %convert_element_type3A_30 = arith.extui %eq3A_29 : i1 to i32
      %cond3A_31 = arith.constant 0 : i32
      %cond3A_32 = arith.cmpi ne, %convert_element_type3A_30, %cond3A_31 : i32
      scf.if %cond3A_32 {
        %dma_start3A = arith.constant 0 : i32
        %dma_start3A_172 = arith.constant 0 : i32
        %dma_start3A_173 = tpu.memref_slice %arg6[%dma_start3A, %dma_start3A_172] : memref<384x128xf32, #tpu.memory_space<vmem>> -> memref<32x128xf32, #tpu.memory_space<vmem>>
        %dma_start3A_174 = arith.constant 0 : i32
        %dma_start3A_175 = tpu.memref_slice %arg5[%dma_start3A_174] : memref<3968xi32, #tpu.memory_space<vmem>> -> memref<32xi32, #tpu.memory_space<vmem>>
        %dma_start3A_176 = arith.constant 0 : i32
        %dma_start3A_177 = arith.constant 0 : i32
        %dma_start3A_178 = tpu.memref_slice %arg3[%dma_start3A_176, %dma_start3A_177] : memref<100000x128xf32, #tpu.memory_space<hbm>> -> memref<100000x128xf32, #tpu.memory_space<hbm>>
        tpu.enqueue_indirect_dma source(%dma_start3A_178 : memref<100000x128xf32, #tpu.memory_space<hbm>>) target(%dma_start3A_173 : memref<32x128xf32, #tpu.memory_space<vmem>>) offsets(%dma_start3A_175 : memref<32xi32, #tpu.memory_space<vmem>>) semaphore(%arg7 : memref<!tpu.dma_semaphore, #tpu.memory_space<semaphore_mem>>)
      } else {
      }
      %add3A_33 = arith.constant 1 : i32
      %add3A_34 = arith.addi %add3A_8, %add3A_33 : i32
      %le3A_35 = arith.constant 780 : i32
      %le3A_36 = arith.cmpi sle, %add3A_34, %le3A_35 : i32
      %convert_element_type3A_37 = arith.extui %le3A_36 : i1 to i32
      %cond3A_38 = arith.constant 0 : i32
      %cond3A_39 = arith.cmpi ne, %convert_element_type3A_37, %cond3A_38 : i32
      scf.if %cond3A_39 {
        %dma_start3A = arith.constant 128 : i32
        %dma_start3A_172 = arith.constant 0 : i32
        %dma_start3A_173 = tpu.memref_slice %arg6[%dma_start3A, %dma_start3A_172] : memref<384x128xf32, #tpu.memory_space<vmem>> -> memref<128x128xf32, #tpu.memory_space<vmem>>
        %dma_start3A_174 = arith.constant 128 : i32
        %dma_start3A_175 = tpu.memref_slice %arg5[%dma_start3A_174] : memref<3968xi32, #tpu.memory_space<vmem>> -> memref<128xi32, #tpu.memory_space<vmem>>
        %dma_start3A_176 = arith.constant 0 : i32
        %dma_start3A_177 = arith.constant 0 : i32
        %dma_start3A_178 = tpu.memref_slice %arg3[%dma_start3A_176, %dma_start3A_177] : memref<100000x128xf32, #tpu.memory_space<hbm>> -> memref<100000x128xf32, #tpu.memory_space<hbm>>
        tpu.enqueue_indirect_dma source(%dma_start3A_178 : memref<100000x128xf32, #tpu.memory_space<hbm>>) target(%dma_start3A_173 : memref<128x128xf32, #tpu.memory_space<vmem>>) offsets(%dma_start3A_175 : memref<128xi32, #tpu.memory_space<vmem>>) semaphore(%arg8 : memref<!tpu.dma_semaphore, #tpu.memory_space<semaphore_mem>>)
      } else {
      }
      %eq3A_40 = arith.constant 781 : i32
      %eq3A_41 = arith.cmpi eq, %add3A_34, %eq3A_40 : i32
      %convert_element_type3A_42 = arith.extui %eq3A_41 : i1 to i32
      %cond3A_43 = arith.constant 0 : i32
      %cond3A_44 = arith.cmpi ne, %convert_element_type3A_42, %cond3A_43 : i32
      scf.if %cond3A_44 {
        %dma_start3A = arith.constant 128 : i32
        %dma_start3A_172 = arith.constant 0 : i32
        %dma_start3A_173 = tpu.memref_slice %arg6[%dma_start3A, %dma_start3A_172] : memref<384x128xf32, #tpu.memory_space<vmem>> -> memref<32x128xf32, #tpu.memory_space<vmem>>
        %dma_start3A_174 = arith.constant 128 : i32
        %dma_start3A_175 = tpu.memref_slice %arg5[%dma_start3A_174] : memref<3968xi32, #tpu.memory_space<vmem>> -> memref<32xi32, #tpu.memory_space<vmem>>
        %dma_start3A_176 = arith.constant 0 : i32
        %dma_start3A_177 = arith.constant 0 : i32
        %dma_start3A_178 = tpu.memref_slice %arg3[%dma_start3A_176, %dma_start3A_177] : memref<100000x128xf32, #tpu.memory_space<hbm>> -> memref<100000x128xf32, #tpu.memory_space<hbm>>
        tpu.enqueue_indirect_dma source(%dma_start3A_178 : memref<100000x128xf32, #tpu.memory_space<hbm>>) target(%dma_start3A_173 : memref<32x128xf32, #tpu.memory_space<vmem>>) offsets(%dma_start3A_175 : memref<32xi32, #tpu.memory_space<vmem>>) semaphore(%arg8 : memref<!tpu.dma_semaphore, #tpu.memory_space<semaphore_mem>>)
      } else {
      }
      %add3A_45 = arith.constant 2 : i32
      %add3A_46 = arith.addi %add3A_8, %add3A_45 : i32
      %le3A_47 = arith.constant 780 : i32
      %le3A_48 = arith.cmpi sle, %add3A_46, %le3A_47 : i32
      %convert_element_type3A_49 = arith.extui %le3A_48 : i1 to i32
      %cond3A_50 = arith.constant 0 : i32
      %cond3A_51 = arith.cmpi ne, %convert_element_type3A_49, %cond3A_50 : i32
      scf.if %cond3A_51 {
        %dma_start3A = arith.constant 256 : i32
        %dma_start3A_172 = arith.constant 0 : i32
        %dma_start3A_173 = tpu.memref_slice %arg6[%dma_start3A, %dma_start3A_172] : memref<384x128xf32, #tpu.memory_space<vmem>> -> memref<128x128xf32, #tpu.memory_space<vmem>>
        %dma_start3A_174 = arith.constant 256 : i32
        %dma_start3A_175 = tpu.memref_slice %arg5[%dma_start3A_174] : memref<3968xi32, #tpu.memory_space<vmem>> -> memref<128xi32, #tpu.memory_space<vmem>>
        %dma_start3A_176 = arith.constant 0 : i32
        %dma_start3A_177 = arith.constant 0 : i32
        %dma_start3A_178 = tpu.memref_slice %arg3[%dma_start3A_176, %dma_start3A_177] : memref<100000x128xf32, #tpu.memory_space<hbm>> -> memref<100000x128xf32, #tpu.memory_space<hbm>>
        tpu.enqueue_indirect_dma source(%dma_start3A_178 : memref<100000x128xf32, #tpu.memory_space<hbm>>) target(%dma_start3A_173 : memref<128x128xf32, #tpu.memory_space<vmem>>) offsets(%dma_start3A_175 : memref<128xi32, #tpu.memory_space<vmem>>) semaphore(%arg9 : memref<!tpu.dma_semaphore, #tpu.memory_space<semaphore_mem>>)
      } else {
      }
      %eq3A_52 = arith.constant 781 : i32
      %eq3A_53 = arith.cmpi eq, %add3A_46, %eq3A_52 : i32
      %convert_element_type3A_54 = arith.extui %eq3A_53 : i1 to i32
      %cond3A_55 = arith.constant 0 : i32
      %cond3A_56 = arith.cmpi ne, %convert_element_type3A_54, %cond3A_55 : i32
      scf.if %cond3A_56 {
        %dma_start3A = arith.constant 256 : i32
        %dma_start3A_172 = arith.constant 0 : i32
        %dma_start3A_173 = tpu.memref_slice %arg6[%dma_start3A, %dma_start3A_172] : memref<384x128xf32, #tpu.memory_space<vmem>> -> memref<32x128xf32, #tpu.memory_space<vmem>>
        %dma_start3A_174 = arith.constant 256 : i32
        %dma_start3A_175 = tpu.memref_slice %arg5[%dma_start3A_174] : memref<3968xi32, #tpu.memory_space<vmem>> -> memref<32xi32, #tpu.memory_space<vmem>>
        %dma_start3A_176 = arith.constant 0 : i32
        %dma_start3A_177 = arith.constant 0 : i32
        %dma_start3A_178 = tpu.memref_slice %arg3[%dma_start3A_176, %dma_start3A_177] : memref<100000x128xf32, #tpu.memory_space<hbm>> -> memref<100000x128xf32, #tpu.memory_space<hbm>>
        tpu.enqueue_indirect_dma source(%dma_start3A_178 : memref<100000x128xf32, #tpu.memory_space<hbm>>) target(%dma_start3A_173 : memref<32x128xf32, #tpu.memory_space<vmem>>) offsets(%dma_start3A_175 : memref<32xi32, #tpu.memory_space<vmem>>) semaphore(%arg9 : memref<!tpu.dma_semaphore, #tpu.memory_space<semaphore_mem>>)
      } else {
      }
      %scan3A = arith.constant 0 : i32
      %scan3A_57 = arith.constant 0 : i32
      %scan3A_58 = arith.constant 5 : i32
      %scan3A_59 = arith.addi %scan3A_57, %scan3A_58 : i32
      %scan3A_60 = arith.constant 1 : i32
      scf.for %scan3A_172 = %scan3A_57 to %scan3A_59 step %scan3A_60  : i32 {
        %mul3A_173 = arith.constant 3 : i32
        %mul3A_174 = arith.muli %mul3A_173, %scan3A_172 : i32
        %add3A_175 = arith.constant 0 : i32
        %add3A_176 = arith.addi %mul3A_174, %add3A_175 : i32
        %add3A_177 = arith.addi %add3A_8, %add3A_176 : i32
        %le3A_178 = arith.constant 780 : i32
        %le3A_179 = arith.cmpi sle, %add3A_177, %le3A_178 : i32
        %convert_element_type3A_180 = arith.extui %le3A_179 : i1 to i32
        %cond3A_181 = arith.constant 0 : i32
        %cond3A_182 = arith.cmpi ne, %convert_element_type3A_180, %cond3A_181 : i32
        scf.if %cond3A_182 {
          %dma_wait3A = arith.constant 0 : i32
          %dma_wait3A_296 = arith.constant 0 : i32
          %dma_wait3A_297 = tpu.memref_slice %arg6[%dma_wait3A, %dma_wait3A_296] : memref<384x128xf32, #tpu.memory_space<vmem>> -> memref<128x128xf32, #tpu.memory_space<vmem>>
          %dma_wait3A_298 = arith.constant 0 : i32
          %dma_wait3A_299 = arith.constant 0 : i32
          %dma_wait3A_300 = tpu.memref_slice %arg3[%dma_wait3A_298, %dma_wait3A_299] : memref<100000x128xf32, #tpu.memory_space<hbm>> -> memref<128x128xf32, #tpu.memory_space<hbm>>
          %dma_wait3A_301 = arith.constant 0 : i32
          %dma_wait3A_302 = arith.constant 0 : i32
          %dma_wait3A_303 = tpu.memref_slice %arg6[%dma_wait3A_301, %dma_wait3A_302] : memref<384x128xf32, #tpu.memory_space<vmem>> -> memref<128x128xf32, #tpu.memory_space<vmem>>
          %dma_wait3A_304 = arith.constant 0 : i32
          %dma_wait3A_305 = arith.constant 0 : i32
          %dma_wait3A_306 = tpu.memref_slice %arg3[%dma_wait3A_304, %dma_wait3A_305] : memref<100000x128xf32, #tpu.memory_space<hbm>> -> memref<128x128xf32, #tpu.memory_space<hbm>>
          tpu.wait_dma2 semaphore(%arg7 : memref<!tpu.dma_semaphore, #tpu.memory_space<semaphore_mem>>) src(%dma_wait3A_306 : memref<128x128xf32, #tpu.memory_space<hbm>>) dst(%dma_wait3A_303 : memref<128x128xf32, #tpu.memory_space<vmem>>)
        } else {
        }
        %eq3A_183 = arith.constant 781 : i32
        %eq3A_184 = arith.cmpi eq, %add3A_177, %eq3A_183 : i32
        %convert_element_type3A_185 = arith.extui %eq3A_184 : i1 to i32
        %cond3A_186 = arith.constant 0 : i32
        %cond3A_187 = arith.cmpi ne, %convert_element_type3A_185, %cond3A_186 : i32
        scf.if %cond3A_187 {
          %dma_wait3A = arith.constant 0 : i32
          %dma_wait3A_296 = arith.constant 0 : i32
          %dma_wait3A_297 = tpu.memref_slice %arg6[%dma_wait3A, %dma_wait3A_296] : memref<384x128xf32, #tpu.memory_space<vmem>> -> memref<32x128xf32, #tpu.memory_space<vmem>>
          %dma_wait3A_298 = arith.constant 0 : i32
          %dma_wait3A_299 = arith.constant 0 : i32
          %dma_wait3A_300 = tpu.memref_slice %arg3[%dma_wait3A_298, %dma_wait3A_299] : memref<100000x128xf32, #tpu.memory_space<hbm>> -> memref<32x128xf32, #tpu.memory_space<hbm>>
          %dma_wait3A_301 = arith.constant 0 : i32
          %dma_wait3A_302 = arith.constant 0 : i32
          %dma_wait3A_303 = tpu.memref_slice %arg6[%dma_wait3A_301, %dma_wait3A_302] : memref<384x128xf32, #tpu.memory_space<vmem>> -> memref<32x128xf32, #tpu.memory_space<vmem>>
          %dma_wait3A_304 = arith.constant 0 : i32
          %dma_wait3A_305 = arith.constant 0 : i32
          %dma_wait3A_306 = tpu.memref_slice %arg3[%dma_wait3A_304, %dma_wait3A_305] : memref<100000x128xf32, #tpu.memory_space<hbm>> -> memref<32x128xf32, #tpu.memory_space<hbm>>
          tpu.wait_dma2 semaphore(%arg7 : memref<!tpu.dma_semaphore, #tpu.memory_space<semaphore_mem>>) src(%dma_wait3A_306 : memref<32x128xf32, #tpu.memory_space<hbm>>) dst(%dma_wait3A_303 : memref<32x128xf32, #tpu.memory_space<vmem>>)
        } else {
        }
        %add3A_188 = arith.addi %add3A_8, %add3A_176 : i32
        %le3A_189 = arith.constant 780 : i32
        %le3A_190 = arith.cmpi sle, %add3A_188, %le3A_189 : i32
        %convert_element_type3A_191 = arith.extui %le3A_190 : i1 to i32
        %cond3A_192 = arith.constant 0 : i32
        %cond3A_193 = arith.cmpi ne, %convert_element_type3A_191, %cond3A_192 : i32
        scf.if %cond3A_193 {
          %mul3A_296 = arith.constant 128 : i32
          %mul3A_297 = arith.muli %add3A_188, %mul3A_296 : i32
          "tpu.region"() ({
            %run_scoped3A = tpu.sem_alloc : memref<!tpu.dma_semaphore, #tpu.memory_space<semaphore_mem>>
            %dma_start3A = arith.constant 0 : i32
            %dma_start3A_298 = arith.constant 0 : i32
            %dma_start3A_299 = tpu.memref_slice %arg6[%dma_start3A, %dma_start3A_298] : memref<384x128xf32, #tpu.memory_space<vmem>> -> memref<128x128xf32, #tpu.memory_space<vmem>>
            %dma_start3A_300 = arith.constant 0 : i32
            %dma_start3A_301 = tpu.memref_slice %arg4[%mul3A_297, %dma_start3A_300] : memref<100000x128xf32, #tpu.memory_space<hbm>> -> memref<128x128xf32, #tpu.memory_space<hbm>>
            %dma_start3A_302 = arith.constant 0 : i32
            %dma_start3A_303 = tpu.memref_slice %arg4[%mul3A_297, %dma_start3A_302] : memref<100000x128xf32, #tpu.memory_space<hbm>> -> memref<128x128xf32, #tpu.memory_space<hbm>>
            %dma_start3A_304 = arith.constant 0 : i32
            %dma_start3A_305 = arith.constant 0 : i32
            %dma_start3A_306 = tpu.memref_slice %arg6[%dma_start3A_304, %dma_start3A_305] : memref<384x128xf32, #tpu.memory_space<vmem>> -> memref<128x128xf32, #tpu.memory_space<vmem>>
            tpu.enqueue_dma source(%dma_start3A_306 : memref<128x128xf32, #tpu.memory_space<vmem>>) target(%dma_start3A_303 : memref<128x128xf32, #tpu.memory_space<hbm>>) target_semaphore(%run_scoped3A : memref<!tpu.dma_semaphore, #tpu.memory_space<semaphore_mem>>)
            %dma_wait3A = arith.constant 0 : i32
            %dma_wait3A_307 = arith.constant 0 : i32
            %dma_wait3A_308 = tpu.memref_slice %arg6[%dma_wait3A, %dma_wait3A_307] : memref<384x128xf32, #tpu.memory_space<vmem>> -> memref<128x128xf32, #tpu.memory_space<vmem>>
            %dma_wait3A_309 = arith.constant 0 : i32
            %dma_wait3A_310 = tpu.memref_slice %arg4[%mul3A_297, %dma_wait3A_309] : memref<100000x128xf32, #tpu.memory_space<hbm>> -> memref<128x128xf32, #tpu.memory_space<hbm>>
            %dma_wait3A_311 = arith.constant 0 : i32
            %dma_wait3A_312 = tpu.memref_slice %arg4[%mul3A_297, %dma_wait3A_311] : memref<100000x128xf32, #tpu.memory_space<hbm>> -> memref<128x128xf32, #tpu.memory_space<hbm>>
            %dma_wait3A_313 = arith.constant 0 : i32
            %dma_wait3A_314 = arith.constant 0 : i32
            %dma_wait3A_315 = tpu.memref_slice %arg6[%dma_wait3A_313, %dma_wait3A_314] : memref<384x128xf32, #tpu.memory_space<vmem>> -> memref<128x128xf32, #tpu.memory_space<vmem>>
            tpu.wait_dma2 semaphore(%run_scoped3A : memref<!tpu.dma_semaphore, #tpu.memory_space<semaphore_mem>>) src(%dma_wait3A_315 : memref<128x128xf32, #tpu.memory_space<vmem>>) dst(%dma_wait3A_312 : memref<128x128xf32, #tpu.memory_space<hbm>>)
            tpu.yield
          }) : () -> ()
        } else {
        }
        %eq3A_194 = arith.constant 781 : i32
        %eq3A_195 = arith.cmpi eq, %add3A_188, %eq3A_194 : i32
        %convert_element_type3A_196 = arith.extui %eq3A_195 : i1 to i32
        %cond3A_197 = arith.constant 0 : i32
        %cond3A_198 = arith.cmpi ne, %convert_element_type3A_196, %cond3A_197 : i32
        scf.if %cond3A_198 {
          %mul3A_296 = arith.constant 128 : i32
          %mul3A_297 = arith.muli %add3A_188, %mul3A_296 : i32
          "tpu.region"() ({
            %run_scoped3A = tpu.sem_alloc : memref<!tpu.dma_semaphore, #tpu.memory_space<semaphore_mem>>
            %dma_start3A = arith.constant 0 : i32
            %dma_start3A_298 = arith.constant 0 : i32
            %dma_start3A_299 = tpu.memref_slice %arg6[%dma_start3A, %dma_start3A_298] : memref<384x128xf32, #tpu.memory_space<vmem>> -> memref<32x128xf32, #tpu.memory_space<vmem>>
            %dma_start3A_300 = arith.constant 0 : i32
            %dma_start3A_301 = tpu.memref_slice %arg4[%mul3A_297, %dma_start3A_300] : memref<100000x128xf32, #tpu.memory_space<hbm>> -> memref<32x128xf32, #tpu.memory_space<hbm>>
            %dma_start3A_302 = arith.constant 0 : i32
            %dma_start3A_303 = tpu.memref_slice %arg4[%mul3A_297, %dma_start3A_302] : memref<100000x128xf32, #tpu.memory_space<hbm>> -> memref<32x128xf32, #tpu.memory_space<hbm>>
            %dma_start3A_304 = arith.constant 0 : i32
            %dma_start3A_305 = arith.constant 0 : i32
            %dma_start3A_306 = tpu.memref_slice %arg6[%dma_start3A_304, %dma_start3A_305] : memref<384x128xf32, #tpu.memory_space<vmem>> -> memref<32x128xf32, #tpu.memory_space<vmem>>
            tpu.enqueue_dma source(%dma_start3A_306 : memref<32x128xf32, #tpu.memory_space<vmem>>) target(%dma_start3A_303 : memref<32x128xf32, #tpu.memory_space<hbm>>) target_semaphore(%run_scoped3A : memref<!tpu.dma_semaphore, #tpu.memory_space<semaphore_mem>>)
            %dma_wait3A = arith.constant 0 : i32
            %dma_wait3A_307 = arith.constant 0 : i32
            %dma_wait3A_308 = tpu.memref_slice %arg6[%dma_wait3A, %dma_wait3A_307] : memref<384x128xf32, #tpu.memory_space<vmem>> -> memref<32x128xf32, #tpu.memory_space<vmem>>
            %dma_wait3A_309 = arith.constant 0 : i32
            %dma_wait3A_310 = tpu.memref_slice %arg4[%mul3A_297, %dma_wait3A_309] : memref<100000x128xf32, #tpu.memory_space<hbm>> -> memref<32x128xf32, #tpu.memory_space<hbm>>
            %dma_wait3A_311 = arith.constant 0 : i32
            %dma_wait3A_312 = tpu.memref_slice %arg4[%mul3A_297, %dma_wait3A_311] : memref<100000x128xf32, #tpu.memory_space<hbm>> -> memref<32x128xf32, #tpu.memory_space<hbm>>
            %dma_wait3A_313 = arith.constant 0 : i32
            %dma_wait3A_314 = arith.constant 0 : i32
            %dma_wait3A_315 = tpu.memref_slice %arg6[%dma_wait3A_313, %dma_wait3A_314] : memref<384x128xf32, #tpu.memory_space<vmem>> -> memref<32x128xf32, #tpu.memory_space<vmem>>
            tpu.wait_dma2 semaphore(%run_scoped3A : memref<!tpu.dma_semaphore, #tpu.memory_space<semaphore_mem>>) src(%dma_wait3A_315 : memref<32x128xf32, #tpu.memory_space<vmem>>) dst(%dma_wait3A_312 : memref<32x128xf32, #tpu.memory_space<hbm>>)
            tpu.yield
          }) : () -> ()
        } else {
        }
        %add3A_199 = arith.addi %add3A_8, %add3A_176 : i32
        %add3A_200 = arith.constant 3 : i32
        %add3A_201 = arith.addi %add3A_199, %add3A_200 : i32
        %add3A_202 = arith.constant 3 : i32
        %add3A_203 = arith.addi %add3A_176, %add3A_202 : i32
        %le3A_204 = arith.constant 780 : i32
        %le3A_205 = arith.cmpi sle, %add3A_201, %le3A_204 : i32
        %convert_element_type3A_206 = arith.extui %le3A_205 : i1 to i32
        %cond3A_207 = arith.constant 0 : i32
        %cond3A_208 = arith.cmpi ne, %convert_element_type3A_206, %cond3A_207 : i32
        scf.if %cond3A_208 {
          %mul3A_296 = arith.constant 128 : i32
          %mul3A_297 = arith.muli %add3A_203, %mul3A_296 : i32
          %dma_start3A = arith.constant 0 : i32
          %dma_start3A_298 = arith.constant 0 : i32
          %dma_start3A_299 = tpu.memref_slice %arg6[%dma_start3A, %dma_start3A_298] : memref<384x128xf32, #tpu.memory_space<vmem>> -> memref<128x128xf32, #tpu.memory_space<vmem>>
          %dma_start3A_300 = tpu.memref_slice %arg5[%mul3A_297] : memref<3968xi32, #tpu.memory_space<vmem>> -> memref<128xi32, #tpu.memory_space<vmem>>
          %dma_start3A_301 = arith.constant 0 : i32
          %dma_start3A_302 = arith.constant 0 : i32
          %dma_start3A_303 = tpu.memref_slice %arg3[%dma_start3A_301, %dma_start3A_302] : memref<100000x128xf32, #tpu.memory_space<hbm>> -> memref<100000x128xf32, #tpu.memory_space<hbm>>
          tpu.enqueue_indirect_dma source(%dma_start3A_303 : memref<100000x128xf32, #tpu.memory_space<hbm>>) target(%dma_start3A_299 : memref<128x128xf32, #tpu.memory_space<vmem>>) offsets(%dma_start3A_300 : memref<128xi32, #tpu.memory_space<vmem>>) semaphore(%arg7 : memref<!tpu.dma_semaphore, #tpu.memory_space<semaphore_mem>>)
        } else {
        }
        %eq3A_209 = arith.constant 781 : i32
        %eq3A_210 = arith.cmpi eq, %add3A_201, %eq3A_209 : i32
        %convert_element_type3A_211 = arith.extui %eq3A_210 : i1 to i32
        %cond3A_212 = arith.constant 0 : i32
        %cond3A_213 = arith.cmpi ne, %convert_element_type3A_211, %cond3A_212 : i32
        scf.if %cond3A_213 {
          %mul3A_296 = arith.constant 128 : i32
          %mul3A_297 = arith.muli %add3A_203, %mul3A_296 : i32
          %dma_start3A = arith.constant 0 : i32
          %dma_start3A_298 = arith.constant 0 : i32
          %dma_start3A_299 = tpu.memref_slice %arg6[%dma_start3A, %dma_start3A_298] : memref<384x128xf32, #tpu.memory_space<vmem>> -> memref<32x128xf32, #tpu.memory_space<vmem>>
          %dma_start3A_300 = tpu.memref_slice %arg5[%mul3A_297] : memref<3968xi32, #tpu.memory_space<vmem>> -> memref<32xi32, #tpu.memory_space<vmem>>
          %dma_start3A_301 = arith.constant 0 : i32
          %dma_start3A_302 = arith.constant 0 : i32
          %dma_start3A_303 = tpu.memref_slice %arg3[%dma_start3A_301, %dma_start3A_302] : memref<100000x128xf32, #tpu.memory_space<hbm>> -> memref<100000x128xf32, #tpu.memory_space<hbm>>
          tpu.enqueue_indirect_dma source(%dma_start3A_303 : memref<100000x128xf32, #tpu.memory_space<hbm>>) target(%dma_start3A_299 : memref<32x128xf32, #tpu.memory_space<vmem>>) offsets(%dma_start3A_300 : memref<32xi32, #tpu.memory_space<vmem>>) semaphore(%arg7 : memref<!tpu.dma_semaphore, #tpu.memory_space<semaphore_mem>>)
        } else {
        }
        %mul3A_214 = arith.constant 3 : i32
        %mul3A_215 = arith.muli %mul3A_214, %scan3A_172 : i32
        %add3A_216 = arith.constant 1 : i32
        %add3A_217 = arith.addi %mul3A_215, %add3A_216 : i32
        %add3A_218 = arith.addi %add3A_8, %add3A_217 : i32
        %le3A_219 = arith.constant 780 : i32
        %le3A_220 = arith.cmpi sle, %add3A_218, %le3A_219 : i32
        %convert_element_type3A_221 = arith.extui %le3A_220 : i1 to i32
        %cond3A_222 = arith.constant 0 : i32
        %cond3A_223 = arith.cmpi ne, %convert_element_type3A_221, %cond3A_222 : i32
        scf.if %cond3A_223 {
          %dma_wait3A = arith.constant 128 : i32
          %dma_wait3A_296 = arith.constant 0 : i32
          %dma_wait3A_297 = tpu.memref_slice %arg6[%dma_wait3A, %dma_wait3A_296] : memref<384x128xf32, #tpu.memory_space<vmem>> -> memref<128x128xf32, #tpu.memory_space<vmem>>
          %dma_wait3A_298 = arith.constant 0 : i32
          %dma_wait3A_299 = arith.constant 0 : i32
          %dma_wait3A_300 = tpu.memref_slice %arg3[%dma_wait3A_298, %dma_wait3A_299] : memref<100000x128xf32, #tpu.memory_space<hbm>> -> memref<128x128xf32, #tpu.memory_space<hbm>>
          %dma_wait3A_301 = arith.constant 128 : i32
          %dma_wait3A_302 = arith.constant 0 : i32
          %dma_wait3A_303 = tpu.memref_slice %arg6[%dma_wait3A_301, %dma_wait3A_302] : memref<384x128xf32, #tpu.memory_space<vmem>> -> memref<128x128xf32, #tpu.memory_space<vmem>>
          %dma_wait3A_304 = arith.constant 0 : i32
          %dma_wait3A_305 = arith.constant 0 : i32
          %dma_wait3A_306 = tpu.memref_slice %arg3[%dma_wait3A_304, %dma_wait3A_305] : memref<100000x128xf32, #tpu.memory_space<hbm>> -> memref<128x128xf32, #tpu.memory_space<hbm>>
          tpu.wait_dma2 semaphore(%arg8 : memref<!tpu.dma_semaphore, #tpu.memory_space<semaphore_mem>>) src(%dma_wait3A_306 : memref<128x128xf32, #tpu.memory_space<hbm>>) dst(%dma_wait3A_303 : memref<128x128xf32, #tpu.memory_space<vmem>>)
        } else {
        }
        %eq3A_224 = arith.constant 781 : i32
        %eq3A_225 = arith.cmpi eq, %add3A_218, %eq3A_224 : i32
        %convert_element_type3A_226 = arith.extui %eq3A_225 : i1 to i32
        %cond3A_227 = arith.constant 0 : i32
        %cond3A_228 = arith.cmpi ne, %convert_element_type3A_226, %cond3A_227 : i32
        scf.if %cond3A_228 {
          %dma_wait3A = arith.constant 128 : i32
          %dma_wait3A_296 = arith.constant 0 : i32
          %dma_wait3A_297 = tpu.memref_slice %arg6[%dma_wait3A, %dma_wait3A_296] : memref<384x128xf32, #tpu.memory_space<vmem>> -> memref<32x128xf32, #tpu.memory_space<vmem>>
          %dma_wait3A_298 = arith.constant 0 : i32
          %dma_wait3A_299 = arith.constant 0 : i32
          %dma_wait3A_300 = tpu.memref_slice %arg3[%dma_wait3A_298, %dma_wait3A_299] : memref<100000x128xf32, #tpu.memory_space<hbm>> -> memref<32x128xf32, #tpu.memory_space<hbm>>
          %dma_wait3A_301 = arith.constant 128 : i32
          %dma_wait3A_302 = arith.constant 0 : i32
          %dma_wait3A_303 = tpu.memref_slice %arg6[%dma_wait3A_301, %dma_wait3A_302] : memref<384x128xf32, #tpu.memory_space<vmem>> -> memref<32x128xf32, #tpu.memory_space<vmem>>
          %dma_wait3A_304 = arith.constant 0 : i32
          %dma_wait3A_305 = arith.constant 0 : i32
          %dma_wait3A_306 = tpu.memref_slice %arg3[%dma_wait3A_304, %dma_wait3A_305] : memref<100000x128xf32, #tpu.memory_space<hbm>> -> memref<32x128xf32, #tpu.memory_space<hbm>>
          tpu.wait_dma2 semaphore(%arg8 : memref<!tpu.dma_semaphore, #tpu.memory_space<semaphore_mem>>) src(%dma_wait3A_306 : memref<32x128xf32, #tpu.memory_space<hbm>>) dst(%dma_wait3A_303 : memref<32x128xf32, #tpu.memory_space<vmem>>)
        } else {
        }
        %add3A_229 = arith.addi %add3A_8, %add3A_217 : i32
        %le3A_230 = arith.constant 780 : i32
        %le3A_231 = arith.cmpi sle, %add3A_229, %le3A_230 : i32
        %convert_element_type3A_232 = arith.extui %le3A_231 : i1 to i32
        %cond3A_233 = arith.constant 0 : i32
        %cond3A_234 = arith.cmpi ne, %convert_element_type3A_232, %cond3A_233 : i32
        scf.if %cond3A_234 {
          %mul3A_296 = arith.constant 128 : i32
          %mul3A_297 = arith.muli %add3A_229, %mul3A_296 : i32
          "tpu.region"() ({
            %run_scoped3A = tpu.sem_alloc : memref<!tpu.dma_semaphore, #tpu.memory_space<semaphore_mem>>
            %dma_start3A = arith.constant 128 : i32
            %dma_start3A_298 = arith.constant 0 : i32
            %dma_start3A_299 = tpu.memref_slice %arg6[%dma_start3A, %dma_start3A_298] : memref<384x128xf32, #tpu.memory_space<vmem>> -> memref<128x128xf32, #tpu.memory_space<vmem>>
            %dma_start3A_300 = arith.constant 0 : i32
            %dma_start3A_301 = tpu.memref_slice %arg4[%mul3A_297, %dma_start3A_300] : memref<100000x128xf32, #tpu.memory_space<hbm>> -> memref<128x128xf32, #tpu.memory_space<hbm>>
            %dma_start3A_302 = arith.constant 0 : i32
            %dma_start3A_303 = tpu.memref_slice %arg4[%mul3A_297, %dma_start3A_302] : memref<100000x128xf32, #tpu.memory_space<hbm>> -> memref<128x128xf32, #tpu.memory_space<hbm>>
            %dma_start3A_304 = arith.constant 128 : i32
            %dma_start3A_305 = arith.constant 0 : i32
            %dma_start3A_306 = tpu.memref_slice %arg6[%dma_start3A_304, %dma_start3A_305] : memref<384x128xf32, #tpu.memory_space<vmem>> -> memref<128x128xf32, #tpu.memory_space<vmem>>
            tpu.enqueue_dma source(%dma_start3A_306 : memref<128x128xf32, #tpu.memory_space<vmem>>) target(%dma_start3A_303 : memref<128x128xf32, #tpu.memory_space<hbm>>) target_semaphore(%run_scoped3A : memref<!tpu.dma_semaphore, #tpu.memory_space<semaphore_mem>>)
            %dma_wait3A = arith.constant 128 : i32
            %dma_wait3A_307 = arith.constant 0 : i32
            %dma_wait3A_308 = tpu.memref_slice %arg6[%dma_wait3A, %dma_wait3A_307] : memref<384x128xf32, #tpu.memory_space<vmem>> -> memref<128x128xf32, #tpu.memory_space<vmem>>
            %dma_wait3A_309 = arith.constant 0 : i32
            %dma_wait3A_310 = tpu.memref_slice %arg4[%mul3A_297, %dma_wait3A_309] : memref<100000x128xf32, #tpu.memory_space<hbm>> -> memref<128x128xf32, #tpu.memory_space<hbm>>
            %dma_wait3A_311 = arith.constant 0 : i32
            %dma_wait3A_312 = tpu.memref_slice %arg4[%mul3A_297, %dma_wait3A_311] : memref<100000x128xf32, #tpu.memory_space<hbm>> -> memref<128x128xf32, #tpu.memory_space<hbm>>
            %dma_wait3A_313 = arith.constant 128 : i32
            %dma_wait3A_314 = arith.constant 0 : i32
            %dma_wait3A_315 = tpu.memref_slice %arg6[%dma_wait3A_313, %dma_wait3A_314] : memref<384x128xf32, #tpu.memory_space<vmem>> -> memref<128x128xf32, #tpu.memory_space<vmem>>
            tpu.wait_dma2 semaphore(%run_scoped3A : memref<!tpu.dma_semaphore, #tpu.memory_space<semaphore_mem>>) src(%dma_wait3A_315 : memref<128x128xf32, #tpu.memory_space<vmem>>) dst(%dma_wait3A_312 : memref<128x128xf32, #tpu.memory_space<hbm>>)
            tpu.yield
          }) : () -> ()
        } else {
        }
        %eq3A_235 = arith.constant 781 : i32
        %eq3A_236 = arith.cmpi eq, %add3A_229, %eq3A_235 : i32
        %convert_element_type3A_237 = arith.extui %eq3A_236 : i1 to i32
        %cond3A_238 = arith.constant 0 : i32
        %cond3A_239 = arith.cmpi ne, %convert_element_type3A_237, %cond3A_238 : i32
        scf.if %cond3A_239 {
          %mul3A_296 = arith.constant 128 : i32
          %mul3A_297 = arith.muli %add3A_229, %mul3A_296 : i32
          "tpu.region"() ({
            %run_scoped3A = tpu.sem_alloc : memref<!tpu.dma_semaphore, #tpu.memory_space<semaphore_mem>>
            %dma_start3A = arith.constant 128 : i32
            %dma_start3A_298 = arith.constant 0 : i32
            %dma_start3A_299 = tpu.memref_slice %arg6[%dma_start3A, %dma_start3A_298] : memref<384x128xf32, #tpu.memory_space<vmem>> -> memref<32x128xf32, #tpu.memory_space<vmem>>
            %dma_start3A_300 = arith.constant 0 : i32
            %dma_start3A_301 = tpu.memref_slice %arg4[%mul3A_297, %dma_start3A_300] : memref<100000x128xf32, #tpu.memory_space<hbm>> -> memref<32x128xf32, #tpu.memory_space<hbm>>
            %dma_start3A_302 = arith.constant 0 : i32
            %dma_start3A_303 = tpu.memref_slice %arg4[%mul3A_297, %dma_start3A_302] : memref<100000x128xf32, #tpu.memory_space<hbm>> -> memref<32x128xf32, #tpu.memory_space<hbm>>
            %dma_start3A_304 = arith.constant 128 : i32
            %dma_start3A_305 = arith.constant 0 : i32
            %dma_start3A_306 = tpu.memref_slice %arg6[%dma_start3A_304, %dma_start3A_305] : memref<384x128xf32, #tpu.memory_space<vmem>> -> memref<32x128xf32, #tpu.memory_space<vmem>>
            tpu.enqueue_dma source(%dma_start3A_306 : memref<32x128xf32, #tpu.memory_space<vmem>>) target(%dma_start3A_303 : memref<32x128xf32, #tpu.memory_space<hbm>>) target_semaphore(%run_scoped3A : memref<!tpu.dma_semaphore, #tpu.memory_space<semaphore_mem>>)
            %dma_wait3A = arith.constant 128 : i32
            %dma_wait3A_307 = arith.constant 0 : i32
            %dma_wait3A_308 = tpu.memref_slice %arg6[%dma_wait3A, %dma_wait3A_307] : memref<384x128xf32, #tpu.memory_space<vmem>> -> memref<32x128xf32, #tpu.memory_space<vmem>>
            %dma_wait3A_309 = arith.constant 0 : i32
            %dma_wait3A_310 = tpu.memref_slice %arg4[%mul3A_297, %dma_wait3A_309] : memref<100000x128xf32, #tpu.memory_space<hbm>> -> memref<32x128xf32, #tpu.memory_space<hbm>>
            %dma_wait3A_311 = arith.constant 0 : i32
            %dma_wait3A_312 = tpu.memref_slice %arg4[%mul3A_297, %dma_wait3A_311] : memref<100000x128xf32, #tpu.memory_space<hbm>> -> memref<32x128xf32, #tpu.memory_space<hbm>>
            %dma_wait3A_313 = arith.constant 128 : i32
            %dma_wait3A_314 = arith.constant 0 : i32
            %dma_wait3A_315 = tpu.memref_slice %arg6[%dma_wait3A_313, %dma_wait3A_314] : memref<384x128xf32, #tpu.memory_space<vmem>> -> memref<32x128xf32, #tpu.memory_space<vmem>>
            tpu.wait_dma2 semaphore(%run_scoped3A : memref<!tpu.dma_semaphore, #tpu.memory_space<semaphore_mem>>) src(%dma_wait3A_315 : memref<32x128xf32, #tpu.memory_space<vmem>>) dst(%dma_wait3A_312 : memref<32x128xf32, #tpu.memory_space<hbm>>)
            tpu.yield
          }) : () -> ()
        } else {
        }
        %add3A_240 = arith.addi %add3A_8, %add3A_217 : i32
        %add3A_241 = arith.constant 3 : i32
        %add3A_242 = arith.addi %add3A_240, %add3A_241 : i32
        %add3A_243 = arith.constant 3 : i32
        %add3A_244 = arith.addi %add3A_217, %add3A_243 : i32
        %le3A_245 = arith.constant 780 : i32
        %le3A_246 = arith.cmpi sle, %add3A_242, %le3A_245 : i32
        %convert_element_type3A_247 = arith.extui %le3A_246 : i1 to i32
        %cond3A_248 = arith.constant 0 : i32
        %cond3A_249 = arith.cmpi ne, %convert_element_type3A_247, %cond3A_248 : i32
        scf.if %cond3A_249 {
          %mul3A_296 = arith.constant 128 : i32
          %mul3A_297 = arith.muli %add3A_244, %mul3A_296 : i32
          %dma_start3A = arith.constant 128 : i32
          %dma_start3A_298 = arith.constant 0 : i32
          %dma_start3A_299 = tpu.memref_slice %arg6[%dma_start3A, %dma_start3A_298] : memref<384x128xf32, #tpu.memory_space<vmem>> -> memref<128x128xf32, #tpu.memory_space<vmem>>
          %dma_start3A_300 = tpu.memref_slice %arg5[%mul3A_297] : memref<3968xi32, #tpu.memory_space<vmem>> -> memref<128xi32, #tpu.memory_space<vmem>>
          %dma_start3A_301 = arith.constant 0 : i32
          %dma_start3A_302 = arith.constant 0 : i32
          %dma_start3A_303 = tpu.memref_slice %arg3[%dma_start3A_301, %dma_start3A_302] : memref<100000x128xf32, #tpu.memory_space<hbm>> -> memref<100000x128xf32, #tpu.memory_space<hbm>>
          tpu.enqueue_indirect_dma source(%dma_start3A_303 : memref<100000x128xf32, #tpu.memory_space<hbm>>) target(%dma_start3A_299 : memref<128x128xf32, #tpu.memory_space<vmem>>) offsets(%dma_start3A_300 : memref<128xi32, #tpu.memory_space<vmem>>) semaphore(%arg8 : memref<!tpu.dma_semaphore, #tpu.memory_space<semaphore_mem>>)
        } else {
        }
        %eq3A_250 = arith.constant 781 : i32
        %eq3A_251 = arith.cmpi eq, %add3A_242, %eq3A_250 : i32
        %convert_element_type3A_252 = arith.extui %eq3A_251 : i1 to i32
        %cond3A_253 = arith.constant 0 : i32
        %cond3A_254 = arith.cmpi ne, %convert_element_type3A_252, %cond3A_253 : i32
        scf.if %cond3A_254 {
          %mul3A_296 = arith.constant 128 : i32
          %mul3A_297 = arith.muli %add3A_244, %mul3A_296 : i32
          %dma_start3A = arith.constant 128 : i32
          %dma_start3A_298 = arith.constant 0 : i32
          %dma_start3A_299 = tpu.memref_slice %arg6[%dma_start3A, %dma_start3A_298] : memref<384x128xf32, #tpu.memory_space<vmem>> -> memref<32x128xf32, #tpu.memory_space<vmem>>
          %dma_start3A_300 = tpu.memref_slice %arg5[%mul3A_297] : memref<3968xi32, #tpu.memory_space<vmem>> -> memref<32xi32, #tpu.memory_space<vmem>>
          %dma_start3A_301 = arith.constant 0 : i32
          %dma_start3A_302 = arith.constant 0 : i32
          %dma_start3A_303 = tpu.memref_slice %arg3[%dma_start3A_301, %dma_start3A_302] : memref<100000x128xf32, #tpu.memory_space<hbm>> -> memref<100000x128xf32, #tpu.memory_space<hbm>>
          tpu.enqueue_indirect_dma source(%dma_start3A_303 : memref<100000x128xf32, #tpu.memory_space<hbm>>) target(%dma_start3A_299 : memref<32x128xf32, #tpu.memory_space<vmem>>) offsets(%dma_start3A_300 : memref<32xi32, #tpu.memory_space<vmem>>) semaphore(%arg8 : memref<!tpu.dma_semaphore, #tpu.memory_space<semaphore_mem>>)
        } else {
        }
        %mul3A_255 = arith.constant 3 : i32
        %mul3A_256 = arith.muli %mul3A_255, %scan3A_172 : i32
        %add3A_257 = arith.constant 2 : i32
        %add3A_258 = arith.addi %mul3A_256, %add3A_257 : i32
        %add3A_259 = arith.addi %add3A_8, %add3A_258 : i32
        %le3A_260 = arith.constant 780 : i32
        %le3A_261 = arith.cmpi sle, %add3A_259, %le3A_260 : i32
        %convert_element_type3A_262 = arith.extui %le3A_261 : i1 to i32
        %cond3A_263 = arith.constant 0 : i32
        %cond3A_264 = arith.cmpi ne, %convert_element_type3A_262, %cond3A_263 : i32
        scf.if %cond3A_264 {
          %dma_wait3A = arith.constant 256 : i32
          %dma_wait3A_296 = arith.constant 0 : i32
          %dma_wait3A_297 = tpu.memref_slice %arg6[%dma_wait3A, %dma_wait3A_296] : memref<384x128xf32, #tpu.memory_space<vmem>> -> memref<128x128xf32, #tpu.memory_space<vmem>>
          %dma_wait3A_298 = arith.constant 0 : i32
          %dma_wait3A_299 = arith.constant 0 : i32
          %dma_wait3A_300 = tpu.memref_slice %arg3[%dma_wait3A_298, %dma_wait3A_299] : memref<100000x128xf32, #tpu.memory_space<hbm>> -> memref<128x128xf32, #tpu.memory_space<hbm>>
          %dma_wait3A_301 = arith.constant 256 : i32
          %dma_wait3A_302 = arith.constant 0 : i32
          %dma_wait3A_303 = tpu.memref_slice %arg6[%dma_wait3A_301, %dma_wait3A_302] : memref<384x128xf32, #tpu.memory_space<vmem>> -> memref<128x128xf32, #tpu.memory_space<vmem>>
          %dma_wait3A_304 = arith.constant 0 : i32
          %dma_wait3A_305 = arith.constant 0 : i32
          %dma_wait3A_306 = tpu.memref_slice %arg3[%dma_wait3A_304, %dma_wait3A_305] : memref<100000x128xf32, #tpu.memory_space<hbm>> -> memref<128x128xf32, #tpu.memory_space<hbm>>
          tpu.wait_dma2 semaphore(%arg9 : memref<!tpu.dma_semaphore, #tpu.memory_space<semaphore_mem>>) src(%dma_wait3A_306 : memref<128x128xf32, #tpu.memory_space<hbm>>) dst(%dma_wait3A_303 : memref<128x128xf32, #tpu.memory_space<vmem>>)
        } else {
        }
        %eq3A_265 = arith.constant 781 : i32
        %eq3A_266 = arith.cmpi eq, %add3A_259, %eq3A_265 : i32
        %convert_element_type3A_267 = arith.extui %eq3A_266 : i1 to i32
        %cond3A_268 = arith.constant 0 : i32
        %cond3A_269 = arith.cmpi ne, %convert_element_type3A_267, %cond3A_268 : i32
        scf.if %cond3A_269 {
          %dma_wait3A = arith.constant 256 : i32
          %dma_wait3A_296 = arith.constant 0 : i32
          %dma_wait3A_297 = tpu.memref_slice %arg6[%dma_wait3A, %dma_wait3A_296] : memref<384x128xf32, #tpu.memory_space<vmem>> -> memref<32x128xf32, #tpu.memory_space<vmem>>
          %dma_wait3A_298 = arith.constant 0 : i32
          %dma_wait3A_299 = arith.constant 0 : i32
          %dma_wait3A_300 = tpu.memref_slice %arg3[%dma_wait3A_298, %dma_wait3A_299] : memref<100000x128xf32, #tpu.memory_space<hbm>> -> memref<32x128xf32, #tpu.memory_space<hbm>>
          %dma_wait3A_301 = arith.constant 256 : i32
          %dma_wait3A_302 = arith.constant 0 : i32
          %dma_wait3A_303 = tpu.memref_slice %arg6[%dma_wait3A_301, %dma_wait3A_302] : memref<384x128xf32, #tpu.memory_space<vmem>> -> memref<32x128xf32, #tpu.memory_space<vmem>>
          %dma_wait3A_304 = arith.constant 0 : i32
          %dma_wait3A_305 = arith.constant 0 : i32
          %dma_wait3A_306 = tpu.memref_slice %arg3[%dma_wait3A_304, %dma_wait3A_305] : memref<100000x128xf32, #tpu.memory_space<hbm>> -> memref<32x128xf32, #tpu.memory_space<hbm>>
          tpu.wait_dma2 semaphore(%arg9 : memref<!tpu.dma_semaphore, #tpu.memory_space<semaphore_mem>>) src(%dma_wait3A_306 : memref<32x128xf32, #tpu.memory_space<hbm>>) dst(%dma_wait3A_303 : memref<32x128xf32, #tpu.memory_space<vmem>>)
        } else {
        }
        %add3A_270 = arith.addi %add3A_8, %add3A_258 : i32
        %le3A_271 = arith.constant 780 : i32
        %le3A_272 = arith.cmpi sle, %add3A_270, %le3A_271 : i32
        %convert_element_type3A_273 = arith.extui %le3A_272 : i1 to i32
        %cond3A_274 = arith.constant 0 : i32
        %cond3A_275 = arith.cmpi ne, %convert_element_type3A_273, %cond3A_274 : i32
        scf.if %cond3A_275 {
          %mul3A_296 = arith.constant 128 : i32
          %mul3A_297 = arith.muli %add3A_270, %mul3A_296 : i32
          "tpu.region"() ({
            %run_scoped3A = tpu.sem_alloc : memref<!tpu.dma_semaphore, #tpu.memory_space<semaphore_mem>>
            %dma_start3A = arith.constant 256 : i32
            %dma_start3A_298 = arith.constant 0 : i32
            %dma_start3A_299 = tpu.memref_slice %arg6[%dma_start3A, %dma_start3A_298] : memref<384x128xf32, #tpu.memory_space<vmem>> -> memref<128x128xf32, #tpu.memory_space<vmem>>
            %dma_start3A_300 = arith.constant 0 : i32
            %dma_start3A_301 = tpu.memref_slice %arg4[%mul3A_297, %dma_start3A_300] : memref<100000x128xf32, #tpu.memory_space<hbm>> -> memref<128x128xf32, #tpu.memory_space<hbm>>
            %dma_start3A_302 = arith.constant 0 : i32
            %dma_start3A_303 = tpu.memref_slice %arg4[%mul3A_297, %dma_start3A_302] : memref<100000x128xf32, #tpu.memory_space<hbm>> -> memref<128x128xf32, #tpu.memory_space<hbm>>
            %dma_start3A_304 = arith.constant 256 : i32
            %dma_start3A_305 = arith.constant 0 : i32
            %dma_start3A_306 = tpu.memref_slice %arg6[%dma_start3A_304, %dma_start3A_305] : memref<384x128xf32, #tpu.memory_space<vmem>> -> memref<128x128xf32, #tpu.memory_space<vmem>>
            tpu.enqueue_dma source(%dma_start3A_306 : memref<128x128xf32, #tpu.memory_space<vmem>>) target(%dma_start3A_303 : memref<128x128xf32, #tpu.memory_space<hbm>>) target_semaphore(%run_scoped3A : memref<!tpu.dma_semaphore, #tpu.memory_space<semaphore_mem>>)
            %dma_wait3A = arith.constant 256 : i32
            %dma_wait3A_307 = arith.constant 0 : i32
            %dma_wait3A_308 = tpu.memref_slice %arg6[%dma_wait3A, %dma_wait3A_307] : memref<384x128xf32, #tpu.memory_space<vmem>> -> memref<128x128xf32, #tpu.memory_space<vmem>>
            %dma_wait3A_309 = arith.constant 0 : i32
            %dma_wait3A_310 = tpu.memref_slice %arg4[%mul3A_297, %dma_wait3A_309] : memref<100000x128xf32, #tpu.memory_space<hbm>> -> memref<128x128xf32, #tpu.memory_space<hbm>>
            %dma_wait3A_311 = arith.constant 0 : i32
            %dma_wait3A_312 = tpu.memref_slice %arg4[%mul3A_297, %dma_wait3A_311] : memref<100000x128xf32, #tpu.memory_space<hbm>> -> memref<128x128xf32, #tpu.memory_space<hbm>>
            %dma_wait3A_313 = arith.constant 256 : i32
            %dma_wait3A_314 = arith.constant 0 : i32
            %dma_wait3A_315 = tpu.memref_slice %arg6[%dma_wait3A_313, %dma_wait3A_314] : memref<384x128xf32, #tpu.memory_space<vmem>> -> memref<128x128xf32, #tpu.memory_space<vmem>>
            tpu.wait_dma2 semaphore(%run_scoped3A : memref<!tpu.dma_semaphore, #tpu.memory_space<semaphore_mem>>) src(%dma_wait3A_315 : memref<128x128xf32, #tpu.memory_space<vmem>>) dst(%dma_wait3A_312 : memref<128x128xf32, #tpu.memory_space<hbm>>)
            tpu.yield
          }) : () -> ()
        } else {
        }
        %eq3A_276 = arith.constant 781 : i32
        %eq3A_277 = arith.cmpi eq, %add3A_270, %eq3A_276 : i32
        %convert_element_type3A_278 = arith.extui %eq3A_277 : i1 to i32
        %cond3A_279 = arith.constant 0 : i32
        %cond3A_280 = arith.cmpi ne, %convert_element_type3A_278, %cond3A_279 : i32
        scf.if %cond3A_280 {
          %mul3A_296 = arith.constant 128 : i32
          %mul3A_297 = arith.muli %add3A_270, %mul3A_296 : i32
          "tpu.region"() ({
            %run_scoped3A = tpu.sem_alloc : memref<!tpu.dma_semaphore, #tpu.memory_space<semaphore_mem>>
            %dma_start3A = arith.constant 256 : i32
            %dma_start3A_298 = arith.constant 0 : i32
            %dma_start3A_299 = tpu.memref_slice %arg6[%dma_start3A, %dma_start3A_298] : memref<384x128xf32, #tpu.memory_space<vmem>> -> memref<32x128xf32, #tpu.memory_space<vmem>>
            %dma_start3A_300 = arith.constant 0 : i32
            %dma_start3A_301 = tpu.memref_slice %arg4[%mul3A_297, %dma_start3A_300] : memref<100000x128xf32, #tpu.memory_space<hbm>> -> memref<32x128xf32, #tpu.memory_space<hbm>>
            %dma_start3A_302 = arith.constant 0 : i32
            %dma_start3A_303 = tpu.memref_slice %arg4[%mul3A_297, %dma_start3A_302] : memref<100000x128xf32, #tpu.memory_space<hbm>> -> memref<32x128xf32, #tpu.memory_space<hbm>>
            %dma_start3A_304 = arith.constant 256 : i32
            %dma_start3A_305 = arith.constant 0 : i32
            %dma_start3A_306 = tpu.memref_slice %arg6[%dma_start3A_304, %dma_start3A_305] : memref<384x128xf32, #tpu.memory_space<vmem>> -> memref<32x128xf32, #tpu.memory_space<vmem>>
            tpu.enqueue_dma source(%dma_start3A_306 : memref<32x128xf32, #tpu.memory_space<vmem>>) target(%dma_start3A_303 : memref<32x128xf32, #tpu.memory_space<hbm>>) target_semaphore(%run_scoped3A : memref<!tpu.dma_semaphore, #tpu.memory_space<semaphore_mem>>)
            %dma_wait3A = arith.constant 256 : i32
            %dma_wait3A_307 = arith.constant 0 : i32
            %dma_wait3A_308 = tpu.memref_slice %arg6[%dma_wait3A, %dma_wait3A_307] : memref<384x128xf32, #tpu.memory_space<vmem>> -> memref<32x128xf32, #tpu.memory_space<vmem>>
            %dma_wait3A_309 = arith.constant 0 : i32
            %dma_wait3A_310 = tpu.memref_slice %arg4[%mul3A_297, %dma_wait3A_309] : memref<100000x128xf32, #tpu.memory_space<hbm>> -> memref<32x128xf32, #tpu.memory_space<hbm>>
            %dma_wait3A_311 = arith.constant 0 : i32
            %dma_wait3A_312 = tpu.memref_slice %arg4[%mul3A_297, %dma_wait3A_311] : memref<100000x128xf32, #tpu.memory_space<hbm>> -> memref<32x128xf32, #tpu.memory_space<hbm>>
            %dma_wait3A_313 = arith.constant 256 : i32
            %dma_wait3A_314 = arith.constant 0 : i32
            %dma_wait3A_315 = tpu.memref_slice %arg6[%dma_wait3A_313, %dma_wait3A_314] : memref<384x128xf32, #tpu.memory_space<vmem>> -> memref<32x128xf32, #tpu.memory_space<vmem>>
            tpu.wait_dma2 semaphore(%run_scoped3A : memref<!tpu.dma_semaphore, #tpu.memory_space<semaphore_mem>>) src(%dma_wait3A_315 : memref<32x128xf32, #tpu.memory_space<vmem>>) dst(%dma_wait3A_312 : memref<32x128xf32, #tpu.memory_space<hbm>>)
            tpu.yield
          }) : () -> ()
        } else {
        }
        %add3A_281 = arith.addi %add3A_8, %add3A_258 : i32
        %add3A_282 = arith.constant 3 : i32
        %add3A_283 = arith.addi %add3A_281, %add3A_282 : i32
        %add3A_284 = arith.constant 3 : i32
        %add3A_285 = arith.addi %add3A_258, %add3A_284 : i32
        %le3A_286 = arith.constant 780 : i32
        %le3A_287 = arith.cmpi sle, %add3A_283, %le3A_286 : i32
        %convert_element_type3A_288 = arith.extui %le3A_287 : i1 to i32
        %cond3A_289 = arith.constant 0 : i32
        %cond3A_290 = arith.cmpi ne, %convert_element_type3A_288, %cond3A_289 : i32
        scf.if %cond3A_290 {
          %mul3A_296 = arith.constant 128 : i32
          %mul3A_297 = arith.muli %add3A_285, %mul3A_296 : i32
          %dma_start3A = arith.constant 256 : i32
          %dma_start3A_298 = arith.constant 0 : i32
          %dma_start3A_299 = tpu.memref_slice %arg6[%dma_start3A, %dma_start3A_298] : memref<384x128xf32, #tpu.memory_space<vmem>> -> memref<128x128xf32, #tpu.memory_space<vmem>>
          %dma_start3A_300 = tpu.memref_slice %arg5[%mul3A_297] : memref<3968xi32, #tpu.memory_space<vmem>> -> memref<128xi32, #tpu.memory_space<vmem>>
          %dma_start3A_301 = arith.constant 0 : i32
          %dma_start3A_302 = arith.constant 0 : i32
          %dma_start3A_303 = tpu.memref_slice %arg3[%dma_start3A_301, %dma_start3A_302] : memref<100000x128xf32, #tpu.memory_space<hbm>> -> memref<100000x128xf32, #tpu.memory_space<hbm>>
          tpu.enqueue_indirect_dma source(%dma_start3A_303 : memref<100000x128xf32, #tpu.memory_space<hbm>>) target(%dma_start3A_299 : memref<128x128xf32, #tpu.memory_space<vmem>>) offsets(%dma_start3A_300 : memref<128xi32, #tpu.memory_space<vmem>>) semaphore(%arg9 : memref<!tpu.dma_semaphore, #tpu.memory_space<semaphore_mem>>)
        } else {
        }
        %eq3A_291 = arith.constant 781 : i32
        %eq3A_292 = arith.cmpi eq, %add3A_283, %eq3A_291 : i32
        %convert_element_type3A_293 = arith.extui %eq3A_292 : i1 to i32
        %cond3A_294 = arith.constant 0 : i32
        %cond3A_295 = arith.cmpi ne, %convert_element_type3A_293, %cond3A_294 : i32
        scf.if %cond3A_295 {
          %mul3A_296 = arith.constant 128 : i32
          %mul3A_297 = arith.muli %add3A_285, %mul3A_296 : i32
          %dma_start3A = arith.constant 256 : i32
          %dma_start3A_298 = arith.constant 0 : i32
          %dma_start3A_299 = tpu.memref_slice %arg6[%dma_start3A, %dma_start3A_298] : memref<384x128xf32, #tpu.memory_space<vmem>> -> memref<32x128xf32, #tpu.memory_space<vmem>>
          %dma_start3A_300 = tpu.memref_slice %arg5[%mul3A_297] : memref<3968xi32, #tpu.memory_space<vmem>> -> memref<32xi32, #tpu.memory_space<vmem>>
          %dma_start3A_301 = arith.constant 0 : i32
          %dma_start3A_302 = arith.constant 0 : i32
          %dma_start3A_303 = tpu.memref_slice %arg3[%dma_start3A_301, %dma_start3A_302] : memref<100000x128xf32, #tpu.memory_space<hbm>> -> memref<100000x128xf32, #tpu.memory_space<hbm>>
          tpu.enqueue_indirect_dma source(%dma_start3A_303 : memref<100000x128xf32, #tpu.memory_space<hbm>>) target(%dma_start3A_299 : memref<32x128xf32, #tpu.memory_space<vmem>>) offsets(%dma_start3A_300 : memref<32xi32, #tpu.memory_space<vmem>>) semaphore(%arg9 : memref<!tpu.dma_semaphore, #tpu.memory_space<semaphore_mem>>)
        } else {
        }
      }
      %scan3A_61 = arith.constant 5 : i32
      %add3A_62 = arith.constant 15 : i32
      %add3A_63 = arith.addi %add3A_8, %add3A_62 : i32
      %le3A_64 = arith.constant 780 : i32
      %le3A_65 = arith.cmpi sle, %add3A_63, %le3A_64 : i32
      %convert_element_type3A_66 = arith.extui %le3A_65 : i1 to i32
      %cond3A_67 = arith.constant 0 : i32
      %cond3A_68 = arith.cmpi ne, %convert_element_type3A_66, %cond3A_67 : i32
      scf.if %cond3A_68 {
        %dma_wait3A = arith.constant 0 : i32
        %dma_wait3A_172 = arith.constant 0 : i32
        %dma_wait3A_173 = tpu.memref_slice %arg6[%dma_wait3A, %dma_wait3A_172] : memref<384x128xf32, #tpu.memory_space<vmem>> -> memref<128x128xf32, #tpu.memory_space<vmem>>
        %dma_wait3A_174 = arith.constant 0 : i32
        %dma_wait3A_175 = arith.constant 0 : i32
        %dma_wait3A_176 = tpu.memref_slice %arg3[%dma_wait3A_174, %dma_wait3A_175] : memref<100000x128xf32, #tpu.memory_space<hbm>> -> memref<128x128xf32, #tpu.memory_space<hbm>>
        %dma_wait3A_177 = arith.constant 0 : i32
        %dma_wait3A_178 = arith.constant 0 : i32
        %dma_wait3A_179 = tpu.memref_slice %arg6[%dma_wait3A_177, %dma_wait3A_178] : memref<384x128xf32, #tpu.memory_space<vmem>> -> memref<128x128xf32, #tpu.memory_space<vmem>>
        %dma_wait3A_180 = arith.constant 0 : i32
        %dma_wait3A_181 = arith.constant 0 : i32
        %dma_wait3A_182 = tpu.memref_slice %arg3[%dma_wait3A_180, %dma_wait3A_181] : memref<100000x128xf32, #tpu.memory_space<hbm>> -> memref<128x128xf32, #tpu.memory_space<hbm>>
        tpu.wait_dma2 semaphore(%arg7 : memref<!tpu.dma_semaphore, #tpu.memory_space<semaphore_mem>>) src(%dma_wait3A_182 : memref<128x128xf32, #tpu.memory_space<hbm>>) dst(%dma_wait3A_179 : memref<128x128xf32, #tpu.memory_space<vmem>>)
      } else {
      }
      %eq3A_69 = arith.constant 781 : i32
      %eq3A_70 = arith.cmpi eq, %add3A_63, %eq3A_69 : i32
      %convert_element_type3A_71 = arith.extui %eq3A_70 : i1 to i32
      %cond3A_72 = arith.constant 0 : i32
      %cond3A_73 = arith.cmpi ne, %convert_element_type3A_71, %cond3A_72 : i32
      scf.if %cond3A_73 {
        %dma_wait3A = arith.constant 0 : i32
        %dma_wait3A_172 = arith.constant 0 : i32
        %dma_wait3A_173 = tpu.memref_slice %arg6[%dma_wait3A, %dma_wait3A_172] : memref<384x128xf32, #tpu.memory_space<vmem>> -> memref<32x128xf32, #tpu.memory_space<vmem>>
        %dma_wait3A_174 = arith.constant 0 : i32
        %dma_wait3A_175 = arith.constant 0 : i32
        %dma_wait3A_176 = tpu.memref_slice %arg3[%dma_wait3A_174, %dma_wait3A_175] : memref<100000x128xf32, #tpu.memory_space<hbm>> -> memref<32x128xf32, #tpu.memory_space<hbm>>
        %dma_wait3A_177 = arith.constant 0 : i32
        %dma_wait3A_178 = arith.constant 0 : i32
        %dma_wait3A_179 = tpu.memref_slice %arg6[%dma_wait3A_177, %dma_wait3A_178] : memref<384x128xf32, #tpu.memory_space<vmem>> -> memref<32x128xf32, #tpu.memory_space<vmem>>
        %dma_wait3A_180 = arith.constant 0 : i32
        %dma_wait3A_181 = arith.constant 0 : i32
        %dma_wait3A_182 = tpu.memref_slice %arg3[%dma_wait3A_180, %dma_wait3A_181] : memref<100000x128xf32, #tpu.memory_space<hbm>> -> memref<32x128xf32, #tpu.memory_space<hbm>>
        tpu.wait_dma2 semaphore(%arg7 : memref<!tpu.dma_semaphore, #tpu.memory_space<semaphore_mem>>) src(%dma_wait3A_182 : memref<32x128xf32, #tpu.memory_space<hbm>>) dst(%dma_wait3A_179 : memref<32x128xf32, #tpu.memory_space<vmem>>)
      } else {
      }
      %add3A_74 = arith.constant 15 : i32
      %add3A_75 = arith.addi %add3A_8, %add3A_74 : i32
      %le3A_76 = arith.constant 780 : i32
      %le3A_77 = arith.cmpi sle, %add3A_75, %le3A_76 : i32
      %convert_element_type3A_78 = arith.extui %le3A_77 : i1 to i32
      %cond3A_79 = arith.constant 0 : i32
      %cond3A_80 = arith.cmpi ne, %convert_element_type3A_78, %cond3A_79 : i32
      scf.if %cond3A_80 {
        %mul3A_172 = arith.constant 128 : i32
        %mul3A_173 = arith.muli %add3A_75, %mul3A_172 : i32
        "tpu.region"() ({
          %run_scoped3A = tpu.sem_alloc : memref<!tpu.dma_semaphore, #tpu.memory_space<semaphore_mem>>
          %dma_start3A = arith.constant 0 : i32
          %dma_start3A_174 = arith.constant 0 : i32
          %dma_start3A_175 = tpu.memref_slice %arg6[%dma_start3A, %dma_start3A_174] : memref<384x128xf32, #tpu.memory_space<vmem>> -> memref<128x128xf32, #tpu.memory_space<vmem>>
          %dma_start3A_176 = arith.constant 0 : i32
          %dma_start3A_177 = tpu.memref_slice %arg4[%mul3A_173, %dma_start3A_176] : memref<100000x128xf32, #tpu.memory_space<hbm>> -> memref<128x128xf32, #tpu.memory_space<hbm>>
          %dma_start3A_178 = arith.constant 0 : i32
          %dma_start3A_179 = tpu.memref_slice %arg4[%mul3A_173, %dma_start3A_178] : memref<100000x128xf32, #tpu.memory_space<hbm>> -> memref<128x128xf32, #tpu.memory_space<hbm>>
          %dma_start3A_180 = arith.constant 0 : i32
          %dma_start3A_181 = arith.constant 0 : i32
          %dma_start3A_182 = tpu.memref_slice %arg6[%dma_start3A_180, %dma_start3A_181] : memref<384x128xf32, #tpu.memory_space<vmem>> -> memref<128x128xf32, #tpu.memory_space<vmem>>
          tpu.enqueue_dma source(%dma_start3A_182 : memref<128x128xf32, #tpu.memory_space<vmem>>) target(%dma_start3A_179 : memref<128x128xf32, #tpu.memory_space<hbm>>) target_semaphore(%run_scoped3A : memref<!tpu.dma_semaphore, #tpu.memory_space<semaphore_mem>>)
          %dma_wait3A = arith.constant 0 : i32
          %dma_wait3A_183 = arith.constant 0 : i32
          %dma_wait3A_184 = tpu.memref_slice %arg6[%dma_wait3A, %dma_wait3A_183] : memref<384x128xf32, #tpu.memory_space<vmem>> -> memref<128x128xf32, #tpu.memory_space<vmem>>
          %dma_wait3A_185 = arith.constant 0 : i32
          %dma_wait3A_186 = tpu.memref_slice %arg4[%mul3A_173, %dma_wait3A_185] : memref<100000x128xf32, #tpu.memory_space<hbm>> -> memref<128x128xf32, #tpu.memory_space<hbm>>
          %dma_wait3A_187 = arith.constant 0 : i32
          %dma_wait3A_188 = tpu.memref_slice %arg4[%mul3A_173, %dma_wait3A_187] : memref<100000x128xf32, #tpu.memory_space<hbm>> -> memref<128x128xf32, #tpu.memory_space<hbm>>
          %dma_wait3A_189 = arith.constant 0 : i32
          %dma_wait3A_190 = arith.constant 0 : i32
          %dma_wait3A_191 = tpu.memref_slice %arg6[%dma_wait3A_189, %dma_wait3A_190] : memref<384x128xf32, #tpu.memory_space<vmem>> -> memref<128x128xf32, #tpu.memory_space<vmem>>
          tpu.wait_dma2 semaphore(%run_scoped3A : memref<!tpu.dma_semaphore, #tpu.memory_space<semaphore_mem>>) src(%dma_wait3A_191 : memref<128x128xf32, #tpu.memory_space<vmem>>) dst(%dma_wait3A_188 : memref<128x128xf32, #tpu.memory_space<hbm>>)
          tpu.yield
        }) : () -> ()
      } else {
      }
      %eq3A_81 = arith.constant 781 : i32
      %eq3A_82 = arith.cmpi eq, %add3A_75, %eq3A_81 : i32
      %convert_element_type3A_83 = arith.extui %eq3A_82 : i1 to i32
      %cond3A_84 = arith.constant 0 : i32
      %cond3A_85 = arith.cmpi ne, %convert_element_type3A_83, %cond3A_84 : i32
      scf.if %cond3A_85 {
        %mul3A_172 = arith.constant 128 : i32
        %mul3A_173 = arith.muli %add3A_75, %mul3A_172 : i32
        "tpu.region"() ({
          %run_scoped3A = tpu.sem_alloc : memref<!tpu.dma_semaphore, #tpu.memory_space<semaphore_mem>>
          %dma_start3A = arith.constant 0 : i32
          %dma_start3A_174 = arith.constant 0 : i32
          %dma_start3A_175 = tpu.memref_slice %arg6[%dma_start3A, %dma_start3A_174] : memref<384x128xf32, #tpu.memory_space<vmem>> -> memref<32x128xf32, #tpu.memory_space<vmem>>
          %dma_start3A_176 = arith.constant 0 : i32
          %dma_start3A_177 = tpu.memref_slice %arg4[%mul3A_173, %dma_start3A_176] : memref<100000x128xf32, #tpu.memory_space<hbm>> -> memref<32x128xf32, #tpu.memory_space<hbm>>
          %dma_start3A_178 = arith.constant 0 : i32
          %dma_start3A_179 = tpu.memref_slice %arg4[%mul3A_173, %dma_start3A_178] : memref<100000x128xf32, #tpu.memory_space<hbm>> -> memref<32x128xf32, #tpu.memory_space<hbm>>
          %dma_start3A_180 = arith.constant 0 : i32
          %dma_start3A_181 = arith.constant 0 : i32
          %dma_start3A_182 = tpu.memref_slice %arg6[%dma_start3A_180, %dma_start3A_181] : memref<384x128xf32, #tpu.memory_space<vmem>> -> memref<32x128xf32, #tpu.memory_space<vmem>>
          tpu.enqueue_dma source(%dma_start3A_182 : memref<32x128xf32, #tpu.memory_space<vmem>>) target(%dma_start3A_179 : memref<32x128xf32, #tpu.memory_space<hbm>>) target_semaphore(%run_scoped3A : memref<!tpu.dma_semaphore, #tpu.memory_space<semaphore_mem>>)
          %dma_wait3A = arith.constant 0 : i32
          %dma_wait3A_183 = arith.constant 0 : i32
          %dma_wait3A_184 = tpu.memref_slice %arg6[%dma_wait3A, %dma_wait3A_183] : memref<384x128xf32, #tpu.memory_space<vmem>> -> memref<32x128xf32, #tpu.memory_space<vmem>>
          %dma_wait3A_185 = arith.constant 0 : i32
          %dma_wait3A_186 = tpu.memref_slice %arg4[%mul3A_173, %dma_wait3A_185] : memref<100000x128xf32, #tpu.memory_space<hbm>> -> memref<32x128xf32, #tpu.memory_space<hbm>>
          %dma_wait3A_187 = arith.constant 0 : i32
          %dma_wait3A_188 = tpu.memref_slice %arg4[%mul3A_173, %dma_wait3A_187] : memref<100000x128xf32, #tpu.memory_space<hbm>> -> memref<32x128xf32, #tpu.memory_space<hbm>>
          %dma_wait3A_189 = arith.constant 0 : i32
          %dma_wait3A_190 = arith.constant 0 : i32
          %dma_wait3A_191 = tpu.memref_slice %arg6[%dma_wait3A_189, %dma_wait3A_190] : memref<384x128xf32, #tpu.memory_space<vmem>> -> memref<32x128xf32, #tpu.memory_space<vmem>>
          tpu.wait_dma2 semaphore(%run_scoped3A : memref<!tpu.dma_semaphore, #tpu.memory_space<semaphore_mem>>) src(%dma_wait3A_191 : memref<32x128xf32, #tpu.memory_space<vmem>>) dst(%dma_wait3A_188 : memref<32x128xf32, #tpu.memory_space<hbm>>)
          tpu.yield
        }) : () -> ()
      } else {
      }
      %add3A_86 = arith.constant 15 : i32
      %add3A_87 = arith.addi %add3A_8, %add3A_86 : i32
      %add3A_88 = arith.constant 3 : i32
      %add3A_89 = arith.addi %add3A_87, %add3A_88 : i32
      %le3A_90 = arith.constant 780 : i32
      %le3A_91 = arith.cmpi sle, %add3A_89, %le3A_90 : i32
      %convert_element_type3A_92 = arith.extui %le3A_91 : i1 to i32
      %cond3A_93 = arith.constant 0 : i32
      %cond3A_94 = arith.cmpi ne, %convert_element_type3A_92, %cond3A_93 : i32
      scf.if %cond3A_94 {
        %dma_start3A = arith.constant 0 : i32
        %dma_start3A_172 = arith.constant 0 : i32
        %dma_start3A_173 = tpu.memref_slice %arg6[%dma_start3A, %dma_start3A_172] : memref<384x128xf32, #tpu.memory_space<vmem>> -> memref<128x128xf32, #tpu.memory_space<vmem>>
        %dma_start3A_174 = arith.constant 2304 : i32
        %dma_start3A_175 = tpu.memref_slice %arg5[%dma_start3A_174] : memref<3968xi32, #tpu.memory_space<vmem>> -> memref<128xi32, #tpu.memory_space<vmem>>
        %dma_start3A_176 = arith.constant 0 : i32
        %dma_start3A_177 = arith.constant 0 : i32
        %dma_start3A_178 = tpu.memref_slice %arg3[%dma_start3A_176, %dma_start3A_177] : memref<100000x128xf32, #tpu.memory_space<hbm>> -> memref<100000x128xf32, #tpu.memory_space<hbm>>
        tpu.enqueue_indirect_dma source(%dma_start3A_178 : memref<100000x128xf32, #tpu.memory_space<hbm>>) target(%dma_start3A_173 : memref<128x128xf32, #tpu.memory_space<vmem>>) offsets(%dma_start3A_175 : memref<128xi32, #tpu.memory_space<vmem>>) semaphore(%arg7 : memref<!tpu.dma_semaphore, #tpu.memory_space<semaphore_mem>>)
      } else {
      }
      %eq3A_95 = arith.constant 781 : i32
      %eq3A_96 = arith.cmpi eq, %add3A_89, %eq3A_95 : i32
      %convert_element_type3A_97 = arith.extui %eq3A_96 : i1 to i32
      %cond3A_98 = arith.constant 0 : i32
      %cond3A_99 = arith.cmpi ne, %convert_element_type3A_97, %cond3A_98 : i32
      scf.if %cond3A_99 {
        %dma_start3A = arith.constant 0 : i32
        %dma_start3A_172 = arith.constant 0 : i32
        %dma_start3A_173 = tpu.memref_slice %arg6[%dma_start3A, %dma_start3A_172] : memref<384x128xf32, #tpu.memory_space<vmem>> -> memref<32x128xf32, #tpu.memory_space<vmem>>
        %dma_start3A_174 = arith.constant 2304 : i32
        %dma_start3A_175 = tpu.memref_slice %arg5[%dma_start3A_174] : memref<3968xi32, #tpu.memory_space<vmem>> -> memref<32xi32, #tpu.memory_space<vmem>>
        %dma_start3A_176 = arith.constant 0 : i32
        %dma_start3A_177 = arith.constant 0 : i32
        %dma_start3A_178 = tpu.memref_slice %arg3[%dma_start3A_176, %dma_start3A_177] : memref<100000x128xf32, #tpu.memory_space<hbm>> -> memref<100000x128xf32, #tpu.memory_space<hbm>>
        tpu.enqueue_indirect_dma source(%dma_start3A_178 : memref<100000x128xf32, #tpu.memory_space<hbm>>) target(%dma_start3A_173 : memref<32x128xf32, #tpu.memory_space<vmem>>) offsets(%dma_start3A_175 : memref<32xi32, #tpu.memory_space<vmem>>) semaphore(%arg7 : memref<!tpu.dma_semaphore, #tpu.memory_space<semaphore_mem>>)
      } else {
      }
      %add3A_100 = arith.constant 16 : i32
      %add3A_101 = arith.addi %add3A_8, %add3A_100 : i32
      %le3A_102 = arith.constant 780 : i32
      %le3A_103 = arith.cmpi sle, %add3A_101, %le3A_102 : i32
      %convert_element_type3A_104 = arith.extui %le3A_103 : i1 to i32
      %cond3A_105 = arith.constant 0 : i32
      %cond3A_106 = arith.cmpi ne, %convert_element_type3A_104, %cond3A_105 : i32
      scf.if %cond3A_106 {
        %dma_wait3A = arith.constant 128 : i32
        %dma_wait3A_172 = arith.constant 0 : i32
        %dma_wait3A_173 = tpu.memref_slice %arg6[%dma_wait3A, %dma_wait3A_172] : memref<384x128xf32, #tpu.memory_space<vmem>> -> memref<128x128xf32, #tpu.memory_space<vmem>>
        %dma_wait3A_174 = arith.constant 0 : i32
        %dma_wait3A_175 = arith.constant 0 : i32
        %dma_wait3A_176 = tpu.memref_slice %arg3[%dma_wait3A_174, %dma_wait3A_175] : memref<100000x128xf32, #tpu.memory_space<hbm>> -> memref<128x128xf32, #tpu.memory_space<hbm>>
        %dma_wait3A_177 = arith.constant 128 : i32
        %dma_wait3A_178 = arith.constant 0 : i32
        %dma_wait3A_179 = tpu.memref_slice %arg6[%dma_wait3A_177, %dma_wait3A_178] : memref<384x128xf32, #tpu.memory_space<vmem>> -> memref<128x128xf32, #tpu.memory_space<vmem>>
        %dma_wait3A_180 = arith.constant 0 : i32
        %dma_wait3A_181 = arith.constant 0 : i32
        %dma_wait3A_182 = tpu.memref_slice %arg3[%dma_wait3A_180, %dma_wait3A_181] : memref<100000x128xf32, #tpu.memory_space<hbm>> -> memref<128x128xf32, #tpu.memory_space<hbm>>
        tpu.wait_dma2 semaphore(%arg8 : memref<!tpu.dma_semaphore, #tpu.memory_space<semaphore_mem>>) src(%dma_wait3A_182 : memref<128x128xf32, #tpu.memory_space<hbm>>) dst(%dma_wait3A_179 : memref<128x128xf32, #tpu.memory_space<vmem>>)
      } else {
      }
      %eq3A_107 = arith.constant 781 : i32
      %eq3A_108 = arith.cmpi eq, %add3A_101, %eq3A_107 : i32
      %convert_element_type3A_109 = arith.extui %eq3A_108 : i1 to i32
      %cond3A_110 = arith.constant 0 : i32
      %cond3A_111 = arith.cmpi ne, %convert_element_type3A_109, %cond3A_110 : i32
      scf.if %cond3A_111 {
        %dma_wait3A = arith.constant 128 : i32
        %dma_wait3A_172 = arith.constant 0 : i32
        %dma_wait3A_173 = tpu.memref_slice %arg6[%dma_wait3A, %dma_wait3A_172] : memref<384x128xf32, #tpu.memory_space<vmem>> -> memref<32x128xf32, #tpu.memory_space<vmem>>
        %dma_wait3A_174 = arith.constant 0 : i32
        %dma_wait3A_175 = arith.constant 0 : i32
        %dma_wait3A_176 = tpu.memref_slice %arg3[%dma_wait3A_174, %dma_wait3A_175] : memref<100000x128xf32, #tpu.memory_space<hbm>> -> memref<32x128xf32, #tpu.memory_space<hbm>>
        %dma_wait3A_177 = arith.constant 128 : i32
        %dma_wait3A_178 = arith.constant 0 : i32
        %dma_wait3A_179 = tpu.memref_slice %arg6[%dma_wait3A_177, %dma_wait3A_178] : memref<384x128xf32, #tpu.memory_space<vmem>> -> memref<32x128xf32, #tpu.memory_space<vmem>>
        %dma_wait3A_180 = arith.constant 0 : i32
        %dma_wait3A_181 = arith.constant 0 : i32
        %dma_wait3A_182 = tpu.memref_slice %arg3[%dma_wait3A_180, %dma_wait3A_181] : memref<100000x128xf32, #tpu.memory_space<hbm>> -> memref<32x128xf32, #tpu.memory_space<hbm>>
        tpu.wait_dma2 semaphore(%arg8 : memref<!tpu.dma_semaphore, #tpu.memory_space<semaphore_mem>>) src(%dma_wait3A_182 : memref<32x128xf32, #tpu.memory_space<hbm>>) dst(%dma_wait3A_179 : memref<32x128xf32, #tpu.memory_space<vmem>>)
      } else {
      }
      %add3A_112 = arith.constant 16 : i32
      %add3A_113 = arith.addi %add3A_8, %add3A_112 : i32
      %le3A_114 = arith.constant 780 : i32
      %le3A_115 = arith.cmpi sle, %add3A_113, %le3A_114 : i32
      %convert_element_type3A_116 = arith.extui %le3A_115 : i1 to i32
      %cond3A_117 = arith.constant 0 : i32
      %cond3A_118 = arith.cmpi ne, %convert_element_type3A_116, %cond3A_117 : i32
      scf.if %cond3A_118 {
        %mul3A_172 = arith.constant 128 : i32
        %mul3A_173 = arith.muli %add3A_113, %mul3A_172 : i32
        "tpu.region"() ({
          %run_scoped3A = tpu.sem_alloc : memref<!tpu.dma_semaphore, #tpu.memory_space<semaphore_mem>>
          %dma_start3A = arith.constant 128 : i32
          %dma_start3A_174 = arith.constant 0 : i32
          %dma_start3A_175 = tpu.memref_slice %arg6[%dma_start3A, %dma_start3A_174] : memref<384x128xf32, #tpu.memory_space<vmem>> -> memref<128x128xf32, #tpu.memory_space<vmem>>
          %dma_start3A_176 = arith.constant 0 : i32
          %dma_start3A_177 = tpu.memref_slice %arg4[%mul3A_173, %dma_start3A_176] : memref<100000x128xf32, #tpu.memory_space<hbm>> -> memref<128x128xf32, #tpu.memory_space<hbm>>
          %dma_start3A_178 = arith.constant 0 : i32
          %dma_start3A_179 = tpu.memref_slice %arg4[%mul3A_173, %dma_start3A_178] : memref<100000x128xf32, #tpu.memory_space<hbm>> -> memref<128x128xf32, #tpu.memory_space<hbm>>
          %dma_start3A_180 = arith.constant 128 : i32
          %dma_start3A_181 = arith.constant 0 : i32
          %dma_start3A_182 = tpu.memref_slice %arg6[%dma_start3A_180, %dma_start3A_181] : memref<384x128xf32, #tpu.memory_space<vmem>> -> memref<128x128xf32, #tpu.memory_space<vmem>>
          tpu.enqueue_dma source(%dma_start3A_182 : memref<128x128xf32, #tpu.memory_space<vmem>>) target(%dma_start3A_179 : memref<128x128xf32, #tpu.memory_space<hbm>>) target_semaphore(%run_scoped3A : memref<!tpu.dma_semaphore, #tpu.memory_space<semaphore_mem>>)
          %dma_wait3A = arith.constant 128 : i32
          %dma_wait3A_183 = arith.constant 0 : i32
          %dma_wait3A_184 = tpu.memref_slice %arg6[%dma_wait3A, %dma_wait3A_183] : memref<384x128xf32, #tpu.memory_space<vmem>> -> memref<128x128xf32, #tpu.memory_space<vmem>>
          %dma_wait3A_185 = arith.constant 0 : i32
          %dma_wait3A_186 = tpu.memref_slice %arg4[%mul3A_173, %dma_wait3A_185] : memref<100000x128xf32, #tpu.memory_space<hbm>> -> memref<128x128xf32, #tpu.memory_space<hbm>>
          %dma_wait3A_187 = arith.constant 0 : i32
          %dma_wait3A_188 = tpu.memref_slice %arg4[%mul3A_173, %dma_wait3A_187] : memref<100000x128xf32, #tpu.memory_space<hbm>> -> memref<128x128xf32, #tpu.memory_space<hbm>>
          %dma_wait3A_189 = arith.constant 128 : i32
          %dma_wait3A_190 = arith.constant 0 : i32
          %dma_wait3A_191 = tpu.memref_slice %arg6[%dma_wait3A_189, %dma_wait3A_190] : memref<384x128xf32, #tpu.memory_space<vmem>> -> memref<128x128xf32, #tpu.memory_space<vmem>>
          tpu.wait_dma2 semaphore(%run_scoped3A : memref<!tpu.dma_semaphore, #tpu.memory_space<semaphore_mem>>) src(%dma_wait3A_191 : memref<128x128xf32, #tpu.memory_space<vmem>>) dst(%dma_wait3A_188 : memref<128x128xf32, #tpu.memory_space<hbm>>)
          tpu.yield
        }) : () -> ()
      } else {
      }
      %eq3A_119 = arith.constant 781 : i32
      %eq3A_120 = arith.cmpi eq, %add3A_113, %eq3A_119 : i32
      %convert_element_type3A_121 = arith.extui %eq3A_120 : i1 to i32
      %cond3A_122 = arith.constant 0 : i32
      %cond3A_123 = arith.cmpi ne, %convert_element_type3A_121, %cond3A_122 : i32
      scf.if %cond3A_123 {
        %mul3A_172 = arith.constant 128 : i32
        %mul3A_173 = arith.muli %add3A_113, %mul3A_172 : i32
        "tpu.region"() ({
          %run_scoped3A = tpu.sem_alloc : memref<!tpu.dma_semaphore, #tpu.memory_space<semaphore_mem>>
          %dma_start3A = arith.constant 128 : i32
          %dma_start3A_174 = arith.constant 0 : i32
          %dma_start3A_175 = tpu.memref_slice %arg6[%dma_start3A, %dma_start3A_174] : memref<384x128xf32, #tpu.memory_space<vmem>> -> memref<32x128xf32, #tpu.memory_space<vmem>>
          %dma_start3A_176 = arith.constant 0 : i32
          %dma_start3A_177 = tpu.memref_slice %arg4[%mul3A_173, %dma_start3A_176] : memref<100000x128xf32, #tpu.memory_space<hbm>> -> memref<32x128xf32, #tpu.memory_space<hbm>>
          %dma_start3A_178 = arith.constant 0 : i32
          %dma_start3A_179 = tpu.memref_slice %arg4[%mul3A_173, %dma_start3A_178] : memref<100000x128xf32, #tpu.memory_space<hbm>> -> memref<32x128xf32, #tpu.memory_space<hbm>>
          %dma_start3A_180 = arith.constant 128 : i32
          %dma_start3A_181 = arith.constant 0 : i32
          %dma_start3A_182 = tpu.memref_slice %arg6[%dma_start3A_180, %dma_start3A_181] : memref<384x128xf32, #tpu.memory_space<vmem>> -> memref<32x128xf32, #tpu.memory_space<vmem>>
          tpu.enqueue_dma source(%dma_start3A_182 : memref<32x128xf32, #tpu.memory_space<vmem>>) target(%dma_start3A_179 : memref<32x128xf32, #tpu.memory_space<hbm>>) target_semaphore(%run_scoped3A : memref<!tpu.dma_semaphore, #tpu.memory_space<semaphore_mem>>)
          %dma_wait3A = arith.constant 128 : i32
          %dma_wait3A_183 = arith.constant 0 : i32
          %dma_wait3A_184 = tpu.memref_slice %arg6[%dma_wait3A, %dma_wait3A_183] : memref<384x128xf32, #tpu.memory_space<vmem>> -> memref<32x128xf32, #tpu.memory_space<vmem>>
          %dma_wait3A_185 = arith.constant 0 : i32
          %dma_wait3A_186 = tpu.memref_slice %arg4[%mul3A_173, %dma_wait3A_185] : memref<100000x128xf32, #tpu.memory_space<hbm>> -> memref<32x128xf32, #tpu.memory_space<hbm>>
          %dma_wait3A_187 = arith.constant 0 : i32
          %dma_wait3A_188 = tpu.memref_slice %arg4[%mul3A_173, %dma_wait3A_187] : memref<100000x128xf32, #tpu.memory_space<hbm>> -> memref<32x128xf32, #tpu.memory_space<hbm>>
          %dma_wait3A_189 = arith.constant 128 : i32
          %dma_wait3A_190 = arith.constant 0 : i32
          %dma_wait3A_191 = tpu.memref_slice %arg6[%dma_wait3A_189, %dma_wait3A_190] : memref<384x128xf32, #tpu.memory_space<vmem>> -> memref<32x128xf32, #tpu.memory_space<vmem>>
          tpu.wait_dma2 semaphore(%run_scoped3A : memref<!tpu.dma_semaphore, #tpu.memory_space<semaphore_mem>>) src(%dma_wait3A_191 : memref<32x128xf32, #tpu.memory_space<vmem>>) dst(%dma_wait3A_188 : memref<32x128xf32, #tpu.memory_space<hbm>>)
          tpu.yield
        }) : () -> ()
      } else {
      }
      %add3A_124 = arith.constant 17 : i32
      %add3A_125 = arith.addi %add3A_8, %add3A_124 : i32
      %le3A_126 = arith.constant 780 : i32
      %le3A_127 = arith.cmpi sle, %add3A_125, %le3A_126 : i32
      %convert_element_type3A_128 = arith.extui %le3A_127 : i1 to i32
      %cond3A_129 = arith.constant 0 : i32
      %cond3A_130 = arith.cmpi ne, %convert_element_type3A_128, %cond3A_129 : i32
      scf.if %cond3A_130 {
        %dma_wait3A = arith.constant 256 : i32
        %dma_wait3A_172 = arith.constant 0 : i32
        %dma_wait3A_173 = tpu.memref_slice %arg6[%dma_wait3A, %dma_wait3A_172] : memref<384x128xf32, #tpu.memory_space<vmem>> -> memref<128x128xf32, #tpu.memory_space<vmem>>
        %dma_wait3A_174 = arith.constant 0 : i32
        %dma_wait3A_175 = arith.constant 0 : i32
        %dma_wait3A_176 = tpu.memref_slice %arg3[%dma_wait3A_174, %dma_wait3A_175] : memref<100000x128xf32, #tpu.memory_space<hbm>> -> memref<128x128xf32, #tpu.memory_space<hbm>>
        %dma_wait3A_177 = arith.constant 256 : i32
        %dma_wait3A_178 = arith.constant 0 : i32
        %dma_wait3A_179 = tpu.memref_slice %arg6[%dma_wait3A_177, %dma_wait3A_178] : memref<384x128xf32, #tpu.memory_space<vmem>> -> memref<128x128xf32, #tpu.memory_space<vmem>>
        %dma_wait3A_180 = arith.constant 0 : i32
        %dma_wait3A_181 = arith.constant 0 : i32
        %dma_wait3A_182 = tpu.memref_slice %arg3[%dma_wait3A_180, %dma_wait3A_181] : memref<100000x128xf32, #tpu.memory_space<hbm>> -> memref<128x128xf32, #tpu.memory_space<hbm>>
        tpu.wait_dma2 semaphore(%arg9 : memref<!tpu.dma_semaphore, #tpu.memory_space<semaphore_mem>>) src(%dma_wait3A_182 : memref<128x128xf32, #tpu.memory_space<hbm>>) dst(%dma_wait3A_179 : memref<128x128xf32, #tpu.memory_space<vmem>>)
      } else {
      }
      %eq3A_131 = arith.constant 781 : i32
      %eq3A_132 = arith.cmpi eq, %add3A_125, %eq3A_131 : i32
      %convert_element_type3A_133 = arith.extui %eq3A_132 : i1 to i32
      %cond3A_134 = arith.constant 0 : i32
      %cond3A_135 = arith.cmpi ne, %convert_element_type3A_133, %cond3A_134 : i32
      scf.if %cond3A_135 {
        %dma_wait3A = arith.constant 256 : i32
        %dma_wait3A_172 = arith.constant 0 : i32
        %dma_wait3A_173 = tpu.memref_slice %arg6[%dma_wait3A, %dma_wait3A_172] : memref<384x128xf32, #tpu.memory_space<vmem>> -> memref<32x128xf32, #tpu.memory_space<vmem>>
        %dma_wait3A_174 = arith.constant 0 : i32
        %dma_wait3A_175 = arith.constant 0 : i32
        %dma_wait3A_176 = tpu.memref_slice %arg3[%dma_wait3A_174, %dma_wait3A_175] : memref<100000x128xf32, #tpu.memory_space<hbm>> -> memref<32x128xf32, #tpu.memory_space<hbm>>
        %dma_wait3A_177 = arith.constant 256 : i32
        %dma_wait3A_178 = arith.constant 0 : i32
        %dma_wait3A_179 = tpu.memref_slice %arg6[%dma_wait3A_177, %dma_wait3A_178] : memref<384x128xf32, #tpu.memory_space<vmem>> -> memref<32x128xf32, #tpu.memory_space<vmem>>
        %dma_wait3A_180 = arith.constant 0 : i32
        %dma_wait3A_181 = arith.constant 0 : i32
        %dma_wait3A_182 = tpu.memref_slice %arg3[%dma_wait3A_180, %dma_wait3A_181] : memref<100000x128xf32, #tpu.memory_space<hbm>> -> memref<32x128xf32, #tpu.memory_space<hbm>>
        tpu.wait_dma2 semaphore(%arg9 : memref<!tpu.dma_semaphore, #tpu.memory_space<semaphore_mem>>) src(%dma_wait3A_182 : memref<32x128xf32, #tpu.memory_space<hbm>>) dst(%dma_wait3A_179 : memref<32x128xf32, #tpu.memory_space<vmem>>)
      } else {
      }
      %add3A_136 = arith.constant 17 : i32
      %add3A_137 = arith.addi %add3A_8, %add3A_136 : i32
      %le3A_138 = arith.constant 780 : i32
      %le3A_139 = arith.cmpi sle, %add3A_137, %le3A_138 : i32
      %convert_element_type3A_140 = arith.extui %le3A_139 : i1 to i32
      %cond3A_141 = arith.constant 0 : i32
      %cond3A_142 = arith.cmpi ne, %convert_element_type3A_140, %cond3A_141 : i32
      scf.if %cond3A_142 {
        %mul3A_172 = arith.constant 128 : i32
        %mul3A_173 = arith.muli %add3A_137, %mul3A_172 : i32
        "tpu.region"() ({
          %run_scoped3A = tpu.sem_alloc : memref<!tpu.dma_semaphore, #tpu.memory_space<semaphore_mem>>
          %dma_start3A = arith.constant 256 : i32
          %dma_start3A_174 = arith.constant 0 : i32
          %dma_start3A_175 = tpu.memref_slice %arg6[%dma_start3A, %dma_start3A_174] : memref<384x128xf32, #tpu.memory_space<vmem>> -> memref<128x128xf32, #tpu.memory_space<vmem>>
          %dma_start3A_176 = arith.constant 0 : i32
          %dma_start3A_177 = tpu.memref_slice %arg4[%mul3A_173, %dma_start3A_176] : memref<100000x128xf32, #tpu.memory_space<hbm>> -> memref<128x128xf32, #tpu.memory_space<hbm>>
          %dma_start3A_178 = arith.constant 0 : i32
          %dma_start3A_179 = tpu.memref_slice %arg4[%mul3A_173, %dma_start3A_178] : memref<100000x128xf32, #tpu.memory_space<hbm>> -> memref<128x128xf32, #tpu.memory_space<hbm>>
          %dma_start3A_180 = arith.constant 256 : i32
          %dma_start3A_181 = arith.constant 0 : i32
          %dma_start3A_182 = tpu.memref_slice %arg6[%dma_start3A_180, %dma_start3A_181] : memref<384x128xf32, #tpu.memory_space<vmem>> -> memref<128x128xf32, #tpu.memory_space<vmem>>
          tpu.enqueue_dma source(%dma_start3A_182 : memref<128x128xf32, #tpu.memory_space<vmem>>) target(%dma_start3A_179 : memref<128x128xf32, #tpu.memory_space<hbm>>) target_semaphore(%run_scoped3A : memref<!tpu.dma_semaphore, #tpu.memory_space<semaphore_mem>>)
          %dma_wait3A = arith.constant 256 : i32
          %dma_wait3A_183 = arith.constant 0 : i32
          %dma_wait3A_184 = tpu.memref_slice %arg6[%dma_wait3A, %dma_wait3A_183] : memref<384x128xf32, #tpu.memory_space<vmem>> -> memref<128x128xf32, #tpu.memory_space<vmem>>
          %dma_wait3A_185 = arith.constant 0 : i32
          %dma_wait3A_186 = tpu.memref_slice %arg4[%mul3A_173, %dma_wait3A_185] : memref<100000x128xf32, #tpu.memory_space<hbm>> -> memref<128x128xf32, #tpu.memory_space<hbm>>
          %dma_wait3A_187 = arith.constant 0 : i32
          %dma_wait3A_188 = tpu.memref_slice %arg4[%mul3A_173, %dma_wait3A_187] : memref<100000x128xf32, #tpu.memory_space<hbm>> -> memref<128x128xf32, #tpu.memory_space<hbm>>
          %dma_wait3A_189 = arith.constant 256 : i32
          %dma_wait3A_190 = arith.constant 0 : i32
          %dma_wait3A_191 = tpu.memref_slice %arg6[%dma_wait3A_189, %dma_wait3A_190] : memref<384x128xf32, #tpu.memory_space<vmem>> -> memref<128x128xf32, #tpu.memory_space<vmem>>
          tpu.wait_dma2 semaphore(%run_scoped3A : memref<!tpu.dma_semaphore, #tpu.memory_space<semaphore_mem>>) src(%dma_wait3A_191 : memref<128x128xf32, #tpu.memory_space<vmem>>) dst(%dma_wait3A_188 : memref<128x128xf32, #tpu.memory_space<hbm>>)
          tpu.yield
        }) : () -> ()
      } else {
      }
      %eq3A_143 = arith.constant 781 : i32
      %eq3A_144 = arith.cmpi eq, %add3A_137, %eq3A_143 : i32
      %convert_element_type3A_145 = arith.extui %eq3A_144 : i1 to i32
      %cond3A_146 = arith.constant 0 : i32
      %cond3A_147 = arith.cmpi ne, %convert_element_type3A_145, %cond3A_146 : i32
      scf.if %cond3A_147 {
        %mul3A_172 = arith.constant 128 : i32
        %mul3A_173 = arith.muli %add3A_137, %mul3A_172 : i32
        "tpu.region"() ({
          %run_scoped3A = tpu.sem_alloc : memref<!tpu.dma_semaphore, #tpu.memory_space<semaphore_mem>>
          %dma_start3A = arith.constant 256 : i32
          %dma_start3A_174 = arith.constant 0 : i32
          %dma_start3A_175 = tpu.memref_slice %arg6[%dma_start3A, %dma_start3A_174] : memref<384x128xf32, #tpu.memory_space<vmem>> -> memref<32x128xf32, #tpu.memory_space<vmem>>
          %dma_start3A_176 = arith.constant 0 : i32
          %dma_start3A_177 = tpu.memref_slice %arg4[%mul3A_173, %dma_start3A_176] : memref<100000x128xf32, #tpu.memory_space<hbm>> -> memref<32x128xf32, #tpu.memory_space<hbm>>
          %dma_start3A_178 = arith.constant 0 : i32
          %dma_start3A_179 = tpu.memref_slice %arg4[%mul3A_173, %dma_start3A_178] : memref<100000x128xf32, #tpu.memory_space<hbm>> -> memref<32x128xf32, #tpu.memory_space<hbm>>
          %dma_start3A_180 = arith.constant 256 : i32
          %dma_start3A_181 = arith.constant 0 : i32
          %dma_start3A_182 = tpu.memref_slice %arg6[%dma_start3A_180, %dma_start3A_181] : memref<384x128xf32, #tpu.memory_space<vmem>> -> memref<32x128xf32, #tpu.memory_space<vmem>>
          tpu.enqueue_dma source(%dma_start3A_182 : memref<32x128xf32, #tpu.memory_space<vmem>>) target(%dma_start3A_179 : memref<32x128xf32, #tpu.memory_space<hbm>>) target_semaphore(%run_scoped3A : memref<!tpu.dma_semaphore, #tpu.memory_space<semaphore_mem>>)
          %dma_wait3A = arith.constant 256 : i32
          %dma_wait3A_183 = arith.constant 0 : i32
          %dma_wait3A_184 = tpu.memref_slice %arg6[%dma_wait3A, %dma_wait3A_183] : memref<384x128xf32, #tpu.memory_space<vmem>> -> memref<32x128xf32, #tpu.memory_space<vmem>>
          %dma_wait3A_185 = arith.constant 0 : i32
          %dma_wait3A_186 = tpu.memref_slice %arg4[%mul3A_173, %dma_wait3A_185] : memref<100000x128xf32, #tpu.memory_space<hbm>> -> memref<32x128xf32, #tpu.memory_space<hbm>>
          %dma_wait3A_187 = arith.constant 0 : i32
          %dma_wait3A_188 = tpu.memref_slice %arg4[%mul3A_173, %dma_wait3A_187] : memref<100000x128xf32, #tpu.memory_space<hbm>> -> memref<32x128xf32, #tpu.memory_space<hbm>>
          %dma_wait3A_189 = arith.constant 256 : i32
          %dma_wait3A_190 = arith.constant 0 : i32
          %dma_wait3A_191 = tpu.memref_slice %arg6[%dma_wait3A_189, %dma_wait3A_190] : memref<384x128xf32, #tpu.memory_space<vmem>> -> memref<32x128xf32, #tpu.memory_space<vmem>>
          tpu.wait_dma2 semaphore(%run_scoped3A : memref<!tpu.dma_semaphore, #tpu.memory_space<semaphore_mem>>) src(%dma_wait3A_191 : memref<32x128xf32, #tpu.memory_space<vmem>>) dst(%dma_wait3A_188 : memref<32x128xf32, #tpu.memory_space<hbm>>)
          tpu.yield
        }) : () -> ()
      } else {
      }
      %add3A_148 = arith.constant 18 : i32
      %add3A_149 = arith.addi %add3A_8, %add3A_148 : i32
      %le3A_150 = arith.constant 780 : i32
      %le3A_151 = arith.cmpi sle, %add3A_149, %le3A_150 : i32
      %convert_element_type3A_152 = arith.extui %le3A_151 : i1 to i32
      %cond3A_153 = arith.constant 0 : i32
      %cond3A_154 = arith.cmpi ne, %convert_element_type3A_152, %cond3A_153 : i32
      scf.if %cond3A_154 {
        %dma_wait3A = arith.constant 0 : i32
        %dma_wait3A_172 = arith.constant 0 : i32
        %dma_wait3A_173 = tpu.memref_slice %arg6[%dma_wait3A, %dma_wait3A_172] : memref<384x128xf32, #tpu.memory_space<vmem>> -> memref<128x128xf32, #tpu.memory_space<vmem>>
        %dma_wait3A_174 = arith.constant 0 : i32
        %dma_wait3A_175 = arith.constant 0 : i32
        %dma_wait3A_176 = tpu.memref_slice %arg3[%dma_wait3A_174, %dma_wait3A_175] : memref<100000x128xf32, #tpu.memory_space<hbm>> -> memref<128x128xf32, #tpu.memory_space<hbm>>
        %dma_wait3A_177 = arith.constant 0 : i32
        %dma_wait3A_178 = arith.constant 0 : i32
        %dma_wait3A_179 = tpu.memref_slice %arg6[%dma_wait3A_177, %dma_wait3A_178] : memref<384x128xf32, #tpu.memory_space<vmem>> -> memref<128x128xf32, #tpu.memory_space<vmem>>
        %dma_wait3A_180 = arith.constant 0 : i32
        %dma_wait3A_181 = arith.constant 0 : i32
        %dma_wait3A_182 = tpu.memref_slice %arg3[%dma_wait3A_180, %dma_wait3A_181] : memref<100000x128xf32, #tpu.memory_space<hbm>> -> memref<128x128xf32, #tpu.memory_space<hbm>>
        tpu.wait_dma2 semaphore(%arg7 : memref<!tpu.dma_semaphore, #tpu.memory_space<semaphore_mem>>) src(%dma_wait3A_182 : memref<128x128xf32, #tpu.memory_space<hbm>>) dst(%dma_wait3A_179 : memref<128x128xf32, #tpu.memory_space<vmem>>)
      } else {
      }
      %eq3A_155 = arith.constant 781 : i32
      %eq3A_156 = arith.cmpi eq, %add3A_149, %eq3A_155 : i32
      %convert_element_type3A_157 = arith.extui %eq3A_156 : i1 to i32
      %cond3A_158 = arith.constant 0 : i32
      %cond3A_159 = arith.cmpi ne, %convert_element_type3A_157, %cond3A_158 : i32
      scf.if %cond3A_159 {
        %dma_wait3A = arith.constant 0 : i32
        %dma_wait3A_172 = arith.constant 0 : i32
        %dma_wait3A_173 = tpu.memref_slice %arg6[%dma_wait3A, %dma_wait3A_172] : memref<384x128xf32, #tpu.memory_space<vmem>> -> memref<32x128xf32, #tpu.memory_space<vmem>>
        %dma_wait3A_174 = arith.constant 0 : i32
        %dma_wait3A_175 = arith.constant 0 : i32
        %dma_wait3A_176 = tpu.memref_slice %arg3[%dma_wait3A_174, %dma_wait3A_175] : memref<100000x128xf32, #tpu.memory_space<hbm>> -> memref<32x128xf32, #tpu.memory_space<hbm>>
        %dma_wait3A_177 = arith.constant 0 : i32
        %dma_wait3A_178 = arith.constant 0 : i32
        %dma_wait3A_179 = tpu.memref_slice %arg6[%dma_wait3A_177, %dma_wait3A_178] : memref<384x128xf32, #tpu.memory_space<vmem>> -> memref<32x128xf32, #tpu.memory_space<vmem>>
        %dma_wait3A_180 = arith.constant 0 : i32
        %dma_wait3A_181 = arith.constant 0 : i32
        %dma_wait3A_182 = tpu.memref_slice %arg3[%dma_wait3A_180, %dma_wait3A_181] : memref<100000x128xf32, #tpu.memory_space<hbm>> -> memref<32x128xf32, #tpu.memory_space<hbm>>
        tpu.wait_dma2 semaphore(%arg7 : memref<!tpu.dma_semaphore, #tpu.memory_space<semaphore_mem>>) src(%dma_wait3A_182 : memref<32x128xf32, #tpu.memory_space<hbm>>) dst(%dma_wait3A_179 : memref<32x128xf32, #tpu.memory_space<vmem>>)
      } else {
      }
      %add3A_160 = arith.constant 18 : i32
      %add3A_161 = arith.addi %add3A_8, %add3A_160 : i32
      %le3A_162 = arith.constant 780 : i32
      %le3A_163 = arith.cmpi sle, %add3A_161, %le3A_162 : i32
      %convert_element_type3A_164 = arith.extui %le3A_163 : i1 to i32
      %cond3A_165 = arith.constant 0 : i32
      %cond3A_166 = arith.cmpi ne, %convert_element_type3A_164, %cond3A_165 : i32
      scf.if %cond3A_166 {
        %mul3A_172 = arith.constant 128 : i32
        %mul3A_173 = arith.muli %add3A_161, %mul3A_172 : i32
        "tpu.region"() ({
          %run_scoped3A = tpu.sem_alloc : memref<!tpu.dma_semaphore, #tpu.memory_space<semaphore_mem>>
          %dma_start3A = arith.constant 0 : i32
          %dma_start3A_174 = arith.constant 0 : i32
          %dma_start3A_175 = tpu.memref_slice %arg6[%dma_start3A, %dma_start3A_174] : memref<384x128xf32, #tpu.memory_space<vmem>> -> memref<128x128xf32, #tpu.memory_space<vmem>>
          %dma_start3A_176 = arith.constant 0 : i32
          %dma_start3A_177 = tpu.memref_slice %arg4[%mul3A_173, %dma_start3A_176] : memref<100000x128xf32, #tpu.memory_space<hbm>> -> memref<128x128xf32, #tpu.memory_space<hbm>>
          %dma_start3A_178 = arith.constant 0 : i32
          %dma_start3A_179 = tpu.memref_slice %arg4[%mul3A_173, %dma_start3A_178] : memref<100000x128xf32, #tpu.memory_space<hbm>> -> memref<128x128xf32, #tpu.memory_space<hbm>>
          %dma_start3A_180 = arith.constant 0 : i32
          %dma_start3A_181 = arith.constant 0 : i32
          %dma_start3A_182 = tpu.memref_slice %arg6[%dma_start3A_180, %dma_start3A_181] : memref<384x128xf32, #tpu.memory_space<vmem>> -> memref<128x128xf32, #tpu.memory_space<vmem>>
          tpu.enqueue_dma source(%dma_start3A_182 : memref<128x128xf32, #tpu.memory_space<vmem>>) target(%dma_start3A_179 : memref<128x128xf32, #tpu.memory_space<hbm>>) target_semaphore(%run_scoped3A : memref<!tpu.dma_semaphore, #tpu.memory_space<semaphore_mem>>)
          %dma_wait3A = arith.constant 0 : i32
          %dma_wait3A_183 = arith.constant 0 : i32
          %dma_wait3A_184 = tpu.memref_slice %arg6[%dma_wait3A, %dma_wait3A_183] : memref<384x128xf32, #tpu.memory_space<vmem>> -> memref<128x128xf32, #tpu.memory_space<vmem>>
          %dma_wait3A_185 = arith.constant 0 : i32
          %dma_wait3A_186 = tpu.memref_slice %arg4[%mul3A_173, %dma_wait3A_185] : memref<100000x128xf32, #tpu.memory_space<hbm>> -> memref<128x128xf32, #tpu.memory_space<hbm>>
          %dma_wait3A_187 = arith.constant 0 : i32
          %dma_wait3A_188 = tpu.memref_slice %arg4[%mul3A_173, %dma_wait3A_187] : memref<100000x128xf32, #tpu.memory_space<hbm>> -> memref<128x128xf32, #tpu.memory_space<hbm>>
          %dma_wait3A_189 = arith.constant 0 : i32
          %dma_wait3A_190 = arith.constant 0 : i32
          %dma_wait3A_191 = tpu.memref_slice %arg6[%dma_wait3A_189, %dma_wait3A_190] : memref<384x128xf32, #tpu.memory_space<vmem>> -> memref<128x128xf32, #tpu.memory_space<vmem>>
          tpu.wait_dma2 semaphore(%run_scoped3A : memref<!tpu.dma_semaphore, #tpu.memory_space<semaphore_mem>>) src(%dma_wait3A_191 : memref<128x128xf32, #tpu.memory_space<vmem>>) dst(%dma_wait3A_188 : memref<128x128xf32, #tpu.memory_space<hbm>>)
          tpu.yield
        }) : () -> ()
      } else {
      }
      %eq3A_167 = arith.constant 781 : i32
      %eq3A_168 = arith.cmpi eq, %add3A_161, %eq3A_167 : i32
      %convert_element_type3A_169 = arith.extui %eq3A_168 : i1 to i32
      %cond3A_170 = arith.constant 0 : i32
      %cond3A_171 = arith.cmpi ne, %convert_element_type3A_169, %cond3A_170 : i32
      scf.if %cond3A_171 {
        %mul3A_172 = arith.constant 128 : i32
        %mul3A_173 = arith.muli %add3A_161, %mul3A_172 : i32
        "tpu.region"() ({
          %run_scoped3A = tpu.sem_alloc : memref<!tpu.dma_semaphore, #tpu.memory_space<semaphore_mem>>
          %dma_start3A = arith.constant 0 : i32
          %dma_start3A_174 = arith.constant 0 : i32
          %dma_start3A_175 = tpu.memref_slice %arg6[%dma_start3A, %dma_start3A_174] : memref<384x128xf32, #tpu.memory_space<vmem>> -> memref<32x128xf32, #tpu.memory_space<vmem>>
          %dma_start3A_176 = arith.constant 0 : i32
          %dma_start3A_177 = tpu.memref_slice %arg4[%mul3A_173, %dma_start3A_176] : memref<100000x128xf32, #tpu.memory_space<hbm>> -> memref<32x128xf32, #tpu.memory_space<hbm>>
          %dma_start3A_178 = arith.constant 0 : i32
          %dma_start3A_179 = tpu.memref_slice %arg4[%mul3A_173, %dma_start3A_178] : memref<100000x128xf32, #tpu.memory_space<hbm>> -> memref<32x128xf32, #tpu.memory_space<hbm>>
          %dma_start3A_180 = arith.constant 0 : i32
          %dma_start3A_181 = arith.constant 0 : i32
          %dma_start3A_182 = tpu.memref_slice %arg6[%dma_start3A_180, %dma_start3A_181] : memref<384x128xf32, #tpu.memory_space<vmem>> -> memref<32x128xf32, #tpu.memory_space<vmem>>
          tpu.enqueue_dma source(%dma_start3A_182 : memref<32x128xf32, #tpu.memory_space<vmem>>) target(%dma_start3A_179 : memref<32x128xf32, #tpu.memory_space<hbm>>) target_semaphore(%run_scoped3A : memref<!tpu.dma_semaphore, #tpu.memory_space<semaphore_mem>>)
          %dma_wait3A = arith.constant 0 : i32
          %dma_wait3A_183 = arith.constant 0 : i32
          %dma_wait3A_184 = tpu.memref_slice %arg6[%dma_wait3A, %dma_wait3A_183] : memref<384x128xf32, #tpu.memory_space<vmem>> -> memref<32x128xf32, #tpu.memory_space<vmem>>
          %dma_wait3A_185 = arith.constant 0 : i32
          %dma_wait3A_186 = tpu.memref_slice %arg4[%mul3A_173, %dma_wait3A_185] : memref<100000x128xf32, #tpu.memory_space<hbm>> -> memref<32x128xf32, #tpu.memory_space<hbm>>
          %dma_wait3A_187 = arith.constant 0 : i32
          %dma_wait3A_188 = tpu.memref_slice %arg4[%mul3A_173, %dma_wait3A_187] : memref<100000x128xf32, #tpu.memory_space<hbm>> -> memref<32x128xf32, #tpu.memory_space<hbm>>
          %dma_wait3A_189 = arith.constant 0 : i32
          %dma_wait3A_190 = arith.constant 0 : i32
          %dma_wait3A_191 = tpu.memref_slice %arg6[%dma_wait3A_189, %dma_wait3A_190] : memref<384x128xf32, #tpu.memory_space<vmem>> -> memref<32x128xf32, #tpu.memory_space<vmem>>
          tpu.wait_dma2 semaphore(%run_scoped3A : memref<!tpu.dma_semaphore, #tpu.memory_space<semaphore_mem>>) src(%dma_wait3A_191 : memref<32x128xf32, #tpu.memory_space<vmem>>) dst(%dma_wait3A_188 : memref<32x128xf32, #tpu.memory_space<hbm>>)
          tpu.yield
        }) : () -> ()
      } else {
      }
    } else {
    }
    return
  }
}

</mosaic_0001>

<sc_bundles>
// kernel: kernel.3.cloned.1.call-start
scs
__scs_entry_jumppad:
0x0: {  	(pc) =	sbr.rel $0x88, $3  }
0x1: {  	(tag) =	ssettag $0x0;
	lr =	simm.s32 $0x1  }
0x2: {  	[smem:$0x3F9F] =	sst lr;
	_ =	strace $0xD0000000  }
0x3: {  	_ = 	snop  }
0x4: {  	_ = 	snop  }
0x5: {  	_ = 	snop  }
0x6: {  	_ = 	snop  }
0x7: {  	_ = 	snop  }
__scs_overlays_trampoline_lowered:
0x8: {  	[smem:$0x3FAE] =	sst s0  }
0x9: {  	[smem:$0x3FAF] =	sst s1  }
0xa: {  	[smem:$0x3FB0] =	sst s2  }
0xb: {  	[smem:$0x3FB1] =	sst s3  }
0xc: {  	[smem:$0x3FB2] =	sst s4  }
0xd: {  	[smem:$0x3FB3] =	sst s5  }
0xe: {  	[smem:$0x3FB4] =	sst s6  }
0xf: {  	[smem:$0x3FB5] =	sst s7  }
0x10: {  	[smem:$0x3FB6] =	sst s8  }
0x11: {  	[smem:$0x3FB7] =	sst s9;
	s0 =	simm.s32 @!p0 $0x0  }
0x12: {  	s1 =	sld [smem:$0x3F9D];
	s0 =	simm.s32 @p0 $0x1  }
0x13: {  	[smem:$0x3FB8] =	sst s0;
	s0 =	simm.s32 @!p1 $0x0  }
0x14: {  	s2 =	sld [smem:$0x3F9C];
	s0 =	simm.s32 @p1 $0x1  }
0x15: {  	[smem:$0x3FB9] =	sst s0;
	s0 =	simm.s32 @!p2 $0x0  }
0x16: {  	s3 =	sld [smem:$0x3FDB];
	s0 =	simm.s32 @p2 $0x1  }
0x17: {  	s4 =	simm.s32 $0x1BF5;
	[smem:$0x3FBB] =	sst s0  }
0x18: {  	s0 =	sld [smem:$0x3F9E];
	_ =	swait.ge [sflag:s4], $0x0  }
0x19: {  	s7 =	sld [smem:$0x3F9F]  }
0x1a: {  	s8 =	sadd.s32 $0xFFFFE003, lr  }
0x1b: {  	s9 =	sadd.s32 $0xFFFFFEF7, lr;
	s5 =	simm.s32 $0xFFFFFFFF;
	p2 =	slt.u32 s8, $0xFFFFF086  }
0x1c: {  	p1 =	slt.u32 s9, $0xF7A;
	s5 =	simm.s32 @!p2 $0x0  }
0x1d: {  	s5 =	simm.s32 @p1 $0x1;
	p0 =	seq.s32 s7, s2  }
0x1e: {  	s7 =	smul.u32 @!p0 $0xF7A, s2;
	p2 =	seq.s32 @!p0 s5, $0x0  }
0x1f: {  	s9 =	smul.u32 $0xF7A, s1;
	s8 =	simm.s32 @!p0 $0x1BF5;
	p2 =	por !p2, p0  }
0x20: {  	[sflag:s8] =	ssyncset.s32 @!p0 $0xFFFFF086;
	s6 =	sadd.s32 @!p0 s3, s7;
	s7 =	simm.s32 @!p0 $0x108  }
0x21: {  	s3 =	sadd.s32 s3, s9;
	s6 =	sadd.s32 @!p0 $0x88, s6;
	s7 =	simm.s32 @p2 $0x1082  }
0x22: {  	[simem:s7], [sflag:s8] =	dma.local @!p0 [hbm:s6], $0xF7A  }
0x23: {  	s9 =	sor.u32 $0xD0000000, s2;
	s6 =	simm.s32 $0x108;
	_ =	swait.ge @!p0 [sflag:s8], $0x0  }
0x24: {  	s3 =	sadd.s32 $0x88, s3;
	s6 =	simm.s32 @!p1 $0x1082;
	[sflag:s4] =	ssyncset.s32 $0xFFFFF086  }
0x25: {  	[simem:s6], [sflag:s4] =	dma.local [hbm:s3], $0xF7A  }
0x26: {  	[smem:$0x3F9F] =	sst s1;
	(tag) =	ssettag s2;
	_ =	strace s9  }
0x27: {  	s1 =	sld [smem:$0x3FAF]  }
0x28: {  	s2 =	sld [smem:$0x3FB0]  }
0x29: {  	s4 =	sld [smem:$0x3FB2]  }
0x2a: {  	p0 =	seq.s32 s5, $0x0;
	s5 =	sld [smem:$0x3FB3]  }
0x2b: {  	s6 =	sld [smem:$0x3FB4]  }
0x2c: {  	s7 =	sld [smem:$0x3FB5]  }
0x2d: {  	s3 =	simm.s32 $0x108;
	s8 =	sld [smem:$0x3FB6]  }
0x2e: {  	s3 =	simm.s32 @!p0 $0x1082;
	s9 =	sld [smem:$0x3FB7]  }
0x2f: {  	lr =	sadd.s32 s0, s3;
	s0 =	sld [smem:$0x3FAE]  }
0x30: {  	s3 =	sld [smem:$0x3FB1]  }
0x31: {  	[smem:$0x3FBA] =	sst s10  }
0x32: {  	s10 =	sld [smem:$0x3FB8];
	_ =	sdelay $0x3  }
0x33: {  	p0 =	seq.s32 s10, $0x1;
	s10 =	sld [smem:$0x3FBA];
	_ =	sdelay $0x3  }
0x34: {  	[smem:$0x3FBA] =	sst s10  }
0x35: {  	s10 =	sld [smem:$0x3FB9];
	_ =	sdelay $0x3  }
0x36: {  	p1 =	seq.s32 s10, $0x1;
	s10 =	sld [smem:$0x3FBA];
	_ =	sdelay $0x3  }
0x37: {  	[smem:$0x3FBA] =	sst s10  }
0x38: {  	s10 =	sld [smem:$0x3FBB]  }
0x39: {  	_ = 	snop;
	(pc) =	sbr.ind lr, $3  }
0x3a: {  	_ = 	snop  }
0x3b: {  	_ = 	snop  }
0x3c: {  	p2 =	seq.s32 s10, $0x1;
	s10 =	sld [smem:$0x3FBA]  }
0x3d: {  	_ =	shalt  }
0x3e: {  	_ =	shalt  }
0x3f: {  	_ =	shalt  }
0x40: {  	_ =	shalt  }
0x41: {  	_ =	shalt  }
0x42: {  	_ =	shalt  }
0x43: {  	_ =	shalt  }
0x44: {  	_ =	shalt  }
0x45: {  	_ =	shalt  }
0x46: {  	_ =	shalt  }
0x47: {  	_ =	shalt  }
0x48: {  	_ =	shalt  }
0x49: {  	_ =	shalt  }
0x4a: {  	_ =	shalt  }
0x4b: {  	_ =	shalt  }
0x4c: {  	_ =	shalt  }
0x4d: {  	_ =	shalt  }
0x4e: {  	_ =	shalt  }
0x4f: {  	_ =	shalt  }
0x50: {  	_ =	shalt  }
0x51: {  	_ =	shalt  }
0x52: {  	_ =	shalt  }
0x53: {  	_ =	shalt  }
0x54: {  	_ =	shalt  }
0x55: {  	_ =	shalt  }
0x56: {  	_ =	shalt  }
0x57: {  	_ =	shalt  }
0x58: {  	_ =	shalt  }
0x59: {  	_ =	shalt  }
0x5a: {  	_ =	shalt  }
0x5b: {  	_ =	shalt  }
0x5c: {  	_ =	shalt  }
0x5d: {  	_ =	shalt  }
0x5e: {  	_ =	shalt  }
0x5f: {  	_ =	shalt  }
0x60: {  	_ =	shalt  }
0x61: {  	_ =	shalt  }
0x62: {  	_ =	shalt  }
0x63: {  	_ =	shalt  }
0x64: {  	_ =	shalt  }
0x65: {  	_ =	shalt  }
0x66: {  	_ =	shalt  }
0x67: {  	_ =	shalt  }
0x68: {  	_ =	shalt  }
0x69: {  	_ =	shalt  }
0x6a: {  	_ =	shalt  }
0x6b: {  	_ =	shalt  }
0x6c: {  	_ =	shalt  }
0x6d: {  	_ =	shalt  }
0x6e: {  	_ =	shalt  }
0x6f: {  	_ =	shalt  }
0x70: {  	_ =	shalt  }
0x71: {  	_ =	shalt  }
0x72: {  	_ =	shalt  }
0x73: {  	_ =	shalt  }
0x74: {  	_ =	shalt  }
0x75: {  	_ =	shalt  }
0x76: {  	_ =	shalt  }
0x77: {  	_ =	shalt  }
0x78: {  	_ =	shalt  }
0x79: {  	_ =	shalt  }
0x7a: {  	_ =	shalt  }
0x7b: {  	_ =	shalt  }
0x7c: {  	_ =	shalt  }
0x7d: {  	_ =	shalt  }
0x7e: {  	_ =	shalt  }
0x7f: {  	_ =	shalt  }
0x80: {  	_ =	shalt  }
0x81: {  	_ =	shalt  }
0x82: {  	_ =	shalt  }
0x83: {  	_ =	shalt  }
0x84: {  	_ =	shalt  }
0x85: {  	_ =	shalt  }
0x86: {  	_ =	shalt  }
0x87: {  	_ =	shalt  }
.Lfunc_end0:
.L_simem_size_0:
called_computation_lowered:
.L_overlay_start_0:
0x88: {  	s2 =	sld [smem:$0x3FD9]  }
0x89: {  	s3 =	sld [smem:$0x3FFE];
	_ =	sdelay $0x1  }
0x8a: {  	s1 =	srdreg.scid  }
0x8b: {  	s0 =	sand.u32 $0x1, s1  }
0x8c: {  	s18 =	sshll.u32 s0, $0xA;
	s2 =	sadd.s32 s3, s2  }
0x8d: {  	s2 =	sadd.s32 s2, s18  }
0x8e: {  	[smem:$0x3FC6] =	sst s2  }
0x8f: {  	_ = 	snop  }
0x90: {  	s2 =	sld [smem:$0x3FC9]  }
0x91: {  	s19 =	sld [smem:$0x3FC8]  }
0x92: {  	s4 =	sld [smem:$0x3FD0];
	(tm) =	ssettm $0x1  }
0x93: {  	s5 =	sld [smem:$0x3FFB];
	_ =	sdelay $0x3  }
0x94: {  	_ =	strace s5  }
0x95: {  	s5 =	sld [smem:$0x3FFC];
	_ =	sdelay $0x3  }
0x96: {  	_ =	strace s5  }
0x97: {  	s5 =	sld [smem:$0x3FFD];
	_ =	sdelay $0x3  }
0x98: {  	_ =	strace s5  }
0x99: {  	_ =	strace $0x8FFFFFFF  }
0x9a: {  	s20 =	sld [smem:$0x3FDB];
	_ =	sdelay $0x1  }
0x9b: {  	s6 =	simm.s32 $_scs_section_size  }
0x9c: {  	s7 =	simm.s32 $_size__tile_overlayer_lowered;
	s8 =	simm.s32 $_tile_overlayer_lowered  }
0x9d: {  	s23 =	simm.s32 $0x1BFF;
	s22 =	sshll.u32 s8, $0x1;
	s5 =	sadd.s32 s6, s20  }
0x9e: {  	s9 =	simm.s32 $0x0;
	s21 =	sshll.u32 s7, $0x1;
	s7 =	sadd.s32 s22, s5  }
0x9f: {  	[timem:s9], [sflag:s23] =	dma.local [hbm:s7], s21  }
0xa0: {  	_ =	swait.ge [sflag:s23], s21  }
0xa1: {  	s6 =	ssub.s32 $0x0, s21;
	[sflag:s23] =	ssyncset.done $0x0  }
0xa2: {  	[sflag:s23] =	ssyncadd.s32 s6;
	_ =	sdelay $0x1  }
0xa3: {  	s24 =	simm.s32 $0x1B8B  }
0xa4: {  	_ =	swait.ge [sflag:s24], $0x1  }
0xa5: {  	[sflag:s24] =	ssyncset.done $0x0  }
0xa6: {  	s25 =	simm.s32 $0x1B8E;
	[sflag:s24] =	ssyncadd.s32 $0xFFFFFFFF  }
0xa7: {  	s26 =	simm.s32 $execute0_lowered;
	[smem:$0x3FD2] =	sst s25  }
0xa8: {  	s6 =	sshll.u32 s26, $0x1;
	_ =	strace $0x80000046;
	[dreg:$0x1] =	wrdreg $0xFFFFFFFF  }
0xa9: {  	s28 =	simm.s32 $_size_execute0_lowered;
	s5 =	sadd.s32 s5, s6;
	[dreg:$0x0] =	wrdreg $0x0  }
0xaa: {  	s6 =	sshll.u32 s28, $0x1;
	[dreg:$0x2] =	wrdreg s5  }
0xab: {  	[dreg:$0x3] =	wrdreg s6  }
0xac: {  	[dreg:$0x4] =	wrdreg $0xC0  }
0xad: {  	_ =	task [dreg:s9], $0x5FFFF  }
0xae: {  	[dreg:$0x1] =	wrdreg $0xFFFFFFFF  }
0xaf: {  	[dreg:$0x0] =	wrdreg $0x60  }
0xb0: {  	[dreg:$0x2] =	wrdreg s2  }
0xb1: {  	[dreg:$0x3] =	wrdreg s19  }
0xb2: {  	[dreg:$0x4] =	wrdreg s4  }
0xb3: {  	[dreg:$0x5] =	wrdreg $0x9  }
0xb4: {  	_ =	task.clear_ibuf [dreg:s9], $0x6FFFF;
	_ =	strace $0x90000046  }
0xb5: {  	s29 =	simm.s32 $0x9;
	_ =	strace $0x80000048  }
0xb6: {  	_ =	swait.ge [sflag:s29], $0x1  }
0xb7: {  	[sflag:s29] =	ssyncadd.s32 $0xFFFFFFFF  }
0xb8: {  	_ =	strace $0x90000048  }
0xb9: {  	_ =	sfence  }
0xba: {  	s30 =	sld [smem:$0x0];
	_ =	sdelay $0x2  }
0xbb: {  	s31 =	sshll.u32 s1, $0xD;
	s1 =	sshrl.u32 s1, $0x2  }
0xbc: {  	s3 =	sand.u32 $0x4000, s31;
	s1 =	sadd.s32 s1, s30  }
0xbd: {  	s0 =	sor.u32 s3, s0;
	s1 =	sshll.u32 s1, $0x11  }
0xbe: {  	s0 =	sor.u32 s1, s0  }
0xbf: {  	s0 =	sadd.s32 $0x8F2B, s0  }
0xc0: {  	[sflag:s0] =	ssyncadd.remote.s32 $0x1  }
0xc1: {  	_ =	sfence.sel $0xFFFF  }
0xc2: {  	[dreg:$0x0] =	wrdreg $0xFFFFFFFF;
	(pc) =	sbr.abs _section_cstart, $3  }
0xc3: {  	[dreg:$0x1] =	wrdreg $0xFFFFFFFF  }
0xc4: {  	_ =	task.clear_ibuf [dreg:s9], $0x2FFFF;
	_ =	strace $0x9FFFFFFF  }
0xc5: {  	(tm) =	ssettm $0x7FFFFFFF  }
tec
execute0_lowered:
.L_overlay_start_1:
0x0: {  	(tag) =	ssettag $0x1  }
0x1: {  	s0 =	rddreg [dreg:$0x0]  }
0x2: {  	s2 =	rddreg [dreg:$0x1]  }
0x3: {  	s1 =	rddreg [dreg:$0x2];
	s12 =	stileid.u32  }
0x4: {  	s3 =	srdreg.scid;
	s28 =	simm.s32 $0x1;
	s6 =	smul.u32 $0x1F0, s12  }
0x5: {  	s29 =	simm.s32 $0x2;
	s30 =	simm.s32 $0x3;
	s8 =	smul.u32 $0xF800, s12  }
0x6: {  	s4 =	sand.u32 $0x1, s3;
	s3 =	simm.s32 $0x0;
	s9 =	smul.u32 $0x13, s12  }
0x7: {  	s26 =	smul.u32 $0x9800, s12;
	s5 =	ssub.s32 $0x2, s4;
	[smem:$0x7FF] =	sst s3  }
0x8: {  	p1 =	seq.s32 s4, $0x1;
	s7 =	sshrl.u32 s5, $0x1;
	_ =	strace $0x80000047  }
0x9: {  	s6 =	sadd.s32 s0, s6;
	s8 =	sadd.s32 s8, s1;
	s14 =	sadd.s32 $0x1F0, s9  }
0xa: {  	s19 =	sadd.s32 $0x1FF, s9;
	s21 =	sadd.s32 $0x1F2, s9;
	s22 =	sadd.s32 $0x201, s9  }
0xb: {  	s9 =	sadd.s32 $0x202, s9;
	s15 =	sadd.s32 s26, s1;
	[dreg:$0x5] =	wrdreg s6  }
0xc: {  	s31 =	sadd.s32 $0xFFF71800, s26;
	s7 =	ssub.s32 s5, s7;
	[dreg:$0xc] =	wrdreg s21  }
0xd: {  	s5 =	sadd.s32 $0x186800, s1;
	s13 =	sadd.s32 $0xD800, s8;
	[dreg:$0x4] =	wrdreg s31  }
0xe: {  	s16 =	sadd.s32 $0xE000, s8;
	s17 =	sadd.s32 $0xE800, s8;
	[dreg:$0x6] =	wrdreg s13  }
0xf: {  	s18 =	sshll.u32 s14, $0x4;
	s10 =	sadd.s32 $0xF000, s8;
	[dreg:$0x7] =	wrdreg s16  }
0x10: {  	s20 =	sshll.u32 s19, $0xB;
	s11 =	sshll.u32 s22, $0xB;
	[dreg:$0x8] =	wrdreg s17  }
0x11: {  	s25 =	sshll.u32 s9, $0xB;
	p0 =	sne.s32 s14, $0x30D;
	[dreg:$0x9] =	wrdreg s10  }
0x12: {  	s4 =	sadd.s32 s0, s18;
	s0 =	sadd.s32 $0x30D0, s0;
	s24 =	sadd.s32 s1, s11  }
0x13: {  	[dreg:$0xb] =	wrdreg s0;
	s0 =	sadd.s32 s1, s20;
	s1 =	sadd.s32 s1, s25  }
0x14: {  	s23 =	sadd.s32 $0x100000, s15;
	[dreg:$0x10] =	wrdreg s1;
	s1 =	simm.s32 @!p0 $0x0  }
0x15: {  	[dreg:$0xe] =	wrdreg s23;
	s1 =	simm.s32 @p0 $0x1;
	p0 =	sne.s32 s19, $0x30D  }
0x16: {  	s6 =	sadd.s32 $0x1000, s8;
	[smem:$0x7F8] =	sst s1;
	s1 =	simm.s32 @!p0 $0x0  }
0x17: {  	[dreg:$0x12] =	wrdreg s6;
	s1 =	simm.s32 @p0 $0x1;
	p0 =	sne.s32 s9, $0x30D  }
0x18: {  	p2 =	seq.s32 s12, $0xF;
	[smem:$0x7F9] =	sst s1;
	s1 =	simm.s32 @!p0 $0x0  }
0x19: {  	[dreg:$0xa] =	wrdreg s4;
	s1 =	simm.s32 @p0 $0x1;
	p0 =	sne.s32 s22, $0x30D  }
0x1a: {  	s12 =	simm.s32 $0x0;
	[dreg:$0xd] =	wrdreg s0;
	s0 =	simm.s32 @!p0 $0x0  }
0x1b: {  	[dreg:$0xf] =	wrdreg s24;
	s4 =	smax.u32 s7, $0x1;
	s0 =	simm.s32 @p0 $0x1  }
.Ltmp0:
0x1c: {  	[smem:$0x7FB] =	sst s0;
	s0 =	simm.s32 @!p1 $0x0;
	(pc) =	sbr.rel .LBB2_1-.Ltmp0, $4  }
0x1d: {  	s21 =	simm.s32 $0x4;
	[dreg:$0x11] =	wrdreg s4;
	s0 =	simm.s32 @p1 $0x1  }
0x1e: {  	s10 =	simm.s32 $0x4F80;
	[smem:$0x7FC] =	sst s0;
	s0 =	simm.s32 @!p2 $0x0  }
0x1f: {  	s11 =	simm.s32 $0x8F80;
	[smem:$0x7FA] =	sst s1;
	s0 =	simm.s32 @p2 $0x1  }
0x20: {  	s9 =	simm.s32 $0xF80;
	s22 =	simm.s32 $0x80;
	[smem:$0x7FD] =	sst s0  }
.LBB2_7:
0x21: {  	[sflag:s10] =	ssyncadd.s32 @!p3 $0xFFFFF000  }
0x22: {  	_ =	swait.ge @p6 [sflag:s20], $0x4000  }
0x23: {  	[sflag:s20] =	ssyncset.done @p6 $0x0  }
0x24: {  	[sflag:s20] =	ssyncadd.s32 @p6 $0xFFFFC000  }
0x25: {  	[hbm4b:s9+s11] =	stream.linear.scatter @p6 [tilespmem:s14], [sflag:$0x4], $0x4000, $0x38;
	[tilespmem:$0xCF80] =	vst v63  }
0x26: {  	_ =	swait.ge @p6 [sflag:s17], $0x4000  }
0x27: {  	[sflag:s17] =	ssyncset.done @p6 $0x0  }
0x28: {  	s0 =	sadd.s32 @!p2 $0xFFFFFF80, s1;
	s4 =	simm.s32 @!p2 $0x20;
	[sflag:s17] =	ssyncadd.s32 @p6 $0xFFFFC000  }
0x29: {  	[tilespmem:s18], [sflag:$0x2] =	stream.indirect.gather @!p2 [hbm4b:s2+s4], $0x80, s0, s4, $0xb8;
	[tilespmem:$0xCF80] =	vst v63  }
0x2a: {  	s6 =	simm.s32 @!p1 $0x2;
	s0 =	simm.s32 @!p5 $0x4F80;
	s4 =	simm.s32 @!p5 $0x80  }
0x2b: {  	[tilespmem:s0], [sflag:$0x2] =	stream.indirect.gather @!p5 [hbm4b:s2+s4], $0x80, s19, s4, $0xb8;
	[tilespmem:$0xCF80] =	vst v63  }
0x2c: {  	_ =	swait.ge @!p1 [sflag:s6], $0x1000  }
0x2d: {  	s0 =	simm.s32 @!p1 $0x4F80;
	[sflag:s6] =	ssyncset.done @!p1 $0x0  }
0x2e: {  	s4 =	simm.s32 @!p1 $0x0;
	[sflag:s6] =	ssyncadd.s32 @!p1 $0xFFFFF000;
	s6 =	simm.s32 @!p1 $0x4  }
0x2f: {  	[hbm4b:s5+s4] =	stream.linear.scatter @!p1 [tilespmem:s0], [sflag:$0x4], $0x1000, $0x38;
	[tilespmem:$0xCF80] =	vst v63  }
0x30: {  	s7 =	sadd.s32 @p0 s25, s15;
	_ =	swait.ge @!p1 [sflag:s6], $0x1000  }
0x31: {  	s7 =	sadd.s32 @p0 $0xF9000, s7;
	[sflag:s6] =	ssyncset.done @!p1 $0x0  }
0x32: {  	s9 =	simm.s32 @p0 $0x8F80;
	s4 =	simm.s32 @p0 $0x3;
	[sflag:s6] =	ssyncadd.s32 @!p1 $0xFFFFF000  }
0x33: {  	p2 =	sgt.u32 @p0 s13, $0x309;
	s19 =	rddreg [dreg:$0x4];
	_ =	swait.ge @p0 [sflag:s4], $0x4000  }
0x34: {  	p1 =	por !p2, !p0;
	s0 =	sadd.s32 s25, s19;
	[sflag:s4] =	ssyncset.done @p0 $0x0  }
0x35: {  	s6 =	simm.s32 @p0 $0x0;
	p1 =	sne.s32 @!p1 s0, $0xFFFFD800;
	[sflag:s4] =	ssyncadd.s32 @p0 $0xFFFFC000  }
0x36: {  	[hbm4b:s7+s6] =	stream.linear.scatter @p0 [tilespmem:s9], [sflag:$0x4], $0x4000, $0x38;
	[tilespmem:$0xCF80] =	vst v63  }
0x37: {  	p1 =	por @p0 p1, !p2;
	_ =	swait.ge @p0 [sflag:s8], $0x4000  }
0x38: {  	p1 =	por p1, !p0;
	[sflag:s8] =	ssyncset.done @p0 $0x0  }
0x39: {  	s4 =	simm.s32 @!p1 $0x20;
	s6 =	simm.s32 @!p1 $0x8F80;
	[sflag:s8] =	ssyncadd.s32 @p0 $0xFFFFC000  }
0x3a: {  	[tilespmem:s6], [sflag:$0x3] =	stream.indirect.gather @!p1 [hbm4b:s2+s4], $0x80, s1, s4, $0xb8;
	[tilespmem:$0xCF80] =	vst v63  }
0x3b: {  	p1 =	por p2, !p0;
	p2 =	sne.s32 @!p0 s0, $0xFFFFF000  }
0x3c: {  	p0 =	por p2, p0;
	s0 =	simm.s32 @!p1 $0x8F80;
	s4 =	simm.s32 @!p1 $0x80  }
0x3d: {  	[tilespmem:s0], [sflag:$0x3] =	stream.indirect.gather @!p1 [hbm4b:s2+s4], $0x80, s1, s4, $0xb8;
	[tilespmem:$0xCF80] =	vst v63  }
0x3e: {  	s0 =	simm.s32 @!p0 $0x3  }
0x3f: {  	_ =	swait.ge @!p0 [sflag:s0], $0x1000  }
0x40: {  	s1 =	simm.s32 @!p0 $0x8F80;
	[sflag:s0] =	ssyncset.done @!p0 $0x0  }
0x41: {  	s4 =	simm.s32 @!p0 $0x0;
	[sflag:s0] =	ssyncadd.s32 @!p0 $0xFFFFF000;
	s0 =	simm.s32 @!p0 $0x4  }
0x42: {  	[hbm4b:s5+s4] =	stream.linear.scatter @!p0 [tilespmem:s1], [sflag:$0x4], $0x1000, $0x38;
	[tilespmem:$0xCF80] =	vst v63  }
0x43: {  	_ =	swait.ge @!p0 [sflag:s0], $0x1000  }
0x44: {  	s20 =	sld [smem:$0x7FD];
	_ =	sdelay $0x2  }
0x45: {  	[sflag:s0] =	ssyncset.done @!p0 $0x0;
	p2 =	seq.s32 s20, $0x1  }
0x46: {  	[sflag:s0] =	ssyncadd.s32 @!p0 $0xFFFFF000;
	s0 =	simm.s32 @!p2 $0x1  }
0x47: {  	_ =	swait.ge @!p2 [sflag:s0], $0x4000  }
0x48: {  	s23 =	sld [smem:$0x7F9];
	_ =	sdelay $0x2  }
0x49: {  	[sflag:s0] =	ssyncset.done @!p2 $0x0;
	p0 =	seq.s32 s23, $0x1  }
0x4a: {  	[sflag:s0] =	ssyncadd.s32 @!p2 $0xFFFFC000;
	s1 =	simm.s32 @!p0 $0x1  }
0x4b: {  	_ =	swait.ge @!p0 [sflag:s1], $0x1000  }
0x4c: {  	s4 =	simm.s32 @!p2 $0xF80;
	[sflag:s1] =	ssyncset.done @!p0 $0x0  }
0x4d: {  	s6 =	rddreg [dreg:$0xd];
	[sflag:s1] =	ssyncadd.s32 @!p0 $0xFFFFF000;
	s1 =	simm.s32 @!p2 $0x0  }
0x4e: {  	[hbm4b:s6+s1] =	stream.linear.scatter @!p2 [tilespmem:s4], [sflag:$0x4], $0x4000, $0x38;
	[tilespmem:$0xCF80] =	vst v63  }
0x4f: {  	s6 =	simm.s32 @!p2 $0x4  }
0x50: {  	_ =	swait.ge @!p2 [sflag:s6], $0x4000  }
0x51: {  	[sflag:s6] =	ssyncset.done @!p2 $0x0  }
0x52: {  	s7 =	simm.s32 @!p0 $0x0;
	s8 =	simm.s32 @!p0 $0xF80;
	[sflag:s6] =	ssyncadd.s32 @!p2 $0xFFFFC000  }
0x53: {  	[hbm4b:s5+s7] =	stream.linear.scatter @!p0 [tilespmem:s8], [sflag:$0x4], $0x1000, $0x38;
	[tilespmem:$0xCF80] =	vst v63  }
0x54: {  	s7 =	simm.s32 @!p0 $0x4  }
0x55: {  	_ =	swait.ge @!p0 [sflag:s7], $0x1000  }
0x56: {  	[sflag:s7] =	ssyncset.done @!p0 $0x0;
	s24 =	sld [smem:$0x7FA]  }
0x57: {  	s8 =	simm.s32 @!p2 $0x900;
	[sflag:s7] =	ssyncadd.s32 @!p0 $0xFFFFF000;
	s7 =	simm.s32 @!p2 $0x80  }
0x58: {  	[tilespmem:s4], [sflag:$0x1] =	stream.indirect.gather @!p2 [hbm4b:s2+s7], $0x80, s8, s7, $0xb8;
	[tilespmem:$0xCF80] =	vst v63  }
0x59: {  	p0 =	seq.s32 s24, $0x1  }
0x5a: {  	s7 =	simm.s32 @!p0 $0x20;
	s8 =	simm.s32 @!p0 $0x900;
	s9 =	simm.s32 @!p0 $0xF80  }
0x5b: {  	[tilespmem:s9], [sflag:$0x1] =	stream.indirect.gather @!p0 [hbm4b:s2+s7], $0x80, s8, s7, $0xb8;
	[tilespmem:$0xCF80] =	vst v63  }
0x5c: {  	s7 =	simm.s32 @!p2 $0x2  }
0x5d: {  	_ =	swait.ge @!p2 [sflag:s7], $0x4000  }
0x5e: {  	[sflag:s7] =	ssyncset.done @!p2 $0x0  }
0x5f: {  	s8 =	rddreg [dreg:$0xe];
	[sflag:s7] =	ssyncadd.s32 @!p2 $0xFFFFC000;
	s7 =	simm.s32 @!p2 $0x4F80  }
0x60: {  	[hbm4b:s8+s1] =	stream.linear.scatter @!p2 [tilespmem:s7], [sflag:$0x4], $0x4000, $0x38;
	[tilespmem:$0xCF80] =	vst v63  }
0x61: {  	_ =	swait.ge @!p2 [sflag:s6], $0x4000  }
0x62: {  	[sflag:s6] =	ssyncset.done @!p2 $0x0  }
0x63: {  	s7 =	simm.s32 @!p2 $0x3;
	[sflag:s6] =	ssyncadd.s32 @!p2 $0xFFFFC000  }
0x64: {  	_ =	swait.ge @!p2 [sflag:s7], $0x4000  }
0x65: {  	s25 =	sld [smem:$0x7FB];
	_ =	sdelay $0x2  }
0x66: {  	[sflag:s7] =	ssyncset.done @!p2 $0x0;
	p1 =	seq.s32 s25, $0x1  }
0x67: {  	[sflag:s7] =	ssyncadd.s32 @!p2 $0xFFFFC000;
	s7 =	simm.s32 @!p1 $0x3  }
0x68: {  	_ =	swait.ge @!p1 [sflag:s7], $0x1000  }
0x69: {  	[sflag:s7] =	ssyncset.done @!p1 $0x0  }
0x6a: {  	s8 =	rddreg [dreg:$0xf];
	[sflag:s7] =	ssyncadd.s32 @!p1 $0xFFFFF000;
	s7 =	simm.s32 @!p2 $0x8F80  }
0x6b: {  	[hbm4b:s8+s1] =	stream.linear.scatter @!p2 [tilespmem:s7], [sflag:$0x4], $0x4000, $0x38;
	[tilespmem:$0xCF80] =	vst v63  }
0x6c: {  	_ =	swait.ge @!p2 [sflag:s6], $0x4000  }
0x6d: {  	[sflag:s6] =	ssyncset.done @!p2 $0x0  }
0x6e: {  	s7 =	simm.s32 @!p1 $0x0;
	s8 =	simm.s32 @!p1 $0x8F80;
	[sflag:s6] =	ssyncadd.s32 @!p2 $0xFFFFC000  }
0x6f: {  	[hbm4b:s5+s7] =	stream.linear.scatter @!p1 [tilespmem:s8], [sflag:$0x4], $0x1000, $0x38;
	[tilespmem:$0xCF80] =	vst v63  }
0x70: {  	s7 =	simm.s32 @!p1 $0x4  }
0x71: {  	_ =	swait.ge @!p1 [sflag:s7], $0x1000  }
0x72: {  	[sflag:s7] =	ssyncset.done @!p1 $0x0  }
0x73: {  	[sflag:s7] =	ssyncadd.s32 @!p1 $0xFFFFF000  }
0x74: {  	_ =	swait.ge @!p2 [sflag:s0], $0x4000  }
0x75: {  	[sflag:s0] =	ssyncset.done @!p2 $0x0  }
0x76: {  	[sflag:s0] =	ssyncadd.s32 @!p2 $0xFFFFC000;
	s0 =	simm.s32 @!p0 $0x1  }
0x77: {  	_ =	swait.ge @!p0 [sflag:s0], $0x1000  }
0x78: {  	[sflag:s0] =	ssyncset.done @!p0 $0x0  }
0x79: {  	[sflag:s0] =	ssyncadd.s32 @!p0 $0xFFFFF000;
	s0 =	rddreg [dreg:$0x10]  }
0x7a: {  	[hbm4b:s0+s1] =	stream.linear.scatter @!p2 [tilespmem:s4], [sflag:$0x4], $0x4000, $0x38;
	[tilespmem:$0xCF80] =	vst v63  }
0x7b: {  	_ =	swait.ge @!p2 [sflag:s6], $0x4000  }
0x7c: {  	[sflag:s6] =	ssyncset.done @!p2 $0x0  }
0x7d: {  	s0 =	simm.s32 @!p0 $0x0;
	[sflag:s6] =	ssyncadd.s32 @!p2 $0xFFFFC000  }
0x7e: {  	[hbm4b:s5+s0] =	stream.linear.scatter @!p0 [tilespmem:s9], [sflag:$0x4], $0x1000, $0x38;
	[tilespmem:$0xCF80] =	vst v63  }
0x7f: {  	s0 =	simm.s32 @!p0 $0x4  }
0x80: {  	_ =	swait.ge @!p0 [sflag:s0], $0x1000  }
0x81: {  	s31 =	sld [smem:$0x7FC]  }
0x82: {  	s10 =	simm.s32 $0x4F80;
	s11 =	simm.s32 $0x8F80  }
0x83: {  	s9 =	simm.s32 $0xF80;
	[sflag:s0] =	ssyncset.done @!p0 $0x0;
	s4 =	rddreg [dreg:$0x11]  }
0x84: {  	s12 =	rddreg [dreg:$0x13];
	[sflag:s0] =	ssyncadd.s32 @!p0 $0xFFFFF000;
	p1 =	seq.s32 s31, $0x1  }
.LBB2_8:
0x85: {  	s12 =	sadd.s32 $0x1, s12  }
0x86: {  	p0 =	sne.s32 s12, s4  }
.Ltmp1:
0x87: {  	_ = 	snop;
	(pc) =	sbr.rel @!p0 .LBB2_9-.Ltmp1, $1  }
0x88: {  	_ =	sdelay $0x3  }
.LBB2_1:
.Ltmp2:
0x89: {  	(pc) =	sbr.rel @!p1 .LBB2_2-.Ltmp2, $1  }
0x8a: {  	_ =	sdelay $0x3  }
0x8b: {  	s1 =	simm.s32 @p2 $0x0;
	s0 =	rddreg [dreg:$0xb]  }
0x8c: {  	[tilespmem:s1], [sflag:$0x4] =	stream.linear.gather @p2 [hbm4b:s0+s1], $0x20, $0x38;
	[tilespmem:$0xCF80] =	vst v63  }
0x8d: {  	[dreg:$0x13] =	wrdreg s12;
	s1 =	simm.s32 @p2 $0x4  }
0x8e: {  	_ =	swait.ge @p2 [sflag:s1], $0x20  }
0x8f: {  	s6 =	simm.s32 @!p2 $0x4;
	[sflag:s1] =	ssyncset.done @p2 $0x0  }
0x90: {  	s0 =	rddreg [dreg:$0xa];
	[sflag:s1] =	ssyncadd.s32 @p2 $0xFFFFFFE0;
	s1 =	simm.s32 @!p2 $0x0  }
0x91: {  	[tilespmem:s1], [sflag:$0x4] =	stream.linear.gather @!p2 [hbm4b:s0+s1], $0x980, $0x38;
	[tilespmem:$0xCF80] =	vst v63  }
0x92: {  	_ =	swait.ge @!p2 [sflag:s6], $0x980  }
0x93: {  	s7 =	simm.s32 @!p2 $0xF80;
	[sflag:s6] =	ssyncset.done @!p2 $0x0;
	s20 =	sld [smem:$0x7F8]  }
0x94: {  	s24 =	sadd.s32 $0x0, s26;
	[sflag:s6] =	ssyncadd.s32 @!p2 $0xFFFFF680;
	s6 =	simm.s32 @!p2 $0x80  }
0x95: {  	[tilespmem:s7], [sflag:$0x1] =	stream.indirect.gather @!p2 [hbm4b:s2+s6], $0x80, s1, s6, $0xb8;
	[tilespmem:$0xCF80] =	vst v63  }
0x96: {  	s25 =	simm.s32 $0x0;
	s23 =	rddreg [dreg:$0xc];
	p0 =	seq.s32 s20, $0x1  }
0x97: {  	s1 =	simm.s32 @!p0 $0x20;
	s7 =	simm.s32 @!p0 $0x0;
	s8 =	simm.s32 @!p0 $0xF80  }
0x98: {  	[tilespmem:s8], [sflag:$0x1] =	stream.indirect.gather @!p0 [hbm4b:s2+s1], $0x80, s7, s1, $0xb8;
	[tilespmem:$0xCF80] =	vst v63  }
0x99: {  	s31 =	simm.s32 $0x1800;
	s10 =	sadd.s32 $0xFFFFFFFF, s23;
	s1 =	simm.s32 @!p2 $0x4F80  }
0x9a: {  	[tilespmem:s1], [sflag:$0x2] =	stream.indirect.gather @!p2 [hbm4b:s2+s6], $0x80, s6, s6, $0xb8;
	[tilespmem:$0xCF80] =	vst v63  }
0x9b: {  	p6 =	slt.u32 s10, $0x30D;
	s7 =	simm.s32 @!p2 $0x8F80;
	s1 =	simm.s32 @!p2 $0x100  }
0x9c: {  	[tilespmem:s7], [sflag:$0x3] =	stream.indirect.gather @!p2 [hbm4b:s2+s6], $0x80, s1, s6, $0xb8;
	[tilespmem:$0xCF80] =	vst v63  }
0x9d: {  	s14 =	simm.s32 @p6 $0x4F80;
	s17 =	simm.s32 @p6 $0x4;
	s1 =	sadd.s32 $0xFFFFFFFE, s23  }
0x9e: {  	s20 =	simm.s32 @p6 $0x2;
	s8 =	sadd.s32 $0xFFF71800, s24;
	p2 =	slt.u32 s1, $0x30D  }
0x9f: {  	s7 =	sadd.s32 $0xFFF73000, s24;
	s6 =	sadd.s32 $0xFFF73800, s24;
	p0 =	sgt.u32 @p2 s1, $0x309  }
0xa0: {  	s1 =	simm.s32 $0x280;
	p3 =	sne.s32 @!p2 s8, $0x0;
	s8 =	sadd.s32 $0xFFF72000, s24  }
0xa1: {  	s9 =	simm.s32 @p2 $0x1;
	s11 =	simm.s32 @p2 $0x4;
	p1 =	por !p0, !p2  }
0xa2: {  	s13 =	simm.s32 @p2 $0xF80;
	_ =	swait.ge @p2 [sflag:s9], $0x4000;
	p1 =	sne.s32 @!p1 s7, $0x0  }
0xa3: {  	s7 =	sadd.s32 @p2 $0x0, s15;
	[sflag:s9] =	ssyncset.done @p2 $0x0;
	p1 =	por @p2 p1, !p0  }
0xa4: {  	s7 =	sadd.s32 @p2 $0xF8000, s7;
	[sflag:s9] =	ssyncadd.s32 @p2 $0xFFFFC000;
	s9 =	simm.s32 @p2 $0x0  }
0xa5: {  	[hbm4b:s7+s9] =	stream.linear.scatter @p2 [tilespmem:s13], [sflag:$0x4], $0x4000, $0x38;
	[tilespmem:$0xCF80] =	vst v63  }
0xa6: {  	p3 =	por p3, p2;
	p0 =	por p0, !p2;
	p4 =	por p1, !p2  }
0xa7: {  	p1 =	sgt.u32 @p6 s10, $0x309;
	s13 =	simm.s32 @!p3 $0x1;
	_ =	swait.ge @p2 [sflag:s11], $0x4000  }
0xa8: {  	s7 =	simm.s32 @!p4 $0x180;
	s9 =	simm.s32 @!p4 $0x20;
	p5 =	por p1, !p6  }
0xa9: {  	s10 =	simm.s32 @!p4 $0xF80;
	[sflag:s11] =	ssyncset.done @p2 $0x0;
	s19 =	simm.s32 @!p5 $0x200  }
0xaa: {  	[sflag:s11] =	ssyncadd.s32 @p2 $0xFFFFC000;
	p2 =	por !p1, !p6;
	s11 =	simm.s32 @p6 $0x0  }
0xab: {  	[tilespmem:s10], [sflag:$0x1] =	stream.indirect.gather @!p4 [hbm4b:s2+s9], $0x80, s7, s9, $0xb8;
	[tilespmem:$0xCF80] =	vst v63  }
0xac: {  	p4 =	sne.s32 @!p6 s8, $0x0;
	s7 =	sadd.s32 @p6 $0x0, s15;
	p2 =	sne.s32 @!p2 s6, $0x0  }
0xad: {  	s6 =	simm.s32 @!p0 $0xF80;
	s8 =	simm.s32 @!p0 $0x80;
	s10 =	simm.s32 @!p3 $0x4  }
0xae: {  	s9 =	sadd.s32 @p6 $0xF8800, s7;
	p2 =	por @p6 p2, !p1;
	s7 =	simm.s32 @!p0 $0x180  }
0xaf: {  	[tilespmem:s6], [sflag:$0x1] =	stream.indirect.gather @!p0 [hbm4b:s2+s8], $0x80, s7, s8, $0xb8;
	[tilespmem:$0xCF80] =	vst v63  }
0xb0: {  	p1 =	por p4, p6;
	p2 =	por p2, !p6;
	_ =	swait.ge @!p3 [sflag:s13], $0x1000  }
0xb1: {  	s8 =	simm.s32 @!p3 $0xF80;
	s6 =	sadd.s32 $0x3, s23;
	[sflag:s13] =	ssyncset.done @!p3 $0x0  }
0xb2: {  	s7 =	simm.s32 $0x400;
	[sflag:s13] =	ssyncadd.s32 @!p3 $0xFFFFF000;
	s13 =	simm.s32 @!p3 $0x0  }
0xb3: {  	[hbm4b:s5+s13] =	stream.linear.scatter @!p3 [tilespmem:s8], [sflag:$0x4], $0x1000, $0x38;
	[tilespmem:$0xCF80] =	vst v63  }
0xb4: {  	p0 =	slt.u32 s23, $0x30D;
	s18 =	simm.s32 @!p2 $0x4F80;
	_ =	swait.ge @!p3 [sflag:s10], $0x1000  }
0xb5: {  	s8 =	simm.s32 @p0 $0x4;
	s13 =	smov.u32 s23;
	[sflag:s10] =	ssyncset.done @!p3 $0x0  }
.LBB2_6:
0xb6: {  	[sflag:s10] =	ssyncadd.s32 @!p3 $0xFFFFF000;
	p3 =	sgt.u32 @p0 s13, $0x309  }
0xb7: {  	s0 =	simm.s32 @!p3 $0x0  }
0xb8: {  	s4 =	simm.s32 @!p5 $0x4F80;
	s10 =	smov.u32 s31;
	s0 =	simm.s32 @p3 $0x1  }
0xb9: {  	s16 =	simm.s32 @p0 $0x0;
	p4 =	por !p3, !p0;
	[smem:$0x7F1] =	sst s0  }
0xba: {  	s23 =	simm.s32 @!p2 $0x20;
	s12 =	simm.s32 @!p4 $0x0;
	_ =	swait.ge @p6 [sflag:s20], $0x4000  }
0xbb: {  	s24 =	sadd.s32 s31, s26;
	s12 =	simm.s32 @p4 $0x1;
	[sflag:s20] =	ssyncset.done @p6 $0x0  }
0xbc: {  	s0 =	simm.s32 @!p5 $0x80;
	[smem:$0x7F2] =	sst s12;
	[sflag:s20] =	ssyncadd.s32 @p6 $0xFFFFC000  }
0xbd: {  	[hbm4b:s9+s11] =	stream.linear.scatter @p6 [tilespmem:s14], [sflag:$0x4], $0x4000, $0x38;
	[tilespmem:$0xCF80] =	vst v63  }
0xbe: {  	p4 =	por p2, p2;
	s12 =	sadd.s32 $0xFFFFFFFE, s6;
	_ =	swait.ge @p6 [sflag:s17], $0x4000  }
0xbf: {  	s20 =	sadd.s32 @!p2 $0xFFFFFF80, s1;
	p3 =	slt.u32 s12, $0x30D;
	[sflag:s17] =	ssyncset.done @p6 $0x0  }
0xc0: {  	p2 =	sgt.u32 @p3 s12, $0x309;
	s12 =	sadd.s32 $0xFFF71800, s24;
	[sflag:s17] =	ssyncadd.s32 @p6 $0xFFFFC000  }
0xc1: {  	[tilespmem:s18], [sflag:$0x2] =	stream.indirect.gather @!p4 [hbm4b:s2+s23], $0x80, s20, s23, $0xb8;
	[tilespmem:$0xCF80] =	vst v63  }
0xc2: {  	s9 =	simm.s32 @p0 $0x3;
	s11 =	simm.s32 @!p1 $0x2;
	p4 =	sne.s32 @!p3 s12, $0x0  }
0xc3: {  	[tilespmem:s4], [sflag:$0x2] =	stream.indirect.gather @!p5 [hbm4b:s2+s0], $0x80, s19, s0, $0xb8;
	[tilespmem:$0xCF80] =	vst v63  }
0xc4: {  	p6 =	por !p2, !p3;
	s0 =	sadd.s32 $0xFFF73000, s24;
	s4 =	simm.s32 @!p4 $0x0  }
0xc5: {  	s14 =	simm.s32 @!p1 $0x4F80;
	s4 =	simm.s32 @p4 $0x1;
	p5 =	sne.s32 @!p6 s0, $0x0  }
0xc6: {  	s0 =	simm.s32 @!p1 $0x0;
	[smem:$0x7F5] =	sst s4;
	p4 =	por @p3 p5, !p2  }
0xc7: {  	p2 =	por p2, !p3;
	_ =	swait.ge @!p1 [sflag:s11], $0x1000;
	s4 =	simm.s32 @!p4 $0x0  }
0xc8: {  	s12 =	simm.s32 @!p2 $0x0;
	[sflag:s11] =	ssyncset.done @!p1 $0x0;
	s4 =	simm.s32 @p4 $0x1  }
0xc9: {  	[smem:$0x7F3] =	sst s4;
	[sflag:s11] =	ssyncadd.s32 @!p1 $0xFFFFF000;
	s4 =	simm.s32 @!p1 $0x4  }
0xca: {  	[hbm4b:s5+s0] =	stream.linear.scatter @!p1 [tilespmem:s14], [sflag:$0x4], $0x1000, $0x38;
	[tilespmem:$0xCF80] =	vst v63  }
0xcb: {  	s17 =	sadd.s32 @p3 s31, s15;
	s12 =	simm.s32 @p2 $0x1;
	_ =	swait.ge @!p1 [sflag:s4], $0x1000  }
0xcc: {  	s31 =	sadd.s32 $0x1800, s31;
	s18 =	sadd.s32 $0xFFF73800, s24;
	[smem:$0x7F4] =	sst s12  }
0xcd: {  	s11 =	simm.s32 @p0 $0x8F80;
	[sflag:s4] =	ssyncset.done @!p1 $0x0;
	s23 =	sld [smem:$0x7F1]  }
0xce: {  	s0 =	sadd.s32 @p0 s25, s15;
	s20 =	rddreg [dreg:$0x4];
	[sflag:s4] =	ssyncadd.s32 @!p1 $0xFFFFF000  }
0xcf: {  	s0 =	sadd.s32 @p0 $0xF9000, s0;
	s12 =	sadd.s32 s25, s20;
	_ =	swait.ge @p0 [sflag:s9], $0x4000  }
0xd0: {  	p4 =	seq.s32 s23, $0x1;
	[sflag:s9] =	ssyncset.done @p0 $0x0;
	s25 =	sld [smem:$0x7F2]  }
0xd1: {  	s4 =	sadd.s32 $0xFFF72000, s24;
	p1 =	por p4, !p0;
	[sflag:s9] =	ssyncadd.s32 @p0 $0xFFFFC000  }
0xd2: {  	[hbm4b:s0+s16] =	stream.linear.scatter @p0 [tilespmem:s11], [sflag:$0x4], $0x4000, $0x38;
	[tilespmem:$0xCF80] =	vst v63  }
0xd3: {  	s9 =	sadd.s32 $0xFFFFFFFF, s6;
	s14 =	simm.s32 @!p1 $0x8F80;
	p2 =	seq.s32 s25, $0x1  }
0xd4: {  	_ =	swait.ge @p0 [sflag:s8], $0x4000;
	p6 =	sne.s32 @!p2 s12, $0xFFFFD800;
	p2 =	sne.s32 @!p0 s12, $0xFFFFF000  }
0xd5: {  	[sflag:s8] =	ssyncset.done @p0 $0x0;
	p4 =	por @p0 p6, !p4;
	p6 =	slt.u32 s9, $0x30D  }
0xd6: {  	[sflag:s8] =	ssyncadd.s32 @p0 $0xFFFFC000;
	p4 =	por p4, !p0;
	p5 =	sne.s32 @!p6 s4, $0x0  }
0xd7: {  	s0 =	simm.s32 @!p4 $0x20;
	s11 =	simm.s32 @!p4 $0x8F80;
	s4 =	simm.s32 @!p5 $0x0  }
0xd8: {  	[tilespmem:s11], [sflag:$0x3] =	stream.indirect.gather @!p4 [hbm4b:s2+s0], $0x80, s1, s0, $0xb8;
	[tilespmem:$0xCF80] =	vst v63  }
0xd9: {  	s16 =	sadd.s32 @p3 $0xF8000, s17;
	s4 =	simm.s32 @p5 $0x1;
	p4 =	por p2, p0  }
0xda: {  	s12 =	simm.s32 @!p1 $0x80;
	[smem:$0x7F6] =	sst s4;
	s4 =	simm.s32 @!p4 $0x3  }
0xdb: {  	[tilespmem:s14], [sflag:$0x3] =	stream.indirect.gather @!p1 [hbm4b:s2+s12], $0x80, s1, s12, $0xb8;
	[tilespmem:$0xCF80] =	vst v63  }
0xdc: {  	s0 =	sadd.s32 @p6 s10, s15;
	p0 =	sgt.u32 @p6 s9, $0x309;
	_ =	swait.ge @!p4 [sflag:s4], $0x1000  }
0xdd: {  	s8 =	simm.s32 @!p4 $0x8F80;
	s9 =	sadd.s32 @p6 $0xF8800, s0;
	[sflag:s4] =	ssyncset.done @!p4 $0x0  }
0xde: {  	s0 =	simm.s32 @!p4 $0x0;
	[sflag:s4] =	ssyncadd.s32 @!p4 $0xFFFFF000;
	s4 =	simm.s32 @!p4 $0x4  }
0xdf: {  	[hbm4b:s5+s0] =	stream.linear.scatter @!p4 [tilespmem:s8], [sflag:$0x4], $0x1000, $0x38;
	[tilespmem:$0xCF80] =	vst v63  }
0xe0: {  	s25 =	smov.u32 s10;
	s10 =	simm.s32 @p3 $0xF80;
	_ =	swait.ge @!p4 [sflag:s4], $0x1000  }
0xe1: {  	p1 =	por !p0, !p6;
	s1 =	simm.s32 @p3 $0x1;
	[sflag:s4] =	ssyncset.done @!p4 $0x0  }
0xe2: {  	p1 =	sne.s32 @!p1 s18, $0x0;
	[sflag:s4] =	ssyncadd.s32 @!p4 $0xFFFFF000;
	p4 =	sne.s32 s31, $0x7800  }
0xe3: {  	s18 =	sld [smem:$0x7F3];
	_ =	swait.ge @p3 [sflag:s1], $0x4000;
	s12 =	simm.s32 @!p4 $0x0  }
0xe4: {  	s4 =	simm.s32 @p3 $0x4;
	[sflag:s1] =	ssyncset.done @p3 $0x0;
	s12 =	simm.s32 @p4 $0x1  }
0xe5: {  	[smem:$0x7F7] =	sst s12;
	[sflag:s1] =	ssyncadd.s32 @p3 $0xFFFFC000;
	s1 =	simm.s32 @p3 $0x0  }
0xe6: {  	[hbm4b:s16+s1] =	stream.linear.scatter @p3 [tilespmem:s10], [sflag:$0x4], $0x4000, $0x38;
	[tilespmem:$0xCF80] =	vst v63  }
0xe7: {  	p5 =	seq.s32 s18, $0x1;
	_ =	swait.ge @p3 [sflag:s4], $0x4000  }
0xe8: {  	p2 =	por @p6 p1, !p0;
	p1 =	por p5, !p3;
	s19 =	sld [smem:$0x7F4]  }
0xe9: {  	s0 =	sadd.s32 @!p1 $0xFFFFFF00, s7;
	[sflag:s4] =	ssyncset.done @p3 $0x0;
	s20 =	sld [smem:$0x7F5]  }
0xea: {  	s8 =	simm.s32 @!p1 $0x20;
	s10 =	simm.s32 @!p1 $0xF80;
	[sflag:s4] =	ssyncadd.s32 @p3 $0xFFFFC000  }
0xeb: {  	[tilespmem:s10], [sflag:$0x1] =	stream.indirect.gather @!p1 [hbm4b:s2+s8], $0x80, s0, s8, $0xb8;
	[tilespmem:$0xCF80] =	vst v63  }
0xec: {  	p5 =	seq.s32 s19, $0x1;
	p4 =	seq.s32 s20, $0x1  }
0xed: {  	s4 =	simm.s32 @!p5 $0xF80;
	p3 =	por p4, p3  }
0xee: {  	s0 =	sadd.s32 @!p5 $0xFFFFFF00, s7;
	s8 =	simm.s32 @!p5 $0x80;
	s12 =	simm.s32 @!p3 $0x1  }
0xef: {  	[tilespmem:s4], [sflag:$0x1] =	stream.indirect.gather @!p5 [hbm4b:s2+s8], $0x80, s0, s8, $0xb8;
	[tilespmem:$0xCF80] =	vst v63  }
0xf0: {  	_ =	swait.ge @!p3 [sflag:s12], $0x1000  }
0xf1: {  	s0 =	simm.s32 @!p3 $0xF80;
	[sflag:s12] =	ssyncset.done @!p3 $0x0  }
0xf2: {  	s10 =	simm.s32 @!p3 $0x4;
	s4 =	simm.s32 @!p3 $0x0;
	[sflag:s12] =	ssyncadd.s32 @!p3 $0xFFFFF000  }
0xf3: {  	[hbm4b:s5+s4] =	stream.linear.scatter @!p3 [tilespmem:s0], [sflag:$0x4], $0x1000, $0x38;
	[tilespmem:$0xCF80] =	vst v63  }
0xf4: {  	_ =	swait.ge @!p3 [sflag:s10], $0x1000  }
0xf5: {  	s23 =	sld [smem:$0x7F6]  }
0xf6: {  	s24 =	sld [smem:$0x7F7];
	_ =	sdelay $0x1  }
0xf7: {  	p4 =	seq.s32 s23, $0x1  }
0xf8: {  	s13 =	smov.u32 s6;
	p1 =	por p4, p6;
	p4 =	seq.s32 s24, $0x1  }
.Ltmp3:
0xf9: {  	s6 =	sadd.s32 $0x3, s6;
	s17 =	simm.s32 @p6 $0x4;
	(pc) =	sbr.rel @p4 .LBB2_6-.Ltmp3, $4  }
0xfa: {  	s11 =	simm.s32 @p6 $0x0;
	s14 =	simm.s32 @p6 $0x4F80;
	p2 =	por p2, !p6  }
0xfb: {  	s18 =	simm.s32 @!p2 $0x4F80;
	s1 =	smov.u32 s7;
	s20 =	simm.s32 @p6 $0x2  }
0xfc: {  	s7 =	sadd.s32 $0x180, s7;
	p5 =	por p0, !p6;
	p0 =	slt.u32 s13, $0x30D  }
0xfd: {  	s19 =	sadd.s32 @!p5 $0xFFFFFF80, s1;
	s8 =	simm.s32 @p0 $0x4;
	[sflag:s10] =	ssyncset.done @!p3 $0x0  }
.Ltmp4:
0xfe: {  	_ = 	snop;
	(pc) =	sbr.rel .LBB2_7-.Ltmp4, $1  }
0xff: {  	_ =	sdelay $0x3  }
.LBB2_2:
0x100: {  	s1 =	simm.s32 $0x0;
	s0 =	rddreg [dreg:$0x5]  }
0x101: {  	[tilespmem:s1], [sflag:$0x4] =	stream.linear.gather [hbm4b:s0+s1], $0xF80, $0x38;
	[tilespmem:$0xCF80] =	vst v63  }
0x102: {  	_ =	swait.ge [sflag:s21], $0xF80  }
0x103: {  	[sflag:s21] =	ssyncset.done $0x0  }
0x104: {  	[sflag:s21] =	ssyncadd.s32 $0xFFFFF080  }
0x105: {  	[tilespmem:s9], [sflag:$0x1] =	stream.indirect.gather [hbm4b:s2+s22], $0x80, s1, s22, $0xb8;
	[tilespmem:$0xCF80] =	vst v63  }
0x106: {  	_ = 	snop  }
0x107: {  	[tilespmem:s10], [sflag:$0x2] =	stream.indirect.gather [hbm4b:s2+s22], $0x80, s22, s22, $0xb8;
	[tilespmem:$0xCF80] =	vst v63  }
0x108: {  	s19 =	simm.s32 $0x100  }
0x109: {  	[tilespmem:s11], [sflag:$0x3] =	stream.indirect.gather [hbm4b:s2+s22], $0x80, s19, s22, $0xb8;
	[tilespmem:$0xCF80] =	vst v63  }
0x10a: {  	_ =	swait.ge [sflag:s28], $0x4000  }
0x10b: {  	[sflag:s28] =	ssyncset.done $0x0;
	s20 =	rddreg [dreg:$0x12]  }
0x10c: {  	[sflag:s28] =	ssyncadd.s32 $0xFFFFC000;
	s23 =	sadd.s32 $0xFFFFF000, s20  }
0x10d: {  	[hbm4b:s23+s3] =	stream.linear.scatter [tilespmem:s9], [sflag:$0x4], $0x4000, $0x38;
	[tilespmem:$0xCF80] =	vst v63  }
0x10e: {  	_ =	swait.ge [sflag:s21], $0x4000  }
0x10f: {  	[sflag:s21] =	ssyncset.done $0x0  }
0x110: {  	s24 =	simm.s32 $0x180;
	[sflag:s21] =	ssyncadd.s32 $0xFFFFC000  }
0x111: {  	[tilespmem:s9], [sflag:$0x1] =	stream.indirect.gather [hbm4b:s2+s22], $0x80, s24, s22, $0xb8;
	[tilespmem:$0xCF80] =	vst v63  }
0x112: {  	_ =	swait.ge [sflag:s29], $0x4000  }
0x113: {  	[sflag:s29] =	ssyncset.done $0x0  }
0x114: {  	s25 =	sadd.s32 $0xFFFFF800, s20;
	[sflag:s29] =	ssyncadd.s32 $0xFFFFC000  }
0x115: {  	[hbm4b:s25+s3] =	stream.linear.scatter [tilespmem:s10], [sflag:$0x4], $0x4000, $0x38;
	[tilespmem:$0xCF80] =	vst v63  }
0x116: {  	_ =	swait.ge [sflag:s21], $0x4000  }
0x117: {  	[sflag:s21] =	ssyncset.done $0x0  }
0x118: {  	s31 =	simm.s32 $0x200;
	[sflag:s21] =	ssyncadd.s32 $0xFFFFC000  }
0x119: {  	[tilespmem:s10], [sflag:$0x2] =	stream.indirect.gather [hbm4b:s2+s22], $0x80, s31, s22, $0xb8;
	[tilespmem:$0xCF80] =	vst v63  }
0x11a: {  	_ =	swait.ge [sflag:s30], $0x4000  }
0x11b: {  	[sflag:s30] =	ssyncset.done $0x0  }
0x11c: {  	[sflag:s30] =	ssyncadd.s32 $0xFFFFC000  }
0x11d: {  	[hbm4b:s20+s3] =	stream.linear.scatter [tilespmem:s11], [sflag:$0x4], $0x4000, $0x38;
	[tilespmem:$0xCF80] =	vst v63  }
0x11e: {  	_ =	swait.ge [sflag:s21], $0x4000  }
0x11f: {  	s7 =	simm.s32 $0x280;
	[sflag:s21] =	ssyncset.done $0x0  }
0x120: {  	s1 =	simm.s32 $0x600;
	s6 =	sadd.s32 $0x1800, s20;
	[sflag:s21] =	ssyncadd.s32 $0xFFFFC000  }
.LBB2_3:
0x121: {  	[tilespmem:s11], [sflag:$0x3] =	stream.indirect.gather [hbm4b:s2+s22], $0x80, s7, s22, $0xb8;
	[tilespmem:$0xCF80] =	vst v63  }
0x122: {  	s7 =	smov.u32 s1  }
0x123: {  	p0 =	sne.s32 s1, $0x3000;
	s1 =	sadd.s32 $0x600, s1;
	_ =	swait.ge [sflag:s28], $0x4000  }
0x124: {  	[sflag:s28] =	ssyncset.done $0x0  }
0x125: {  	s8 =	sadd.s32 $0xFFFFF000, s6;
	[sflag:s28] =	ssyncadd.s32 $0xFFFFC000  }
0x126: {  	[hbm4b:s8+s3] =	stream.linear.scatter [tilespmem:s9], [sflag:$0x4], $0x4000, $0x38;
	[tilespmem:$0xCF80] =	vst v63  }
0x127: {  	_ =	swait.ge [sflag:s21], $0x4000  }
0x128: {  	s7 =	sshra.s32 s7, $0x2;
	[sflag:s21] =	ssyncset.done $0x0  }
0x129: {  	s8 =	sadd.s32 $0x180, s7;
	[sflag:s21] =	ssyncadd.s32 $0xFFFFC000  }
0x12a: {  	[tilespmem:s9], [sflag:$0x1] =	stream.indirect.gather [hbm4b:s2+s22], $0x80, s8, s22, $0xb8;
	[tilespmem:$0xCF80] =	vst v63  }
0x12b: {  	_ =	swait.ge [sflag:s29], $0x4000  }
0x12c: {  	[sflag:s29] =	ssyncset.done $0x0  }
0x12d: {  	s8 =	sadd.s32 $0xFFFFF800, s6;
	[sflag:s29] =	ssyncadd.s32 $0xFFFFC000  }
0x12e: {  	[hbm4b:s8+s3] =	stream.linear.scatter [tilespmem:s10], [sflag:$0x4], $0x4000, $0x38;
	[tilespmem:$0xCF80] =	vst v63  }
0x12f: {  	_ =	swait.ge [sflag:s21], $0x4000  }
0x130: {  	[sflag:s21] =	ssyncset.done $0x0  }
0x131: {  	s8 =	sadd.s32 $0x200, s7;
	[sflag:s21] =	ssyncadd.s32 $0xFFFFC000  }
0x132: {  	[tilespmem:s10], [sflag:$0x2] =	stream.indirect.gather [hbm4b:s2+s22], $0x80, s8, s22, $0xb8;
	[tilespmem:$0xCF80] =	vst v63  }
0x133: {  	_ =	swait.ge [sflag:s30], $0x4000  }
0x134: {  	[sflag:s30] =	ssyncset.done $0x0  }
.Ltmp5:
0x135: {  	[sflag:s30] =	ssyncadd.s32 $0xFFFFC000;
	(pc) =	sbr.rel @p0 .LBB2_3-.Ltmp5, $4  }
0x136: {  	[hbm4b:s6+s3] =	stream.linear.scatter [tilespmem:s11], [sflag:$0x4], $0x4000, $0x38;
	[tilespmem:$0xCF80] =	vst v63  }
0x137: {  	_ =	swait.ge [sflag:s21], $0x4000  }
0x138: {  	[sflag:s21] =	ssyncset.done $0x0  }
0x139: {  	s7 =	sadd.s32 $0x280, s7;
	s6 =	sadd.s32 $0x1800, s6;
	[sflag:s21] =	ssyncadd.s32 $0xFFFFC000  }
0x13a: {  	[tilespmem:s11], [sflag:$0x3] =	stream.indirect.gather [hbm4b:s2+s22], $0x80, s7, s22, $0xb8;
	[tilespmem:$0xCF80] =	vst v63  }
0x13b: {  	_ =	swait.ge [sflag:s28], $0x4000  }
0x13c: {  	[sflag:s28] =	ssyncset.done $0x0  }
0x13d: {  	s0 =	rddreg [dreg:$0x6];
	[sflag:s28] =	ssyncadd.s32 $0xFFFFC000  }
0x13e: {  	[hbm4b:s0+s3] =	stream.linear.scatter [tilespmem:s9], [sflag:$0x4], $0x4000, $0x38;
	[tilespmem:$0xCF80] =	vst v63  }
0x13f: {  	_ =	swait.ge [sflag:s21], $0x4000  }
0x140: {  	[sflag:s21] =	ssyncset.done $0x0  }
0x141: {  	s23 =	simm.s32 $0xF00;
	[sflag:s21] =	ssyncadd.s32 $0xFFFFC000  }
0x142: {  	[tilespmem:s9], [sflag:$0x1] =	stream.indirect.gather [hbm4b:s2+s22], $0x80, s23, s22, $0xb8;
	[tilespmem:$0xCF80] =	vst v63  }
0x143: {  	_ =	swait.ge [sflag:s29], $0x4000  }
0x144: {  	[sflag:s29] =	ssyncset.done $0x0  }
0x145: {  	s24 =	rddreg [dreg:$0x7];
	[sflag:s29] =	ssyncadd.s32 $0xFFFFC000  }
0x146: {  	[hbm4b:s24+s3] =	stream.linear.scatter [tilespmem:s10], [sflag:$0x4], $0x4000, $0x38;
	[tilespmem:$0xCF80] =	vst v63  }
0x147: {  	_ =	swait.ge [sflag:s21], $0x4000  }
0x148: {  	[sflag:s21] =	ssyncset.done $0x0  }
0x149: {  	[sflag:s21] =	ssyncadd.s32 $0xFFFFC000  }
0x14a: {  	_ =	swait.ge [sflag:s30], $0x4000  }
0x14b: {  	[sflag:s30] =	ssyncset.done $0x0  }
0x14c: {  	s25 =	rddreg [dreg:$0x8];
	[sflag:s30] =	ssyncadd.s32 $0xFFFFC000  }
0x14d: {  	[hbm4b:s25+s3] =	stream.linear.scatter [tilespmem:s11], [sflag:$0x4], $0x4000, $0x38;
	[tilespmem:$0xCF80] =	vst v63  }
0x14e: {  	_ =	swait.ge [sflag:s21], $0x4000  }
0x14f: {  	[sflag:s21] =	ssyncset.done $0x0  }
0x150: {  	[sflag:s21] =	ssyncadd.s32 $0xFFFFC000  }
0x151: {  	_ =	swait.ge [sflag:s28], $0x4000  }
0x152: {  	[sflag:s28] =	ssyncset.done $0x0  }
.Ltmp6:
0x153: {  	s31 =	rddreg [dreg:$0x9];
	[sflag:s28] =	ssyncadd.s32 $0xFFFFC000;
	(pc) =	sbr.rel .LBB2_8-.Ltmp6, $4  }
0x154: {  	[hbm4b:s31+s3] =	stream.linear.scatter [tilespmem:s9], [sflag:$0x4], $0x4000, $0x38;
	[tilespmem:$0xCF80] =	vst v63  }
0x155: {  	_ =	swait.ge [sflag:s21], $0x4000  }
0x156: {  	[sflag:s21] =	ssyncset.done $0x0  }
0x157: {  	[sflag:s21] =	ssyncadd.s32 $0xFFFFC000  }
.LBB2_9:
0x158: {  	_ =	sfence.sel $0x180000  }
0x159: {  	[bflag:$0x0] =	sbarrier.arrive $0xFFFF  }
0x15a: {  	_ =	strace $0x90000047  }
0x15b: {  	s0 =	stileid.u32;
	[bflag:$0x2] =	sbarrier.arrive $0xFFFF  }
0x15c: {  	p0 =	sne.s32 s0, $0x0;
	s0 =	rddreg [dreg:$0x3]  }
0x15d: {  	s0 =	sadd.s32 @!p0 $0x100000, s0  }
0x15e: {  	[sflag:s0] =	ssyncadd.tile.s32 @!p0 $0x1;
	_ =	shalt  }
.Lfunc_end2:
_tile_overlayer_lowered:
.L_overlay_start_2:
0x15f: {  	(tag) =	ssettag $0x2  }
0x160: {  	s0 =	rddreg [dreg:$0x0];
	s2 =	stileid.u32  }
0x161: {  	s1 =	rddreg [dreg:$0x1];
	p0 =	sne.s32 s2, $0x0  }
0x162: {  	s3 =	rddreg [dreg:$0x2];
	[bflag:$0x3] =	sbarrier.arrive $0xFFFF;
	s2 =	simm.s32 @!p0 $0x1C04  }
0x163: {  	[timem:s3], [sflag:s2] =	dma.local @!p0 [hbm:s0], s1  }
0x164: {  	s0 =	simm.s32 @!p0 $0x4  }
0x165: {  	_ =	swait.ge @!p0 [sflag:s0], s1  }
0x166: {  	s1 =	ssub.s32 @!p0 $0x0, s1;
	[sflag:s0] =	ssyncset.done @!p0 $0x0  }
0x167: {  	[sflag:s0] =	ssyncadd.s32 @!p0 s1  }
0x168: {  	[bflag:$0x3] =	sbarrier.arrive $0xFFFF  }
0x169: {  	_ =	shalt  }

</sc_bundles>
